<compile_context>
chip_gen: v7x
topology: tpu7x:2x2x1
jax: 0.10.2.dev20260603
libtpu: 0.0.44.dev20260713+nightly
codegen_flags: <defaults>
</compile_context>

<pallas_src>
import functools

import jax
import jax.numpy as jnp
import numpy as np
from jax import lax
from jax.experimental import pallas as pl
from jax.experimental.pallas import tpu as pltpu
from jax.experimental.pallas import tpu_sc as plsc

N = 10000
E = 320000
H = 72
HP = 128
XP = 32
G = 64
SH_DIM = 16
N_BASIS = 10
MAX_RADIUS = 20.0
STEP = MAX_RADIUS / (N_BASIS - 1)
INV_SQRT_NEI = float(1.0 / np.sqrt(32.0))

HA = 80
CH = 640
CS = 512
IR = CH // 128
NCH = E // CH
IRS = CS // 128
NCS = E // CS
NC, NS = 2, 16
NW = NC * NS
BE = 6400

C_EMB = 16
C_X = 32


def _rsqrt_newton(r2):
    i = plsc.bitcast(r2, jnp.int32)
    y = plsc.bitcast(jnp.int32(0x5F3759DF) - (i >> 1), jnp.float32)
    for _ in range(3):
        y = y * (1.5 - 0.5 * r2 * y * y)
    return y


def _sc_geo_body(pos4_hbm, xp_hbm, ei2_hbm, pk_out,
                 pos4_v, idxb, geo, xs, sem):
    c = lax.axis_index("c")
    s = lax.axis_index("s")
    wid = s * NC + c
    pltpu.sync_copy(pos4_hbm, pos4_v)

    lane = lax.iota(jnp.int32, 16)
    s3, s5, s15 = np.sqrt(3.0), np.sqrt(5.0), np.sqrt(15.0)
    c35 = np.sqrt(35.0 / 8.0)
    c105 = np.sqrt(105.0)
    c21 = np.sqrt(21.0 / 8.0)
    c7 = 0.5 * np.sqrt(7.0)
    sq10 = np.sqrt(float(N_BASIS))

    def chunk(i, carry):
        ci = wid + i * NW
        e0 = ci * CH
        pltpu.sync_copy(ei2_hbm.at[:, pl.ds(e0, CH)], idxb)
        cps = [pltpu.async_copy(xp_hbm.at[idxb.at[0, pl.ds(j * 128, 128)]],
                                xs.at[pl.ds(j * 128, 128)], sem)
               for j in range(IR)]

        def vbody(k, carry2):
            sv = idxb[0, pl.ds(k * 16, 16)] * 4
            dv = idxb[1, pl.ds(k * 16, 16)] * 4
            xa = plsc.load_gather(pos4_v, [sv]) - plsc.load_gather(pos4_v, [dv])
            ya = (plsc.load_gather(pos4_v, [sv + 1])
                  - plsc.load_gather(pos4_v, [dv + 1]))
            za = (plsc.load_gather(pos4_v, [sv + 2])
                  - plsc.load_gather(pos4_v, [dv + 2]))
            r2 = xa * xa + ya * ya + za * za + 1e-9
            ir_ = _rsqrt_newton(r2)
            r = r2 * ir_
            ux = xa * ir_
            uy = ya * ir_
            uz = za * ir_
            uz2 = uz * uz
            u = jnp.minimum(jnp.maximum(r * (1.0 / MAX_RADIUS), 0.0), 1.0)
            v = np.pi * (u - 0.5)
            v2 = v * v
            sinv = v * (1.0 + v2 * (-1.0 / 6.0 + v2 * (1.0 / 120.0 + v2 * (
                -1.0 / 5040.0 + v2 * (1.0 / 362880.0)))))
            cut = 0.5 * (1.0 - sinv)
            sh = [None] * 16
            sh[0] = cut
            sh[1] = (s3 * ux) * cut
            sh[2] = (s3 * uy) * cut
            sh[3] = (s3 * uz) * cut
            sh[4] = (s15 * ux) * uy * cut
            sh[5] = (s15 * uy) * uz * cut
            sh[6] = (0.5 * s5) * (3.0 * uz2 - 1.0) * cut
            sh[7] = (s15 * ux) * uz * cut
            sh[8] = (0.5 * s15) * (ux * ux - uy * uy) * cut
            sh[9] = c35 * uy * (3.0 * ux * ux - uy * uy) * cut
            sh[10] = c105 * ux * uy * uz * cut
            sh[11] = c21 * uy * (5.0 * uz2 - 1.0) * cut
            sh[12] = c7 * (5.0 * uz2 - 3.0) * uz * cut
            sh[13] = c21 * ux * (5.0 * uz2 - 1.0) * cut
            sh[14] = (0.5 * c105) * (ux * ux - uy * uy) * uz * cut
            sh[15] = c35 * ux * (ux * ux - uy * uy) * cut
            row = k * 16 + lane
            for f in range(16):
                plsc.store_scatter(geo, [row, jnp.full((16,), f, jnp.int32)],
                                   sh[f])
            for b in range(N_BASIS):
                d = (r - (b * STEP)) * (1.0 / STEP)
                emb = jnp.exp(-(d * d)) * sq10
                plsc.store_scatter(
                    geo, [row, jnp.full((16,), C_EMB + b, jnp.int32)], emb)
            return carry2

        lax.fori_loop(0, CH // 16, vbody, 0)
        for cp in cps:
            cp.wait()
        rows = pl.ds(e0, CH)
        pltpu.sync_copy(geo, pk_out.at[rows, pl.ds(0, 32)])
        pltpu.sync_copy(xs, pk_out.at[rows, pl.ds(C_X, XP)])
        return carry

    nmine = (NCH - wid + NW - 1) // NW
    lax.fori_loop(0, nmine, chunk, 0)


@functools.cache
def _make_sc_geo():
    return pl.kernel(
        _sc_geo_body,
        out_type=jax.ShapeDtypeStruct((E, 128), jnp.float32),
        mesh=plsc.VectorSubcoreMesh(core_axis_name="c", subcore_axis_name="s"),
        scratch_types=[pltpu.VMEM((N * 4,), jnp.float32),
                       pltpu.VMEM((2, CH), jnp.int32),
                       pltpu.VMEM((CH, 32), jnp.float32),
                       pltpu.VMEM((CH, XP), jnp.float32),
                       pltpu.SemaphoreType.DMA],
        compiler_params=pltpu.CompilerParams(use_tc_tiling_on_sc=False,
                                             needs_layout_passes=False),
    )


def _sc_scatter_body(msg_hbm, dst2_hbm, zeros_hbm, part_out,
                     dbuf, msgb, acc):
    c = lax.axis_index("c")
    s = lax.axis_index("s")
    wid = s * NC + c

    @pl.when(s == 0)
    def _init():
        pltpu.sync_copy(zeros_hbm, acc)

    plsc.subcore_barrier()

    def body(i, carry):
        ci = wid + i * NW
        pltpu.sync_copy(dst2_hbm.at[pl.ds(ci * IRS, IRS)], dbuf)
        pltpu.sync_copy(msg_hbm.at[pl.ds(ci * CS, CS), pl.ds(0, HA)], msgb)
        for j in range(IRS):
            pltpu.sync_copy(msgb.at[pl.ds(j * 128, 128)],
                            acc.at[dbuf.at[j]], add=True)
        return carry

    nmine = (NCS - wid + NW - 1) // NW
    lax.fori_loop(0, nmine, body, 0)

    plsc.subcore_barrier()
    rpt = N // NS
    pltpu.sync_copy(acc.at[pl.ds(s * rpt, rpt)],
                    part_out.at[pl.ds(c * N + s * rpt, rpt)])


@functools.cache
def _make_sc_scatter():
    return pl.kernel(
        _sc_scatter_body,
        out_type=jax.ShapeDtypeStruct((2 * N, HA), jnp.float32),
        mesh=plsc.VectorSubcoreMesh(core_axis_name="c", subcore_axis_name="s"),
        scratch_types=[pltpu.VMEM((IRS, 128), jnp.int32),
                       pltpu.VMEM((CS, HA), jnp.float32),
                       pltpu.VMEM_SHARED((N, HA), jnp.float32)],
        compiler_params=pltpu.CompilerParams(use_tc_tiling_on_sc=False),
    )


def _tc_edge_body(pk_ref, W1b_ref, b1_ref, W2_ref, b2_ref, Wshb_ref,
                  Winb_ref, msg_ref):
    pk = pk_ref[...]
    z1 = jnp.maximum(
        jnp.dot(pk, W1b_ref[...], preferred_element_type=jnp.float32)
        + b1_ref[...], 0.0)
    w = jnp.dot(z1, W2_ref[...],
                preferred_element_type=jnp.float32) + b2_ref[...]
    shw = jnp.dot(pk, Wshb_ref[...], preferred_element_type=jnp.float32)
    hs = jnp.dot(pk, Winb_ref[...], preferred_element_type=jnp.float32)
    msg_ref[...] = hs * w * shw


_tc_edge = pl.pallas_call(
    _tc_edge_body,
    grid=(E // BE,),
    in_specs=[
        pl.BlockSpec((BE, 128), lambda i: (i, 0)),
        pl.BlockSpec((128, 128), lambda i: (0, 0)),
        pl.BlockSpec((1, 128), lambda i: (0, 0)),
        pl.BlockSpec((128, HP), lambda i: (0, 0)),
        pl.BlockSpec((1, HP), lambda i: (0, 0)),
        pl.BlockSpec((128, HP), lambda i: (0, 0)),
        pl.BlockSpec((128, HP), lambda i: (0, 0)),
    ],
    out_specs=pl.BlockSpec((BE, HP), lambda i: (i, 0)),
    out_shape=jax.ShapeDtypeStruct((E, HP), jnp.float32),
)


def _tc_final_body(xp_ref, part_ref, batch_ref, Win_ref, Wout_ref, Wlin_ref,
                   blin_ref, out_ref):
    h = jnp.dot(xp_ref[...], Win_ref[...],
                preferred_element_type=jnp.float32)
    part = part_ref[...]
    agg = jnp.concatenate(
        [part[0:N] + part[N:2 * N],
         jnp.zeros((N, HP - HA), jnp.float32)], axis=1)
    h2 = h + agg * INV_SQRT_NEI
    gids = lax.broadcasted_iota(jnp.int32, (G, N), 0).astype(jnp.float32)
    oh = jnp.where(gids == batch_ref[...], 1.0, 0.0)
    sums = jnp.dot(oh, h2, preferred_element_type=jnp.float32)
    counts = jnp.sum(oh, axis=1, keepdims=True)
    pooled = sums / jnp.maximum(counts, 1.0)
    wc = jnp.dot(Wout_ref[...], Wlin_ref[...],
                 preferred_element_type=jnp.float32)
    out_ref[...] = jnp.dot(pooled, wc,
                           preferred_element_type=jnp.float32) + blin_ref[...]


_tc_final = pl.pallas_call(
    _tc_final_body,
    out_shape=jax.ShapeDtypeStruct((G, 128), jnp.float32),
)


def kernel(wt_pos, mt_pos, wt_x, mt_x, wt_batch, mt_batch, edge_index,
           W_in, W1, b1, W2, b2, W_sh, W_out, W_lin, b_lin):
    f32 = jnp.float32
    pos4 = jnp.pad(jnp.concatenate([wt_pos, mt_pos], 0),
                   ((0, 0), (0, 1))).reshape(N * 4)
    x_p = jnp.pad(jnp.concatenate([wt_x, mt_x], 0), ((0, 0), (0, XP - 25)))
    batch = jnp.concatenate([wt_batch, mt_batch]).astype(f32).reshape(1, N)
    ei = edge_index.astype(jnp.int32)
    ei2 = ei
    dst2 = ei[1].reshape(E // 128, 128)

    W1b = jnp.zeros((128, 128), f32).at[C_EMB:C_EMB + N_BASIS].set(W1)
    Wshb = jnp.zeros((128, HP), f32).at[0:SH_DIM, 0:H].set(W_sh)
    Winb = jnp.zeros((128, HP), f32).at[C_X:C_X + 25, 0:H].set(W_in)
    W2_p = jnp.pad(W2, ((0, 0), (0, HP - H)))
    b1_r = b1.reshape(1, 128)
    b2_r = jnp.pad(b2, (0, HP - H)).reshape(1, HP)
    Win_p = jnp.pad(W_in, ((0, XP - 25), (0, HP - H)))
    Wout_p = jnp.pad(W_out, ((0, HP - H), (0, 0)))
    Wlin_p = jnp.pad(W_lin, ((0, 0), (0, 128 - 2)))
    blin_p = jnp.pad(b_lin, (0, 128 - 2)).reshape(1, 128)
    zeros_nh = jnp.zeros((N, HA), f32)

    pk = _make_sc_geo()(pos4, x_p, ei2)
    msg = _tc_edge(pk, W1b, b1_r, W2_p, b2_r, Wshb, Winb)
    part = _make_sc_scatter()(msg, dst2, zeros_nh)
    outm = _tc_final(x_p, part, batch, Win_p, Wout_p, Wlin_p, blin_p)
    o = outm[:50, :2]
    return (o[:, 0], o[:, 1])

# --- scband reference (transcript-rebuilt; emitter-appended) ---
"""Pipeline reference for scband-e3nn-network-41790031790112 (READ-ONLY COPY).

The authoritative reference and input builder live on the scoring server;
editing this copy changes nothing except your own understanding.
"""

import jax, jax.numpy as jnp
import numpy as np

HIDDEN = 72  # dim of irreps_hidden [(10,0e/o),(3,1e/o),(2,2e/o),(1,3e/o)]
SH_DIM = 16  # spherical harmonics lmax=3 -> 1+3+5+7
N_BASIS = 10
MAX_RADIUS = 20.0
NUM_NEIGHBORS = 32.0
N_GRAPHS = 50


def real_sh_l3(u):
    x, y, z = u[:, 0], u[:, 1], u[:, 2]
    s3, s5, s15 = np.sqrt(3.0), np.sqrt(5.0), np.sqrt(15.0)
    sh = [jnp.ones_like(x),
          s3 * x, s3 * y, s3 * z,
          s15 * x * y, s15 * y * z, 0.5 * s5 * (3 * z ** 2 - 1.0), s15 * x * z, 0.5 * s15 * (x ** 2 - y ** 2),
          np.sqrt(35.0 / 8.0) * y * (3 * x ** 2 - y ** 2),
          np.sqrt(105.0) * x * y * z,
          np.sqrt(21.0 / 8.0) * y * (5 * z ** 2 - 1.0),
          0.5 * np.sqrt(7.0) * (5 * z ** 3 - 3 * z),
          np.sqrt(21.0 / 8.0) * x * (5 * z ** 2 - 1.0),
          0.5 * np.sqrt(105.0) * (x ** 2 - y ** 2) * z,
          np.sqrt(35.0 / 8.0) * x * (x ** 2 - y ** 2)]
    return jnp.stack(sh, axis=-1)


def setup_inputs(seed: int = 0) -> dict:
    key = jax.random.key(seed)
    ks = jax.random.split(key, 16)
    inp = {}
    inp['wt_pos'] = jax.random.normal(ks[0], (5000, 3), dtype=jnp.float32)
    inp['mt_pos'] = jax.random.normal(ks[1], (5000, 3), dtype=jnp.float32)
    inp['wt_x'] = jax.random.normal(ks[2], (5000, 25), dtype=jnp.float32)
    inp['mt_x'] = jax.random.normal(ks[3], (5000, 25), dtype=jnp.float32)
    inp['wt_batch'] = jnp.sort(jax.random.randint(ks[4], (5000,), 0, N_GRAPHS)).astype(jnp.int64)
    inp['mt_batch'] = jnp.sort(jax.random.randint(ks[5], (5000,), 0, N_GRAPHS)).astype(jnp.int64)
    inp['edge_index'] = jax.random.randint(ks[6], (2, 320000), 0, 10000).astype(jnp.int64)
    sc = lambda k, s: (jax.random.normal(k, s, dtype=jnp.float32) / np.sqrt(s[0]))
    inp['W_in'] = sc(ks[7], (25, HIDDEN))
    inp['W1'] = sc(ks[8], (N_BASIS, 128))
    inp['b1'] = jnp.zeros((128,), jnp.float32)
    inp['W2'] = sc(ks[9], (128, HIDDEN))
    inp['b2'] = jnp.zeros((HIDDEN,), jnp.float32)
    inp['W_sh'] = sc(ks[10], (SH_DIM, HIDDEN))
    inp['W_out'] = sc(ks[11], (HIDDEN, 256))
    inp['W_lin'] = sc(ks[12], (256, 2))
    inp['b_lin'] = jnp.zeros((2,), jnp.float32)
    return inp


def _forward(wt_pos, mt_pos, wt_x, mt_x, W_in, W1, b1, W2, b2, W_sh, W_out, W_lin, b_lin, wt_batch, mt_batch, edge_index):
    pos = jnp.concatenate([wt_pos, mt_pos], 0)
    x = jnp.concatenate([wt_x, mt_x], 0)
    batch = jnp.concatenate([wt_batch, mt_batch], 0)
    N = pos.shape[0]
    src, dst = edge_index[0], edge_index[1]
    edge_vec = pos[src] - pos[dst]
    r = jnp.sqrt(jnp.sum(edge_vec ** 2, axis=-1) + 1e-9)
    unit = edge_vec / r[:, None]
    sh = real_sh_l3(unit)
    centers = jnp.linspace(0.0, MAX_RADIUS, N_BASIS)
    step = MAX_RADIUS / (N_BASIS - 1)
    emb = jnp.exp(-(((r[:, None] - centers) / step) ** 2)) * (N_BASIS ** 0.5)
    u = jnp.clip(r / MAX_RADIUS, 0.0, 1.0)
    cut = 0.5 * (jnp.cos(jnp.pi * u) + 1.0)
    w = jax.nn.relu(emb @ W1 + b1) @ W2 + b2
    h = x @ W_in
    msg = h[src] * w * (sh @ W_sh) * cut[:, None]
    agg = jax.ops.segment_sum(msg, dst, num_segments=N) / np.sqrt(NUM_NEIGHBORS)
    h2 = h + agg
    node_out = h2 @ W_out
    sums = jax.ops.segment_sum(node_out, batch, num_segments=N_GRAPHS)
    counts = jax.ops.segment_sum(jnp.ones((N,), jnp.float32), batch, num_segments=N_GRAPHS)
    pooled = sums / jnp.maximum(counts, 1.0)[:, None]
    o = pooled @ W_lin + b_lin
    return o


def reference(wt_pos, mt_pos, wt_x, mt_x, wt_batch, mt_batch, edge_index, W_in, W1, b1, W2, b2, W_sh, W_out, W_lin, b_lin):
    o = _forward(wt_pos, mt_pos, wt_x, mt_x, W_in, W1, b1, W2, b2, W_sh, W_out, W_lin, b_lin, wt_batch, mt_batch, edge_index)
    return (o[:, 0].astype(jnp.float32), o[:, 1].astype(jnp.float32))

if __name__ == "__main__":
    import jax
    _d = setup_inputs()
    print(jax.jit(kernel)(*tuple(_d.values())))

</pallas_src>

<mosaic_0001>
#map = affine_map<(d0, d1) -> (0)>
#map1 = affine_map<(d0, d1) -> (0, 0)>
module attributes {stable_mosaic.version = 14 : i64} {
  func.func @_sc_geo_body(%arg0: i32, %arg1: i32, %arg2: memref<40000xf32, #tpu.memory_space<hbm>>, %arg3: memref<10000x32xf32, #tpu.memory_space<hbm>>, %arg4: memref<2x320000xi32, #tpu.memory_space<hbm>>, %arg5: memref<320000x128xf32, #tpu.memory_space<hbm>>, %arg6: memref<40000xf32, #tpu.memory_space<vmem>>, %arg7: memref<2x640xi32, #tpu.memory_space<vmem>>, %arg8: memref<640x32xf32, #tpu.memory_space<vmem>>, %arg9: memref<640x32xf32, #tpu.memory_space<vmem>>, %arg10: memref<!tpu.dma_semaphore, #tpu.memory_space<semaphore_mem>>) attributes {dimension_semantics = [#tpu.dimension_semantics<core_parallel>, #tpu.dimension_semantics<subcore_parallel>], iteration_bounds = array<i64: 2, 16>, scalar_prefetch = 0 : i64, scratch_operands = 5 : i64, tpu.core_type = #tpu.core_type<sc_vector_subcore>, window_params = [{transform_indices = #map}, {transform_indices = #map1}, {transform_indices = #map1}, {transform_indices = #map1}]} {
    %mul3A = arith.constant 2 : i32
    %mul3A_0 = arith.muli %arg1, %mul3A : i32
    %add3A = arith.addi %mul3A_0, %arg0 : i32
    "tpu.region"() ({
      %run_scoped3A = tpu.sem_alloc : memref<!tpu.dma_semaphore, #tpu.memory_space<semaphore_mem>>
      tpu.enqueue_dma source(%arg2 : memref<40000xf32, #tpu.memory_space<hbm>>) target(%arg6 : memref<40000xf32, #tpu.memory_space<vmem>>) target_semaphore(%run_scoped3A : memref<!tpu.dma_semaphore, #tpu.memory_space<semaphore_mem>>)
      tpu.wait_dma2 semaphore(%run_scoped3A : memref<!tpu.dma_semaphore, #tpu.memory_space<semaphore_mem>>) src(%arg2 : memref<40000xf32, #tpu.memory_space<hbm>>) dst(%arg6 : memref<40000xf32, #tpu.memory_space<vmem>>)
      tpu.yield
    }) : () -> ()
    %iota3A = tpu.iota {dimensions = array<i32: 0>} : vector<16xi32>
    %sub3A = arith.constant 500 : i32
    %sub3A_1 = arith.subi %sub3A, %add3A : i32
    %add3A_2 = arith.constant 32 : i32
    %add3A_3 = arith.addi %sub3A_1, %add3A_2 : i32
    %sub3A_4 = arith.constant 1 : i32
    %sub3A_5 = arith.subi %add3A_3, %sub3A_4 : i32
    %jit3A = arith.constant 32 : i32
    %div3A = arith.divsi %sub3A_5, %jit3A : i32
    %sign3A = arith.constant 0 : i32
    %sign3A_6 = arith.cmpi sgt, %sub3A_5, %sign3A : i32
    %sign3A_7 = arith.extui %sign3A_6 : i1 to i32
    %sign3A_8 = arith.constant 0 : i32
    %sign3A_9 = arith.cmpi slt, %sub3A_5, %sign3A_8 : i32
    %sign3A_10 = arith.extui %sign3A_9 : i1 to i32
    %sign3A_11 = arith.subi %sign3A_7, %sign3A_10 : i32
    %sign3A_12 = arith.constant 0 : i32
    %sign3A_13 = arith.cmpi sgt, %jit3A, %sign3A_12 : i32
    %sign3A_14 = arith.extui %sign3A_13 : i1 to i32
    %sign3A_15 = arith.constant 0 : i32
    %sign3A_16 = arith.cmpi slt, %jit3A, %sign3A_15 : i32
    %sign3A_17 = arith.extui %sign3A_16 : i1 to i32
    %sign3A_18 = arith.subi %sign3A_14, %sign3A_17 : i32
    %ne3A = arith.cmpi ne, %sign3A_11, %sign3A_18 : i32
    %rem3A = arith.remsi %sub3A_5, %jit3A : i32
    %ne3A_19 = arith.constant 0 : i32
    %ne3A_20 = arith.cmpi ne, %rem3A, %ne3A_19 : i32
    %and3A = arith.andi %ne3A, %ne3A_20 : i1
    %sub3A_21 = arith.constant 1 : i32
    %sub3A_22 = arith.subi %div3A, %sub3A_21 : i32
    %select_n3A = arith.select %and3A, %sub3A_22, %div3A : i32
    %while3A = arith.constant 0 : i32
    %while3A_23 = arith.constant 0 : i32
    %while3A_24 = arith.subi %select_n3A, %while3A_23 : i32
    %while3A_25 = arith.addi %while3A_23, %while3A_24 : i32
    %while3A_26 = arith.constant 1 : i32
    %while3A_27 = arith.divsi %while3A_24, %while3A_26 : i32
    %while3A_28 = arith.muli %while3A_27, %while3A_26 : i32
    %while3A_29 = arith.addi %while3A_23, %while3A_28 : i32
    %while3A_30 = arith.constant 1 : i32
    scf.for %while3A_32 = %while3A_23 to %while3A_29 step %while3A_30  : i32 {
      %mul3A_33 = arith.constant 32 : i32
      %mul3A_34 = arith.muli %while3A_32, %mul3A_33 : i32
      %add3A_35 = arith.addi %add3A, %mul3A_34 : i32
      %mul3A_36 = arith.constant 640 : i32
      %mul3A_37 = arith.muli %add3A_35, %mul3A_36 : i32
      "tpu.region"() ({
        %run_scoped3A = tpu.sem_alloc : memref<!tpu.dma_semaphore, #tpu.memory_space<semaphore_mem>>
        %dma_start3A_141 = arith.constant 0 : i32
        %dma_start3A_142 = tpu.memref_slice %arg4[%dma_start3A_141, %mul3A_37] : memref<2x320000xi32, #tpu.memory_space<hbm>> -> memref<2x640xi32, #tpu.memory_space<hbm>>
        %dma_start3A_143 = arith.constant 0 : i32
        %dma_start3A_144 = tpu.memref_slice %arg4[%dma_start3A_143, %mul3A_37] : memref<2x320000xi32, #tpu.memory_space<hbm>> -> memref<2x640xi32, #tpu.memory_space<hbm>>
        tpu.enqueue_dma source(%dma_start3A_144 : memref<2x640xi32, #tpu.memory_space<hbm>>) target(%arg7 : memref<2x640xi32, #tpu.memory_space<vmem>>) target_semaphore(%run_scoped3A : memref<!tpu.dma_semaphore, #tpu.memory_space<semaphore_mem>>)
        %dma_wait3A_145 = arith.constant 0 : i32
        %dma_wait3A_146 = tpu.memref_slice %arg4[%dma_wait3A_145, %mul3A_37] : memref<2x320000xi32, #tpu.memory_space<hbm>> -> memref<2x640xi32, #tpu.memory_space<hbm>>
        %dma_wait3A_147 = arith.constant 0 : i32
        %dma_wait3A_148 = tpu.memref_slice %arg4[%dma_wait3A_147, %mul3A_37] : memref<2x320000xi32, #tpu.memory_space<hbm>> -> memref<2x640xi32, #tpu.memory_space<hbm>>
        tpu.wait_dma2 semaphore(%run_scoped3A : memref<!tpu.dma_semaphore, #tpu.memory_space<semaphore_mem>>) src(%dma_wait3A_148 : memref<2x640xi32, #tpu.memory_space<hbm>>) dst(%arg7 : memref<2x640xi32, #tpu.memory_space<vmem>>)
        tpu.yield
      }) : () -> ()
      %dma_start3A = arith.constant 0 : i32
      %dma_start3A_38 = arith.constant 0 : i32
      %dma_start3A_39 = arith.constant 0 : i32
      %dma_start3A_40 = tpu.memref_slice %arg9[%dma_start3A_38, %dma_start3A_39] : memref<640x32xf32, #tpu.memory_space<vmem>> -> memref<128x32xf32, #tpu.memory_space<vmem>>
      %dma_start3A_41 = arith.constant 0 : i32
      %dma_start3A_42 = tpu.memref_slice %arg7[%dma_start3A, %dma_start3A_41] : memref<2x640xi32, #tpu.memory_space<vmem>> -> memref<1x128xi32, #tpu.memory_space<vmem>>
      %dma_start3A_43 = tpu.memref_squeeze %dma_start3A_42 : memref<1x128xi32, #tpu.memory_space<vmem>> -> memref<128xi32, #tpu.memory_space<vmem>>
      %dma_start3A_44 = arith.constant 0 : i32
      %dma_start3A_45 = arith.constant 0 : i32
      %dma_start3A_46 = tpu.memref_slice %arg3[%dma_start3A_44, %dma_start3A_45] : memref<10000x32xf32, #tpu.memory_space<hbm>> -> memref<10000x32xf32, #tpu.memory_space<hbm>>
      tpu.enqueue_indirect_dma source(%dma_start3A_46 : memref<10000x32xf32, #tpu.memory_space<hbm>>) target(%dma_start3A_40 : memref<128x32xf32, #tpu.memory_space<vmem>>) offsets(%dma_start3A_43 : memref<128xi32, #tpu.memory_space<vmem>>) semaphore(%arg10 : memref<!tpu.dma_semaphore, #tpu.memory_space<semaphore_mem>>)
      %dma_start3A_47 = arith.constant 0 : i32
      %dma_start3A_48 = arith.constant 128 : i32
      %dma_start3A_49 = arith.constant 0 : i32
      %dma_start3A_50 = tpu.memref_slice %arg9[%dma_start3A_48, %dma_start3A_49] : memref<640x32xf32, #tpu.memory_space<vmem>> -> memref<128x32xf32, #tpu.memory_space<vmem>>
      %dma_start3A_51 = arith.constant 128 : i32
      %dma_start3A_52 = tpu.memref_slice %arg7[%dma_start3A_47, %dma_start3A_51] : memref<2x640xi32, #tpu.memory_space<vmem>> -> memref<1x128xi32, #tpu.memory_space<vmem>>
      %dma_start3A_53 = tpu.memref_squeeze %dma_start3A_52 : memref<1x128xi32, #tpu.memory_space<vmem>> -> memref<128xi32, #tpu.memory_space<vmem>>
      %dma_start3A_54 = arith.constant 0 : i32
      %dma_start3A_55 = arith.constant 0 : i32
      %dma_start3A_56 = tpu.memref_slice %arg3[%dma_start3A_54, %dma_start3A_55] : memref<10000x32xf32, #tpu.memory_space<hbm>> -> memref<10000x32xf32, #tpu.memory_space<hbm>>
      tpu.enqueue_indirect_dma source(%dma_start3A_56 : memref<10000x32xf32, #tpu.memory_space<hbm>>) target(%dma_start3A_50 : memref<128x32xf32, #tpu.memory_space<vmem>>) offsets(%dma_start3A_53 : memref<128xi32, #tpu.memory_space<vmem>>) semaphore(%arg10 : memref<!tpu.dma_semaphore, #tpu.memory_space<semaphore_mem>>)
      %dma_start3A_57 = arith.constant 0 : i32
      %dma_start3A_58 = arith.constant 256 : i32
      %dma_start3A_59 = arith.constant 0 : i32
      %dma_start3A_60 = tpu.memref_slice %arg9[%dma_start3A_58, %dma_start3A_59] : memref<640x32xf32, #tpu.memory_space<vmem>> -> memref<128x32xf32, #tpu.memory_space<vmem>>
      %dma_start3A_61 = arith.constant 256 : i32
      %dma_start3A_62 = tpu.memref_slice %arg7[%dma_start3A_57, %dma_start3A_61] : memref<2x640xi32, #tpu.memory_space<vmem>> -> memref<1x128xi32, #tpu.memory_space<vmem>>
      %dma_start3A_63 = tpu.memref_squeeze %dma_start3A_62 : memref<1x128xi32, #tpu.memory_space<vmem>> -> memref<128xi32, #tpu.memory_space<vmem>>
      %dma_start3A_64 = arith.constant 0 : i32
      %dma_start3A_65 = arith.constant 0 : i32
      %dma_start3A_66 = tpu.memref_slice %arg3[%dma_start3A_64, %dma_start3A_65] : memref<10000x32xf32, #tpu.memory_space<hbm>> -> memref<10000x32xf32, #tpu.memory_space<hbm>>
      tpu.enqueue_indirect_dma source(%dma_start3A_66 : memref<10000x32xf32, #tpu.memory_space<hbm>>) target(%dma_start3A_60 : memref<128x32xf32, #tpu.memory_space<vmem>>) offsets(%dma_start3A_63 : memref<128xi32, #tpu.memory_space<vmem>>) semaphore(%arg10 : memref<!tpu.dma_semaphore, #tpu.memory_space<semaphore_mem>>)
      %dma_start3A_67 = arith.constant 0 : i32
      %dma_start3A_68 = arith.constant 384 : i32
      %dma_start3A_69 = arith.constant 0 : i32
      %dma_start3A_70 = tpu.memref_slice %arg9[%dma_start3A_68, %dma_start3A_69] : memref<640x32xf32, #tpu.memory_space<vmem>> -> memref<128x32xf32, #tpu.memory_space<vmem>>
      %dma_start3A_71 = arith.constant 384 : i32
      %dma_start3A_72 = tpu.memref_slice %arg7[%dma_start3A_67, %dma_start3A_71] : memref<2x640xi32, #tpu.memory_space<vmem>> -> memref<1x128xi32, #tpu.memory_space<vmem>>
      %dma_start3A_73 = tpu.memref_squeeze %dma_start3A_72 : memref<1x128xi32, #tpu.memory_space<vmem>> -> memref<128xi32, #tpu.memory_space<vmem>>
      %dma_start3A_74 = arith.constant 0 : i32
      %dma_start3A_75 = arith.constant 0 : i32
      %dma_start3A_76 = tpu.memref_slice %arg3[%dma_start3A_74, %dma_start3A_75] : memref<10000x32xf32, #tpu.memory_space<hbm>> -> memref<10000x32xf32, #tpu.memory_space<hbm>>
      tpu.enqueue_indirect_dma source(%dma_start3A_76 : memref<10000x32xf32, #tpu.memory_space<hbm>>) target(%dma_start3A_70 : memref<128x32xf32, #tpu.memory_space<vmem>>) offsets(%dma_start3A_73 : memref<128xi32, #tpu.memory_space<vmem>>) semaphore(%arg10 : memref<!tpu.dma_semaphore, #tpu.memory_space<semaphore_mem>>)
      %dma_start3A_77 = arith.constant 0 : i32
      %dma_start3A_78 = arith.constant 512 : i32
      %dma_start3A_79 = arith.constant 0 : i32
      %dma_start3A_80 = tpu.memref_slice %arg9[%dma_start3A_78, %dma_start3A_79] : memref<640x32xf32, #tpu.memory_space<vmem>> -> memref<128x32xf32, #tpu.memory_space<vmem>>
      %dma_start3A_81 = arith.constant 512 : i32
      %dma_start3A_82 = tpu.memref_slice %arg7[%dma_start3A_77, %dma_start3A_81] : memref<2x640xi32, #tpu.memory_space<vmem>> -> memref<1x128xi32, #tpu.memory_space<vmem>>
      %dma_start3A_83 = tpu.memref_squeeze %dma_start3A_82 : memref<1x128xi32, #tpu.memory_space<vmem>> -> memref<128xi32, #tpu.memory_space<vmem>>
      %dma_start3A_84 = arith.constant 0 : i32
      %dma_start3A_85 = arith.constant 0 : i32
      %dma_start3A_86 = tpu.memref_slice %arg3[%dma_start3A_84, %dma_start3A_85] : memref<10000x32xf32, #tpu.memory_space<hbm>> -> memref<10000x32xf32, #tpu.memory_space<hbm>>
      tpu.enqueue_indirect_dma source(%dma_start3A_86 : memref<10000x32xf32, #tpu.memory_space<hbm>>) target(%dma_start3A_80 : memref<128x32xf32, #tpu.memory_space<vmem>>) offsets(%dma_start3A_83 : memref<128xi32, #tpu.memory_space<vmem>>) semaphore(%arg10 : memref<!tpu.dma_semaphore, #tpu.memory_space<semaphore_mem>>)
      %scan3A = arith.constant 0 : i32
      %scan3A_87 = arith.constant 0 : i32
      %scan3A_88 = arith.constant 40 : i32
      %scan3A_89 = arith.addi %scan3A_87, %scan3A_88 : i32
      %scan3A_90 = arith.constant 1 : i32
      scf.for %scan3A_141 = %scan3A_87 to %scan3A_89 step %scan3A_90  : i32 {
        %mul3A_142 = arith.constant 16 : i32
        %mul3A_143 = arith.muli %scan3A_141, %mul3A_142 : i32
        %get3A = arith.constant 0 : i32
        %get3A_144 = arith.index_cast %get3A : i32 to index
        %get3A_145 = arith.index_cast %mul3A_143 : i32 to index
        %get3A_146 = tpu.vector_load %arg7[%get3A_144, %get3A_145] {strides = array<i32>} : memref<2x640xi32, #tpu.memory_space<vmem>>, vector<16xi32>,
        %mul3A_147 = arith.constant 4 : i32
        %mul3A_148 = vector.broadcast %mul3A_147 : i32 to vector<16xi32>
        %mul3A_149 = arith.muli %get3A_146, %mul3A_148 : vector<16xi32>
        %mul3A_150 = arith.constant 16 : i32
        %mul3A_151 = arith.muli %scan3A_141, %mul3A_150 : i32
        %get3A_152 = arith.constant 1 : i32
        %get3A_153 = arith.index_cast %get3A_152 : i32 to index
        %get3A_154 = arith.index_cast %mul3A_151 : i32 to index
        %get3A_155 = tpu.vector_load %arg7[%get3A_153, %get3A_154] {strides = array<i32>} : memref<2x640xi32, #tpu.memory_space<vmem>>, vector<16xi32>,
        %mul3A_156 = arith.constant 4 : i32
        %mul3A_157 = vector.broadcast %mul3A_156 : i32 to vector<16xi32>
        %mul3A_158 = arith.muli %get3A_155, %mul3A_157 : vector<16xi32>
        %gather3A = tpu.vector_load_idx %arg6[%mul3A_149] : memref<40000xf32, #tpu.memory_space<vmem>>[vector<16xi32>], vector<16xf32>,
        %gather3A_159 = tpu.vector_load_idx %arg6[%mul3A_158] : memref<40000xf32, #tpu.memory_space<vmem>>[vector<16xi32>], vector<16xf32>,
        %sub3A_160 = arith.subf %gather3A, %gather3A_159 : vector<16xf32>
        %add3A_161 = arith.constant 1 : i32
        %add3A_162 = vector.broadcast %add3A_161 : i32 to vector<16xi32>
        %add3A_163 = arith.addi %mul3A_149, %add3A_162 : vector<16xi32>
        %gather3A_164 = tpu.vector_load_idx %arg6[%add3A_163] : memref<40000xf32, #tpu.memory_space<vmem>>[vector<16xi32>], vector<16xf32>,
        %add3A_165 = arith.constant 1 : i32
        %add3A_166 = vector.broadcast %add3A_165 : i32 to vector<16xi32>
        %add3A_167 = arith.addi %mul3A_158, %add3A_166 : vector<16xi32>
        %gather3A_168 = tpu.vector_load_idx %arg6[%add3A_167] : memref<40000xf32, #tpu.memory_space<vmem>>[vector<16xi32>], vector<16xf32>,
        %sub3A_169 = arith.subf %gather3A_164, %gather3A_168 : vector<16xf32>
        %add3A_170 = arith.constant 2 : i32
        %add3A_171 = vector.broadcast %add3A_170 : i32 to vector<16xi32>
        %add3A_172 = arith.addi %mul3A_149, %add3A_171 : vector<16xi32>
        %gather3A_173 = tpu.vector_load_idx %arg6[%add3A_172] : memref<40000xf32, #tpu.memory_space<vmem>>[vector<16xi32>], vector<16xf32>,
        %add3A_174 = arith.constant 2 : i32
        %add3A_175 = vector.broadcast %add3A_174 : i32 to vector<16xi32>
        %add3A_176 = arith.addi %mul3A_158, %add3A_175 : vector<16xi32>
        %gather3A_177 = tpu.vector_load_idx %arg6[%add3A_176] : memref<40000xf32, #tpu.memory_space<vmem>>[vector<16xi32>], vector<16xf32>,
        %sub3A_178 = arith.subf %gather3A_173, %gather3A_177 : vector<16xf32>
        %mul3A_179 = arith.mulf %sub3A_160, %sub3A_160 : vector<16xf32>
        %mul3A_180 = arith.mulf %sub3A_169, %sub3A_169 : vector<16xf32>
        %add3A_181 = arith.addf %mul3A_179, %mul3A_180 : vector<16xf32>
        %mul3A_182 = arith.mulf %sub3A_178, %sub3A_178 : vector<16xf32>
        %add3A_183 = arith.addf %add3A_181, %mul3A_182 : vector<16xf32>
        %add3A_184 = arith.constant 9.99999971E-10 : f32
        %add3A_185 = vector.broadcast %add3A_184 : f32 to vector<16xf32>
        %add3A_186 = arith.addf %add3A_183, %add3A_185 : vector<16xf32>
        %bitcast3A = vector.bitcast %add3A_186 : vector<16xf32> to vector<16xi32>
        %shift_right_arithmetic3A = arith.constant 1 : i32
        %shift_right_arithmetic3A_187 = vector.broadcast %shift_right_arithmetic3A : i32 to vector<16xi32>
        %shift_right_arithmetic3A_188 = arith.shrsi %bitcast3A, %shift_right_arithmetic3A_187 : vector<16xi32>
        %sub3A_189 = arith.constant 1597463007 : i32
        %sub3A_190 = vector.broadcast %sub3A_189 : i32 to vector<16xi32>
        %sub3A_191 = arith.subi %sub3A_190, %shift_right_arithmetic3A_188 : vector<16xi32>
        %bitcast3A_192 = vector.bitcast %sub3A_191 : vector<16xi32> to vector<16xf32>
        %mul3A_193 = arith.constant 5.000000e-01 : f32
        %mul3A_194 = vector.broadcast %mul3A_193 : f32 to vector<16xf32>
        %mul3A_195 = arith.mulf %mul3A_194, %add3A_186 : vector<16xf32>
        %mul3A_196 = arith.mulf %mul3A_195, %bitcast3A_192 : vector<16xf32>
        %mul3A_197 = arith.mulf %mul3A_196, %bitcast3A_192 : vector<16xf32>
        %sub3A_198 = arith.constant 1.500000e+00 : f32
        %sub3A_199 = vector.broadcast %sub3A_198 : f32 to vector<16xf32>
        %sub3A_200 = arith.subf %sub3A_199, %mul3A_197 : vector<16xf32>
        %mul3A_201 = arith.mulf %bitcast3A_192, %sub3A_200 : vector<16xf32>
        %mul3A_202 = arith.constant 5.000000e-01 : f32
        %mul3A_203 = vector.broadcast %mul3A_202 : f32 to vector<16xf32>
        %mul3A_204 = arith.mulf %mul3A_203, %add3A_186 : vector<16xf32>
        %mul3A_205 = arith.mulf %mul3A_204, %mul3A_201 : vector<16xf32>
        %mul3A_206 = arith.mulf %mul3A_205, %mul3A_201 : vector<16xf32>
        %sub3A_207 = arith.constant 1.500000e+00 : f32
        %sub3A_208 = vector.broadcast %sub3A_207 : f32 to vector<16xf32>
        %sub3A_209 = arith.subf %sub3A_208, %mul3A_206 : vector<16xf32>
        %mul3A_210 = arith.mulf %mul3A_201, %sub3A_209 : vector<16xf32>
        %mul3A_211 = arith.constant 5.000000e-01 : f32
        %mul3A_212 = vector.broadcast %mul3A_211 : f32 to vector<16xf32>
        %mul3A_213 = arith.mulf %mul3A_212, %add3A_186 : vector<16xf32>
        %mul3A_214 = arith.mulf %mul3A_213, %mul3A_210 : vector<16xf32>
        %mul3A_215 = arith.mulf %mul3A_214, %mul3A_210 : vector<16xf32>
        %sub3A_216 = arith.constant 1.500000e+00 : f32
        %sub3A_217 = vector.broadcast %sub3A_216 : f32 to vector<16xf32>
        %sub3A_218 = arith.subf %sub3A_217, %mul3A_215 : vector<16xf32>
        %mul3A_219 = arith.mulf %mul3A_210, %sub3A_218 : vector<16xf32>
        %mul3A_220 = arith.mulf %add3A_186, %mul3A_219 : vector<16xf32>
        %mul3A_221 = arith.mulf %sub3A_160, %mul3A_219 : vector<16xf32>
        %mul3A_222 = arith.mulf %sub3A_169, %mul3A_219 : vector<16xf32>
        %mul3A_223 = arith.mulf %sub3A_178, %mul3A_219 : vector<16xf32>
        %mul3A_224 = arith.mulf %mul3A_223, %mul3A_223 : vector<16xf32>
        %mul3A_225 = arith.constant 5.000000e-02 : f32
        %mul3A_226 = vector.broadcast %mul3A_225 : f32 to vector<16xf32>
        %mul3A_227 = arith.mulf %mul3A_220, %mul3A_226 : vector<16xf32>
        %max3A = arith.constant 0.000000e+00 : f32
        %max3A_228 = vector.broadcast %max3A : f32 to vector<16xf32>
        %max3A_229 = arith.maximumf %mul3A_227, %max3A_228 : vector<16xf32>
        %min3A = arith.constant 1.000000e+00 : f32
        %min3A_230 = vector.broadcast %min3A : f32 to vector<16xf32>
        %min3A_231 = arith.minimumf %max3A_229, %min3A_230 : vector<16xf32>
        %sub3A_232 = arith.constant 5.000000e-01 : f32
        %sub3A_233 = vector.broadcast %sub3A_232 : f32 to vector<16xf32>
        %sub3A_234 = arith.subf %min3A_231, %sub3A_233 : vector<16xf32>
        %mul3A_235 = arith.constant 3.14159274 : f32
        %mul3A_236 = vector.broadcast %mul3A_235 : f32 to vector<16xf32>
        %mul3A_237 = arith.mulf %mul3A_236, %sub3A_234 : vector<16xf32>
        %mul3A_238 = arith.mulf %mul3A_237, %mul3A_237 : vector<16xf32>
        %mul3A_239 = arith.constant 2.75573188E-6 : f32
        %mul3A_240 = vector.broadcast %mul3A_239 : f32 to vector<16xf32>
        %mul3A_241 = arith.mulf %mul3A_238, %mul3A_240 : vector<16xf32>
        %add3A_242 = arith.constant -1.98412701E-4 : f32
        %add3A_243 = vector.broadcast %add3A_242 : f32 to vector<16xf32>
        %add3A_244 = arith.addf %add3A_243, %mul3A_241 : vector<16xf32>
        %mul3A_245 = arith.mulf %mul3A_238, %add3A_244 : vector<16xf32>
        %add3A_246 = arith.constant 0.00833333377 : f32
        %add3A_247 = vector.broadcast %add3A_246 : f32 to vector<16xf32>
        %add3A_248 = arith.addf %add3A_247, %mul3A_245 : vector<16xf32>
        %mul3A_249 = arith.mulf %mul3A_238, %add3A_248 : vector<16xf32>
        %add3A_250 = arith.constant -0.166666672 : f32
        %add3A_251 = vector.broadcast %add3A_250 : f32 to vector<16xf32>
        %add3A_252 = arith.addf %add3A_251, %mul3A_249 : vector<16xf32>
        %mul3A_253 = arith.mulf %mul3A_238, %add3A_252 : vector<16xf32>
        %add3A_254 = arith.constant 1.000000e+00 : f32
        %add3A_255 = vector.broadcast %add3A_254 : f32 to vector<16xf32>
        %add3A_256 = arith.addf %add3A_255, %mul3A_253 : vector<16xf32>
        %mul3A_257 = arith.mulf %mul3A_237, %add3A_256 : vector<16xf32>
        %sub3A_258 = arith.constant 1.000000e+00 : f32
        %sub3A_259 = vector.broadcast %sub3A_258 : f32 to vector<16xf32>
        %sub3A_260 = arith.subf %sub3A_259, %mul3A_257 : vector<16xf32>
        %mul3A_261 = arith.constant 5.000000e-01 : f32
        %mul3A_262 = vector.broadcast %mul3A_261 : f32 to vector<16xf32>
        %mul3A_263 = arith.mulf %mul3A_262, %sub3A_260 : vector<16xf32>
        %mul3A_264 = arith.constant 1.73205078 : f32
        %mul3A_265 = vector.broadcast %mul3A_264 : f32 to vector<16xf32>
        %mul3A_266 = arith.mulf %mul3A_265, %mul3A_221 : vector<16xf32>
        %mul3A_267 = arith.mulf %mul3A_266, %mul3A_263 : vector<16xf32>
        %mul3A_268 = arith.constant 1.73205078 : f32
        %mul3A_269 = vector.broadcast %mul3A_268 : f32 to vector<16xf32>
        %mul3A_270 = arith.mulf %mul3A_269, %mul3A_222 : vector<16xf32>
        %mul3A_271 = arith.mulf %mul3A_270, %mul3A_263 : vector<16xf32>
        %mul3A_272 = arith.constant 1.73205078 : f32
        %mul3A_273 = vector.broadcast %mul3A_272 : f32 to vector<16xf32>
        %mul3A_274 = arith.mulf %mul3A_273, %mul3A_223 : vector<16xf32>
        %mul3A_275 = arith.mulf %mul3A_274, %mul3A_263 : vector<16xf32>
        %mul3A_276 = arith.constant 3.87298346 : f32
        %mul3A_277 = vector.broadcast %mul3A_276 : f32 to vector<16xf32>
        %mul3A_278 = arith.mulf %mul3A_277, %mul3A_221 : vector<16xf32>
        %mul3A_279 = arith.mulf %mul3A_278, %mul3A_222 : vector<16xf32>
        %mul3A_280 = arith.mulf %mul3A_279, %mul3A_263 : vector<16xf32>
        %mul3A_281 = arith.constant 3.87298346 : f32
        %mul3A_282 = vector.broadcast %mul3A_281 : f32 to vector<16xf32>
        %mul3A_283 = arith.mulf %mul3A_282, %mul3A_222 : vector<16xf32>
        %mul3A_284 = arith.mulf %mul3A_283, %mul3A_223 : vector<16xf32>
        %mul3A_285 = arith.mulf %mul3A_284, %mul3A_263 : vector<16xf32>
        %mul3A_286 = arith.constant 3.000000e+00 : f32
        %mul3A_287 = vector.broadcast %mul3A_286 : f32 to vector<16xf32>
        %mul3A_288 = arith.mulf %mul3A_287, %mul3A_224 : vector<16xf32>
        %sub3A_289 = arith.constant 1.000000e+00 : f32
        %sub3A_290 = vector.broadcast %sub3A_289 : f32 to vector<16xf32>
        %sub3A_291 = arith.subf %mul3A_288, %sub3A_290 : vector<16xf32>
        %mul3A_292 = arith.constant 1.11803401 : f32
        %mul3A_293 = vector.broadcast %mul3A_292 : f32 to vector<16xf32>
        %mul3A_294 = arith.mulf %mul3A_293, %sub3A_291 : vector<16xf32>
        %mul3A_295 = arith.mulf %mul3A_294, %mul3A_263 : vector<16xf32>
        %mul3A_296 = arith.constant 3.87298346 : f32
        %mul3A_297 = vector.broadcast %mul3A_296 : f32 to vector<16xf32>
        %mul3A_298 = arith.mulf %mul3A_297, %mul3A_221 : vector<16xf32>
        %mul3A_299 = arith.mulf %mul3A_298, %mul3A_223 : vector<16xf32>
        %mul3A_300 = arith.mulf %mul3A_299, %mul3A_263 : vector<16xf32>
        %mul3A_301 = arith.mulf %mul3A_221, %mul3A_221 : vector<16xf32>
        %mul3A_302 = arith.mulf %mul3A_222, %mul3A_222 : vector<16xf32>
        %sub3A_303 = arith.subf %mul3A_301, %mul3A_302 : vector<16xf32>
        %mul3A_304 = arith.constant 1.93649173 : f32
        %mul3A_305 = vector.broadcast %mul3A_304 : f32 to vector<16xf32>
        %mul3A_306 = arith.mulf %mul3A_305, %sub3A_303 : vector<16xf32>
        %mul3A_307 = arith.mulf %mul3A_306, %mul3A_263 : vector<16xf32>
        %mul3A_308 = arith.constant 2.091650e+00 : f32
        %mul3A_309 = vector.broadcast %mul3A_308 : f32 to vector<16xf32>
        %mul3A_310 = arith.mulf %mul3A_309, %mul3A_222 : vector<16xf32>
        %mul3A_311 = arith.constant 3.000000e+00 : f32
        %mul3A_312 = vector.broadcast %mul3A_311 : f32 to vector<16xf32>
        %mul3A_313 = arith.mulf %mul3A_312, %mul3A_221 : vector<16xf32>
        %mul3A_314 = arith.mulf %mul3A_313, %mul3A_221 : vector<16xf32>
        %mul3A_315 = arith.mulf %mul3A_222, %mul3A_222 : vector<16xf32>
        %sub3A_316 = arith.subf %mul3A_314, %mul3A_315 : vector<16xf32>
        %mul3A_317 = arith.mulf %mul3A_310, %sub3A_316 : vector<16xf32>
        %mul3A_318 = arith.mulf %mul3A_317, %mul3A_263 : vector<16xf32>
        %mul3A_319 = arith.constant 10.2469511 : f32
        %mul3A_320 = vector.broadcast %mul3A_319 : f32 to vector<16xf32>
        %mul3A_321 = arith.mulf %mul3A_320, %mul3A_221 : vector<16xf32>
        %mul3A_322 = arith.mulf %mul3A_321, %mul3A_222 : vector<16xf32>
        %mul3A_323 = arith.mulf %mul3A_322, %mul3A_223 : vector<16xf32>
        %mul3A_324 = arith.mulf %mul3A_323, %mul3A_263 : vector<16xf32>
        %mul3A_325 = arith.constant 1.62018514 : f32
        %mul3A_326 = vector.broadcast %mul3A_325 : f32 to vector<16xf32>
        %mul3A_327 = arith.mulf %mul3A_326, %mul3A_222 : vector<16xf32>
        %mul3A_328 = arith.constant 5.000000e+00 : f32
        %mul3A_329 = vector.broadcast %mul3A_328 : f32 to vector<16xf32>
        %mul3A_330 = arith.mulf %mul3A_329, %mul3A_224 : vector<16xf32>
        %sub3A_331 = arith.constant 1.000000e+00 : f32
        %sub3A_332 = vector.broadcast %sub3A_331 : f32 to vector<16xf32>
        %sub3A_333 = arith.subf %mul3A_330, %sub3A_332 : vector<16xf32>
        %mul3A_334 = arith.mulf %mul3A_327, %sub3A_333 : vector<16xf32>
        %mul3A_335 = arith.mulf %mul3A_334, %mul3A_263 : vector<16xf32>
        %mul3A_336 = arith.constant 5.000000e+00 : f32
        %mul3A_337 = vector.broadcast %mul3A_336 : f32 to vector<16xf32>
        %mul3A_338 = arith.mulf %mul3A_337, %mul3A_224 : vector<16xf32>
        %sub3A_339 = arith.constant 3.000000e+00 : f32
        %sub3A_340 = vector.broadcast %sub3A_339 : f32 to vector<16xf32>
        %sub3A_341 = arith.subf %mul3A_338, %sub3A_340 : vector<16xf32>
        %mul3A_342 = arith.constant 1.32287562 : f32
        %mul3A_343 = vector.broadcast %mul3A_342 : f32 to vector<16xf32>
        %mul3A_344 = arith.mulf %mul3A_343, %sub3A_341 : vector<16xf32>
        %mul3A_345 = arith.mulf %mul3A_344, %mul3A_223 : vector<16xf32>
        %mul3A_346 = arith.mulf %mul3A_345, %mul3A_263 : vector<16xf32>
        %mul3A_347 = arith.constant 1.62018514 : f32
        %mul3A_348 = vector.broadcast %mul3A_347 : f32 to vector<16xf32>
        %mul3A_349 = arith.mulf %mul3A_348, %mul3A_221 : vector<16xf32>
        %mul3A_350 = arith.constant 5.000000e+00 : f32
        %mul3A_351 = vector.broadcast %mul3A_350 : f32 to vector<16xf32>
        %mul3A_352 = arith.mulf %mul3A_351, %mul3A_224 : vector<16xf32>
        %sub3A_353 = arith.constant 1.000000e+00 : f32
        %sub3A_354 = vector.broadcast %sub3A_353 : f32 to vector<16xf32>
        %sub3A_355 = arith.subf %mul3A_352, %sub3A_354 : vector<16xf32>
        %mul3A_356 = arith.mulf %mul3A_349, %sub3A_355 : vector<16xf32>
        %mul3A_357 = arith.mulf %mul3A_356, %mul3A_263 : vector<16xf32>
        %mul3A_358 = arith.mulf %mul3A_221, %mul3A_221 : vector<16xf32>
        %mul3A_359 = arith.mulf %mul3A_222, %mul3A_222 : vector<16xf32>
        %sub3A_360 = arith.subf %mul3A_358, %mul3A_359 : vector<16xf32>
        %mul3A_361 = arith.constant 5.12347555 : f32
        %mul3A_362 = vector.broadcast %mul3A_361 : f32 to vector<16xf32>
        %mul3A_363 = arith.mulf %mul3A_362, %sub3A_360 : vector<16xf32>
        %mul3A_364 = arith.mulf %mul3A_363, %mul3A_223 : vector<16xf32>
        %mul3A_365 = arith.mulf %mul3A_364, %mul3A_263 : vector<16xf32>
        %mul3A_366 = arith.constant 2.091650e+00 : f32
        %mul3A_367 = vector.broadcast %mul3A_366 : f32 to vector<16xf32>
        %mul3A_368 = arith.mulf %mul3A_367, %mul3A_221 : vector<16xf32>
        %mul3A_369 = arith.mulf %mul3A_221, %mul3A_221 : vector<16xf32>
        %mul3A_370 = arith.mulf %mul3A_222, %mul3A_222 : vector<16xf32>
        %sub3A_371 = arith.subf %mul3A_369, %mul3A_370 : vector<16xf32>
        %mul3A_372 = arith.mulf %mul3A_368, %sub3A_371 : vector<16xf32>
        %mul3A_373 = arith.mulf %mul3A_372, %mul3A_263 : vector<16xf32>
        %mul3A_374 = arith.constant 16 : i32
        %mul3A_375 = arith.muli %scan3A_141, %mul3A_374 : i32
        %add3A_376 = vector.broadcast %mul3A_375 : i32 to vector<16xi32>
        %add3A_377 = arith.addi %add3A_376, %iota3A : vector<16xi32>
        %broadcast_in_dim3A = arith.constant 0 : i32
        %broadcast_in_dim3A_378 = vector.broadcast %broadcast_in_dim3A : i32 to vector<16xi32>
        tpu.vector_store_idx %arg8[%add3A_377, %broadcast_in_dim3A_378], %mul3A_263 : memref<640x32xf32, #tpu.memory_space<vmem>>[vector<16xi32>, vector<16xi32>], vector<16xf32>,
        %broadcast_in_dim3A_379 = arith.constant 1 : i32
        %broadcast_in_dim3A_380 = vector.broadcast %broadcast_in_dim3A_379 : i32 to vector<16xi32>
        tpu.vector_store_idx %arg8[%add3A_377, %broadcast_in_dim3A_380], %mul3A_267 : memref<640x32xf32, #tpu.memory_space<vmem>>[vector<16xi32>, vector<16xi32>], vector<16xf32>,
        %broadcast_in_dim3A_381 = arith.constant 2 : i32
        %broadcast_in_dim3A_382 = vector.broadcast %broadcast_in_dim3A_381 : i32 to vector<16xi32>
        tpu.vector_store_idx %arg8[%add3A_377, %broadcast_in_dim3A_382], %mul3A_271 : memref<640x32xf32, #tpu.memory_space<vmem>>[vector<16xi32>, vector<16xi32>], vector<16xf32>,
        %broadcast_in_dim3A_383 = arith.constant 3 : i32
        %broadcast_in_dim3A_384 = vector.broadcast %broadcast_in_dim3A_383 : i32 to vector<16xi32>
        tpu.vector_store_idx %arg8[%add3A_377, %broadcast_in_dim3A_384], %mul3A_275 : memref<640x32xf32, #tpu.memory_space<vmem>>[vector<16xi32>, vector<16xi32>], vector<16xf32>,
        %broadcast_in_dim3A_385 = arith.constant 4 : i32
        %broadcast_in_dim3A_386 = vector.broadcast %broadcast_in_dim3A_385 : i32 to vector<16xi32>
        tpu.vector_store_idx %arg8[%add3A_377, %broadcast_in_dim3A_386], %mul3A_280 : memref<640x32xf32, #tpu.memory_space<vmem>>[vector<16xi32>, vector<16xi32>], vector<16xf32>,
        %broadcast_in_dim3A_387 = arith.constant 5 : i32
        %broadcast_in_dim3A_388 = vector.broadcast %broadcast_in_dim3A_387 : i32 to vector<16xi32>
        tpu.vector_store_idx %arg8[%add3A_377, %broadcast_in_dim3A_388], %mul3A_285 : memref<640x32xf32, #tpu.memory_space<vmem>>[vector<16xi32>, vector<16xi32>], vector<16xf32>,
        %broadcast_in_dim3A_389 = arith.constant 6 : i32
        %broadcast_in_dim3A_390 = vector.broadcast %broadcast_in_dim3A_389 : i32 to vector<16xi32>
        tpu.vector_store_idx %arg8[%add3A_377, %broadcast_in_dim3A_390], %mul3A_295 : memref<640x32xf32, #tpu.memory_space<vmem>>[vector<16xi32>, vector<16xi32>], vector<16xf32>,
        %broadcast_in_dim3A_391 = arith.constant 7 : i32
        %broadcast_in_dim3A_392 = vector.broadcast %broadcast_in_dim3A_391 : i32 to vector<16xi32>
        tpu.vector_store_idx %arg8[%add3A_377, %broadcast_in_dim3A_392], %mul3A_300 : memref<640x32xf32, #tpu.memory_space<vmem>>[vector<16xi32>, vector<16xi32>], vector<16xf32>,
        %broadcast_in_dim3A_393 = arith.constant 8 : i32
        %broadcast_in_dim3A_394 = vector.broadcast %broadcast_in_dim3A_393 : i32 to vector<16xi32>
        tpu.vector_store_idx %arg8[%add3A_377, %broadcast_in_dim3A_394], %mul3A_307 : memref<640x32xf32, #tpu.memory_space<vmem>>[vector<16xi32>, vector<16xi32>], vector<16xf32>,
        %broadcast_in_dim3A_395 = arith.constant 9 : i32
        %broadcast_in_dim3A_396 = vector.broadcast %broadcast_in_dim3A_395 : i32 to vector<16xi32>
        tpu.vector_store_idx %arg8[%add3A_377, %broadcast_in_dim3A_396], %mul3A_318 : memref<640x32xf32, #tpu.memory_space<vmem>>[vector<16xi32>, vector<16xi32>], vector<16xf32>,
        %broadcast_in_dim3A_397 = arith.constant 10 : i32
        %broadcast_in_dim3A_398 = vector.broadcast %broadcast_in_dim3A_397 : i32 to vector<16xi32>
        tpu.vector_store_idx %arg8[%add3A_377, %broadcast_in_dim3A_398], %mul3A_324 : memref<640x32xf32, #tpu.memory_space<vmem>>[vector<16xi32>, vector<16xi32>], vector<16xf32>,
        %broadcast_in_dim3A_399 = arith.constant 11 : i32
        %broadcast_in_dim3A_400 = vector.broadcast %broadcast_in_dim3A_399 : i32 to vector<16xi32>
        tpu.vector_store_idx %arg8[%add3A_377, %broadcast_in_dim3A_400], %mul3A_335 : memref<640x32xf32, #tpu.memory_space<vmem>>[vector<16xi32>, vector<16xi32>], vector<16xf32>,
        %broadcast_in_dim3A_401 = arith.constant 12 : i32
        %broadcast_in_dim3A_402 = vector.broadcast %broadcast_in_dim3A_401 : i32 to vector<16xi32>
        tpu.vector_store_idx %arg8[%add3A_377, %broadcast_in_dim3A_402], %mul3A_346 : memref<640x32xf32, #tpu.memory_space<vmem>>[vector<16xi32>, vector<16xi32>], vector<16xf32>,
        %broadcast_in_dim3A_403 = arith.constant 13 : i32
        %broadcast_in_dim3A_404 = vector.broadcast %broadcast_in_dim3A_403 : i32 to vector<16xi32>
        tpu.vector_store_idx %arg8[%add3A_377, %broadcast_in_dim3A_404], %mul3A_357 : memref<640x32xf32, #tpu.memory_space<vmem>>[vector<16xi32>, vector<16xi32>], vector<16xf32>,
        %broadcast_in_dim3A_405 = arith.constant 14 : i32
        %broadcast_in_dim3A_406 = vector.broadcast %broadcast_in_dim3A_405 : i32 to vector<16xi32>
        tpu.vector_store_idx %arg8[%add3A_377, %broadcast_in_dim3A_406], %mul3A_365 : memref<640x32xf32, #tpu.memory_space<vmem>>[vector<16xi32>, vector<16xi32>], vector<16xf32>,
        %broadcast_in_dim3A_407 = arith.constant 15 : i32
        %broadcast_in_dim3A_408 = vector.broadcast %broadcast_in_dim3A_407 : i32 to vector<16xi32>
        tpu.vector_store_idx %arg8[%add3A_377, %broadcast_in_dim3A_408], %mul3A_373 : memref<640x32xf32, #tpu.memory_space<vmem>>[vector<16xi32>, vector<16xi32>], vector<16xf32>,
        %sub3A_409 = arith.constant 0.000000e+00 : f32
        %sub3A_410 = vector.broadcast %sub3A_409 : f32 to vector<16xf32>
        %sub3A_411 = arith.subf %mul3A_220, %sub3A_410 : vector<16xf32>
        %mul3A_412 = arith.constant 4.500000e-01 : f32
        %mul3A_413 = vector.broadcast %mul3A_412 : f32 to vector<16xf32>
        %mul3A_414 = arith.mulf %sub3A_411, %mul3A_413 : vector<16xf32>
        %mul3A_415 = arith.mulf %mul3A_414, %mul3A_414 : vector<16xf32>
        %neg3A = arith.constant 0.000000e+00 : f32
        %neg3A_416 = vector.broadcast %neg3A : f32 to vector<16xf32>
        %neg3A_417 = arith.subf %neg3A_416, %mul3A_415 : vector<16xf32>
        %exp3A = math.exp %neg3A_417 : vector<16xf32>
        %mul3A_418 = arith.constant 3.1622777 : f32
        %mul3A_419 = vector.broadcast %mul3A_418 : f32 to vector<16xf32>
        %mul3A_420 = arith.mulf %exp3A, %mul3A_419 : vector<16xf32>
        %broadcast_in_dim3A_421 = arith.constant 16 : i32
        %broadcast_in_dim3A_422 = vector.broadcast %broadcast_in_dim3A_421 : i32 to vector<16xi32>
        tpu.vector_store_idx %arg8[%add3A_377, %broadcast_in_dim3A_422], %mul3A_420 : memref<640x32xf32, #tpu.memory_space<vmem>>[vector<16xi32>, vector<16xi32>], vector<16xf32>,
        %sub3A_423 = arith.constant 2.22222233 : f32
        %sub3A_424 = vector.broadcast %sub3A_423 : f32 to vector<16xf32>
        %sub3A_425 = arith.subf %mul3A_220, %sub3A_424 : vector<16xf32>
        %mul3A_426 = arith.constant 4.500000e-01 : f32
        %mul3A_427 = vector.broadcast %mul3A_426 : f32 to vector<16xf32>
        %mul3A_428 = arith.mulf %sub3A_425, %mul3A_427 : vector<16xf32>
        %mul3A_429 = arith.mulf %mul3A_428, %mul3A_428 : vector<16xf32>
        %neg3A_430 = arith.constant 0.000000e+00 : f32
        %neg3A_431 = vector.broadcast %neg3A_430 : f32 to vector<16xf32>
        %neg3A_432 = arith.subf %neg3A_431, %mul3A_429 : vector<16xf32>
        %exp3A_433 = math.exp %neg3A_432 : vector<16xf32>
        %mul3A_434 = arith.constant 3.1622777 : f32
        %mul3A_435 = vector.broadcast %mul3A_434 : f32 to vector<16xf32>
        %mul3A_436 = arith.mulf %exp3A_433, %mul3A_435 : vector<16xf32>
        %broadcast_in_dim3A_437 = arith.constant 17 : i32
        %broadcast_in_dim3A_438 = vector.broadcast %broadcast_in_dim3A_437 : i32 to vector<16xi32>
        tpu.vector_store_idx %arg8[%add3A_377, %broadcast_in_dim3A_438], %mul3A_436 : memref<640x32xf32, #tpu.memory_space<vmem>>[vector<16xi32>, vector<16xi32>], vector<16xf32>,
        %sub3A_439 = arith.constant 4.44444466 : f32
        %sub3A_440 = vector.broadcast %sub3A_439 : f32 to vector<16xf32>
        %sub3A_441 = arith.subf %mul3A_220, %sub3A_440 : vector<16xf32>
        %mul3A_442 = arith.constant 4.500000e-01 : f32
        %mul3A_443 = vector.broadcast %mul3A_442 : f32 to vector<16xf32>
        %mul3A_444 = arith.mulf %sub3A_441, %mul3A_443 : vector<16xf32>
        %mul3A_445 = arith.mulf %mul3A_444, %mul3A_444 : vector<16xf32>
        %neg3A_446 = arith.constant 0.000000e+00 : f32
        %neg3A_447 = vector.broadcast %neg3A_446 : f32 to vector<16xf32>
        %neg3A_448 = arith.subf %neg3A_447, %mul3A_445 : vector<16xf32>
        %exp3A_449 = math.exp %neg3A_448 : vector<16xf32>
        %mul3A_450 = arith.constant 3.1622777 : f32
        %mul3A_451 = vector.broadcast %mul3A_450 : f32 to vector<16xf32>
        %mul3A_452 = arith.mulf %exp3A_449, %mul3A_451 : vector<16xf32>
        %broadcast_in_dim3A_453 = arith.constant 18 : i32
        %broadcast_in_dim3A_454 = vector.broadcast %broadcast_in_dim3A_453 : i32 to vector<16xi32>
        tpu.vector_store_idx %arg8[%add3A_377, %broadcast_in_dim3A_454], %mul3A_452 : memref<640x32xf32, #tpu.memory_space<vmem>>[vector<16xi32>, vector<16xi32>], vector<16xf32>,
        %sub3A_455 = arith.constant 6.66666651 : f32
        %sub3A_456 = vector.broadcast %sub3A_455 : f32 to vector<16xf32>
        %sub3A_457 = arith.subf %mul3A_220, %sub3A_456 : vector<16xf32>
        %mul3A_458 = arith.constant 4.500000e-01 : f32
        %mul3A_459 = vector.broadcast %mul3A_458 : f32 to vector<16xf32>
        %mul3A_460 = arith.mulf %sub3A_457, %mul3A_459 : vector<16xf32>
        %mul3A_461 = arith.mulf %mul3A_460, %mul3A_460 : vector<16xf32>
        %neg3A_462 = arith.constant 0.000000e+00 : f32
        %neg3A_463 = vector.broadcast %neg3A_462 : f32 to vector<16xf32>
        %neg3A_464 = arith.subf %neg3A_463, %mul3A_461 : vector<16xf32>
        %exp3A_465 = math.exp %neg3A_464 : vector<16xf32>
        %mul3A_466 = arith.constant 3.1622777 : f32
        %mul3A_467 = vector.broadcast %mul3A_466 : f32 to vector<16xf32>
        %mul3A_468 = arith.mulf %exp3A_465, %mul3A_467 : vector<16xf32>
        %broadcast_in_dim3A_469 = arith.constant 19 : i32
        %broadcast_in_dim3A_470 = vector.broadcast %broadcast_in_dim3A_469 : i32 to vector<16xi32>
        tpu.vector_store_idx %arg8[%add3A_377, %broadcast_in_dim3A_470], %mul3A_468 : memref<640x32xf32, #tpu.memory_space<vmem>>[vector<16xi32>, vector<16xi32>], vector<16xf32>,
        %sub3A_471 = arith.constant 8.88888931 : f32
        %sub3A_472 = vector.broadcast %sub3A_471 : f32 to vector<16xf32>
        %sub3A_473 = arith.subf %mul3A_220, %sub3A_472 : vector<16xf32>
        %mul3A_474 = arith.constant 4.500000e-01 : f32
        %mul3A_475 = vector.broadcast %mul3A_474 : f32 to vector<16xf32>
        %mul3A_476 = arith.mulf %sub3A_473, %mul3A_475 : vector<16xf32>
        %mul3A_477 = arith.mulf %mul3A_476, %mul3A_476 : vector<16xf32>
        %neg3A_478 = arith.constant 0.000000e+00 : f32
        %neg3A_479 = vector.broadcast %neg3A_478 : f32 to vector<16xf32>
        %neg3A_480 = arith.subf %neg3A_479, %mul3A_477 : vector<16xf32>
        %exp3A_481 = math.exp %neg3A_480 : vector<16xf32>
        %mul3A_482 = arith.constant 3.1622777 : f32
        %mul3A_483 = vector.broadcast %mul3A_482 : f32 to vector<16xf32>
        %mul3A_484 = arith.mulf %exp3A_481, %mul3A_483 : vector<16xf32>
        %broadcast_in_dim3A_485 = arith.constant 20 : i32
        %broadcast_in_dim3A_486 = vector.broadcast %broadcast_in_dim3A_485 : i32 to vector<16xi32>
        tpu.vector_store_idx %arg8[%add3A_377, %broadcast_in_dim3A_486], %mul3A_484 : memref<640x32xf32, #tpu.memory_space<vmem>>[vector<16xi32>, vector<16xi32>], vector<16xf32>,
        %sub3A_487 = arith.constant 11.1111107 : f32
        %sub3A_488 = vector.broadcast %sub3A_487 : f32 to vector<16xf32>
        %sub3A_489 = arith.subf %mul3A_220, %sub3A_488 : vector<16xf32>
        %mul3A_490 = arith.constant 4.500000e-01 : f32
        %mul3A_491 = vector.broadcast %mul3A_490 : f32 to vector<16xf32>
        %mul3A_492 = arith.mulf %sub3A_489, %mul3A_491 : vector<16xf32>
        %mul3A_493 = arith.mulf %mul3A_492, %mul3A_492 : vector<16xf32>
        %neg3A_494 = arith.constant 0.000000e+00 : f32
        %neg3A_495 = vector.broadcast %neg3A_494 : f32 to vector<16xf32>
        %neg3A_496 = arith.subf %neg3A_495, %mul3A_493 : vector<16xf32>
        %exp3A_497 = math.exp %neg3A_496 : vector<16xf32>
        %mul3A_498 = arith.constant 3.1622777 : f32
        %mul3A_499 = vector.broadcast %mul3A_498 : f32 to vector<16xf32>
        %mul3A_500 = arith.mulf %exp3A_497, %mul3A_499 : vector<16xf32>
        %broadcast_in_dim3A_501 = arith.constant 21 : i32
        %broadcast_in_dim3A_502 = vector.broadcast %broadcast_in_dim3A_501 : i32 to vector<16xi32>
        tpu.vector_store_idx %arg8[%add3A_377, %broadcast_in_dim3A_502], %mul3A_500 : memref<640x32xf32, #tpu.memory_space<vmem>>[vector<16xi32>, vector<16xi32>], vector<16xf32>,
        %sub3A_503 = arith.constant 13.333333 : f32
        %sub3A_504 = vector.broadcast %sub3A_503 : f32 to vector<16xf32>
        %sub3A_505 = arith.subf %mul3A_220, %sub3A_504 : vector<16xf32>
        %mul3A_506 = arith.constant 4.500000e-01 : f32
        %mul3A_507 = vector.broadcast %mul3A_506 : f32 to vector<16xf32>
        %mul3A_508 = arith.mulf %sub3A_505, %mul3A_507 : vector<16xf32>
        %mul3A_509 = arith.mulf %mul3A_508, %mul3A_508 : vector<16xf32>
        %neg3A_510 = arith.constant 0.000000e+00 : f32
        %neg3A_511 = vector.broadcast %neg3A_510 : f32 to vector<16xf32>
        %neg3A_512 = arith.subf %neg3A_511, %mul3A_509 : vector<16xf32>
        %exp3A_513 = math.exp %neg3A_512 : vector<16xf32>
        %mul3A_514 = arith.constant 3.1622777 : f32
        %mul3A_515 = vector.broadcast %mul3A_514 : f32 to vector<16xf32>
        %mul3A_516 = arith.mulf %exp3A_513, %mul3A_515 : vector<16xf32>
        %broadcast_in_dim3A_517 = arith.constant 22 : i32
        %broadcast_in_dim3A_518 = vector.broadcast %broadcast_in_dim3A_517 : i32 to vector<16xi32>
        tpu.vector_store_idx %arg8[%add3A_377, %broadcast_in_dim3A_518], %mul3A_516 : memref<640x32xf32, #tpu.memory_space<vmem>>[vector<16xi32>, vector<16xi32>], vector<16xf32>,
        %sub3A_519 = arith.constant 15.5555553 : f32
        %sub3A_520 = vector.broadcast %sub3A_519 : f32 to vector<16xf32>
        %sub3A_521 = arith.subf %mul3A_220, %sub3A_520 : vector<16xf32>
        %mul3A_522 = arith.constant 4.500000e-01 : f32
        %mul3A_523 = vector.broadcast %mul3A_522 : f32 to vector<16xf32>
        %mul3A_524 = arith.mulf %sub3A_521, %mul3A_523 : vector<16xf32>
        %mul3A_525 = arith.mulf %mul3A_524, %mul3A_524 : vector<16xf32>
        %neg3A_526 = arith.constant 0.000000e+00 : f32
        %neg3A_527 = vector.broadcast %neg3A_526 : f32 to vector<16xf32>
        %neg3A_528 = arith.subf %neg3A_527, %mul3A_525 : vector<16xf32>
        %exp3A_529 = math.exp %neg3A_528 : vector<16xf32>
        %mul3A_530 = arith.constant 3.1622777 : f32
        %mul3A_531 = vector.broadcast %mul3A_530 : f32 to vector<16xf32>
        %mul3A_532 = arith.mulf %exp3A_529, %mul3A_531 : vector<16xf32>
        %broadcast_in_dim3A_533 = arith.constant 23 : i32
        %broadcast_in_dim3A_534 = vector.broadcast %broadcast_in_dim3A_533 : i32 to vector<16xi32>
        tpu.vector_store_idx %arg8[%add3A_377, %broadcast_in_dim3A_534], %mul3A_532 : memref<640x32xf32, #tpu.memory_space<vmem>>[vector<16xi32>, vector<16xi32>], vector<16xf32>,
        %sub3A_535 = arith.constant 17.7777786 : f32
        %sub3A_536 = vector.broadcast %sub3A_535 : f32 to vector<16xf32>
        %sub3A_537 = arith.subf %mul3A_220, %sub3A_536 : vector<16xf32>
        %mul3A_538 = arith.constant 4.500000e-01 : f32
        %mul3A_539 = vector.broadcast %mul3A_538 : f32 to vector<16xf32>
        %mul3A_540 = arith.mulf %sub3A_537, %mul3A_539 : vector<16xf32>
        %mul3A_541 = arith.mulf %mul3A_540, %mul3A_540 : vector<16xf32>
        %neg3A_542 = arith.constant 0.000000e+00 : f32
        %neg3A_543 = vector.broadcast %neg3A_542 : f32 to vector<16xf32>
        %neg3A_544 = arith.subf %neg3A_543, %mul3A_541 : vector<16xf32>
        %exp3A_545 = math.exp %neg3A_544 : vector<16xf32>
        %mul3A_546 = arith.constant 3.1622777 : f32
        %mul3A_547 = vector.broadcast %mul3A_546 : f32 to vector<16xf32>
        %mul3A_548 = arith.mulf %exp3A_545, %mul3A_547 : vector<16xf32>
        %broadcast_in_dim3A_549 = arith.constant 24 : i32
        %broadcast_in_dim3A_550 = vector.broadcast %broadcast_in_dim3A_549 : i32 to vector<16xi32>
        tpu.vector_store_idx %arg8[%add3A_377, %broadcast_in_dim3A_550], %mul3A_548 : memref<640x32xf32, #tpu.memory_space<vmem>>[vector<16xi32>, vector<16xi32>], vector<16xf32>,
        %sub3A_551 = arith.constant 2.000000e+01 : f32
        %sub3A_552 = vector.broadcast %sub3A_551 : f32 to vector<16xf32>
        %sub3A_553 = arith.subf %mul3A_220, %sub3A_552 : vector<16xf32>
        %mul3A_554 = arith.constant 4.500000e-01 : f32
        %mul3A_555 = vector.broadcast %mul3A_554 : f32 to vector<16xf32>
        %mul3A_556 = arith.mulf %sub3A_553, %mul3A_555 : vector<16xf32>
        %mul3A_557 = arith.mulf %mul3A_556, %mul3A_556 : vector<16xf32>
        %neg3A_558 = arith.constant 0.000000e+00 : f32
        %neg3A_559 = vector.broadcast %neg3A_558 : f32 to vector<16xf32>
        %neg3A_560 = arith.subf %neg3A_559, %mul3A_557 : vector<16xf32>
        %exp3A_561 = math.exp %neg3A_560 : vector<16xf32>
        %mul3A_562 = arith.constant 3.1622777 : f32
        %mul3A_563 = vector.broadcast %mul3A_562 : f32 to vector<16xf32>
        %mul3A_564 = arith.mulf %exp3A_561, %mul3A_563 : vector<16xf32>
        %broadcast_in_dim3A_565 = arith.constant 25 : i32
        %broadcast_in_dim3A_566 = vector.broadcast %broadcast_in_dim3A_565 : i32 to vector<16xi32>
        tpu.vector_store_idx %arg8[%add3A_377, %broadcast_in_dim3A_566], %mul3A_564 : memref<640x32xf32, #tpu.memory_space<vmem>>[vector<16xi32>, vector<16xi32>], vector<16xf32>,
      }
      %scan3A_91 = arith.constant 40 : i32
      %dma_wait3A = arith.constant 0 : i32
      %dma_wait3A_92 = arith.constant 0 : i32
      %dma_wait3A_93 = arith.constant 0 : i32
      %dma_wait3A_94 = tpu.memref_slice %arg9[%dma_wait3A_92, %dma_wait3A_93] : memref<640x32xf32, #tpu.memory_space<vmem>> -> memref<128x32xf32, #tpu.memory_space<vmem>>
      %dma_wait3A_95 = arith.constant 0 : i32
      %dma_wait3A_96 = tpu.memref_slice %arg7[%dma_wait3A, %dma_wait3A_95] : memref<2x640xi32, #tpu.memory_space<vmem>> -> memref<1x128xi32, #tpu.memory_space<vmem>>
      %dma_wait3A_97 = tpu.memref_squeeze %dma_wait3A_96 : memref<1x128xi32, #tpu.memory_space<vmem>> -> memref<128xi32, #tpu.memory_space<vmem>>
      %dma_wait3A_98 = arith.constant 0 : i32
      %dma_wait3A_99 = arith.constant 0 : i32
      %dma_wait3A_100 = tpu.memref_slice %arg3[%dma_wait3A_98, %dma_wait3A_99] : memref<10000x32xf32, #tpu.memory_space<hbm>> -> memref<10000x32xf32, #tpu.memory_space<hbm>>
      tpu.wait_indirect_dma semaphore(%arg10 : memref<!tpu.dma_semaphore, #tpu.memory_space<semaphore_mem>>) src(%dma_wait3A_100 : memref<10000x32xf32, #tpu.memory_space<hbm>>) dst(%dma_wait3A_94 : memref<128x32xf32, #tpu.memory_space<vmem>>)
      %dma_wait3A_101 = arith.constant 0 : i32
      %dma_wait3A_102 = arith.constant 128 : i32
      %dma_wait3A_103 = arith.constant 0 : i32
      %dma_wait3A_104 = tpu.memref_slice %arg9[%dma_wait3A_102, %dma_wait3A_103] : memref<640x32xf32, #tpu.memory_space<vmem>> -> memref<128x32xf32, #tpu.memory_space<vmem>>
      %dma_wait3A_105 = arith.constant 128 : i32
      %dma_wait3A_106 = tpu.memref_slice %arg7[%dma_wait3A_101, %dma_wait3A_105] : memref<2x640xi32, #tpu.memory_space<vmem>> -> memref<1x128xi32, #tpu.memory_space<vmem>>
      %dma_wait3A_107 = tpu.memref_squeeze %dma_wait3A_106 : memref<1x128xi32, #tpu.memory_space<vmem>> -> memref<128xi32, #tpu.memory_space<vmem>>
      %dma_wait3A_108 = arith.constant 0 : i32
      %dma_wait3A_109 = arith.constant 0 : i32
      %dma_wait3A_110 = tpu.memref_slice %arg3[%dma_wait3A_108, %dma_wait3A_109] : memref<10000x32xf32, #tpu.memory_space<hbm>> -> memref<10000x32xf32, #tpu.memory_space<hbm>>
      tpu.wait_indirect_dma semaphore(%arg10 : memref<!tpu.dma_semaphore, #tpu.memory_space<semaphore_mem>>) src(%dma_wait3A_110 : memref<10000x32xf32, #tpu.memory_space<hbm>>) dst(%dma_wait3A_104 : memref<128x32xf32, #tpu.memory_space<vmem>>)
      %dma_wait3A_111 = arith.constant 0 : i32
      %dma_wait3A_112 = arith.constant 256 : i32
      %dma_wait3A_113 = arith.constant 0 : i32
      %dma_wait3A_114 = tpu.memref_slice %arg9[%dma_wait3A_112, %dma_wait3A_113] : memref<640x32xf32, #tpu.memory_space<vmem>> -> memref<128x32xf32, #tpu.memory_space<vmem>>
      %dma_wait3A_115 = arith.constant 256 : i32
      %dma_wait3A_116 = tpu.memref_slice %arg7[%dma_wait3A_111, %dma_wait3A_115] : memref<2x640xi32, #tpu.memory_space<vmem>> -> memref<1x128xi32, #tpu.memory_space<vmem>>
      %dma_wait3A_117 = tpu.memref_squeeze %dma_wait3A_116 : memref<1x128xi32, #tpu.memory_space<vmem>> -> memref<128xi32, #tpu.memory_space<vmem>>
      %dma_wait3A_118 = arith.constant 0 : i32
      %dma_wait3A_119 = arith.constant 0 : i32
      %dma_wait3A_120 = tpu.memref_slice %arg3[%dma_wait3A_118, %dma_wait3A_119] : memref<10000x32xf32, #tpu.memory_space<hbm>> -> memref<10000x32xf32, #tpu.memory_space<hbm>>
      tpu.wait_indirect_dma semaphore(%arg10 : memref<!tpu.dma_semaphore, #tpu.memory_space<semaphore_mem>>) src(%dma_wait3A_120 : memref<10000x32xf32, #tpu.memory_space<hbm>>) dst(%dma_wait3A_114 : memref<128x32xf32, #tpu.memory_space<vmem>>)
      %dma_wait3A_121 = arith.constant 0 : i32
      %dma_wait3A_122 = arith.constant 384 : i32
      %dma_wait3A_123 = arith.constant 0 : i32
      %dma_wait3A_124 = tpu.memref_slice %arg9[%dma_wait3A_122, %dma_wait3A_123] : memref<640x32xf32, #tpu.memory_space<vmem>> -> memref<128x32xf32, #tpu.memory_space<vmem>>
      %dma_wait3A_125 = arith.constant 384 : i32
      %dma_wait3A_126 = tpu.memref_slice %arg7[%dma_wait3A_121, %dma_wait3A_125] : memref<2x640xi32, #tpu.memory_space<vmem>> -> memref<1x128xi32, #tpu.memory_space<vmem>>
      %dma_wait3A_127 = tpu.memref_squeeze %dma_wait3A_126 : memref<1x128xi32, #tpu.memory_space<vmem>> -> memref<128xi32, #tpu.memory_space<vmem>>
      %dma_wait3A_128 = arith.constant 0 : i32
      %dma_wait3A_129 = arith.constant 0 : i32
      %dma_wait3A_130 = tpu.memref_slice %arg3[%dma_wait3A_128, %dma_wait3A_129] : memref<10000x32xf32, #tpu.memory_space<hbm>> -> memref<10000x32xf32, #tpu.memory_space<hbm>>
      tpu.wait_indirect_dma semaphore(%arg10 : memref<!tpu.dma_semaphore, #tpu.memory_space<semaphore_mem>>) src(%dma_wait3A_130 : memref<10000x32xf32, #tpu.memory_space<hbm>>) dst(%dma_wait3A_124 : memref<128x32xf32, #tpu.memory_space<vmem>>)
      %dma_wait3A_131 = arith.constant 0 : i32
      %dma_wait3A_132 = arith.constant 512 : i32
      %dma_wait3A_133 = arith.constant 0 : i32
      %dma_wait3A_134 = tpu.memref_slice %arg9[%dma_wait3A_132, %dma_wait3A_133] : memref<640x32xf32, #tpu.memory_space<vmem>> -> memref<128x32xf32, #tpu.memory_space<vmem>>
      %dma_wait3A_135 = arith.constant 512 : i32
      %dma_wait3A_136 = tpu.memref_slice %arg7[%dma_wait3A_131, %dma_wait3A_135] : memref<2x640xi32, #tpu.memory_space<vmem>> -> memref<1x128xi32, #tpu.memory_space<vmem>>
      %dma_wait3A_137 = tpu.memref_squeeze %dma_wait3A_136 : memref<1x128xi32, #tpu.memory_space<vmem>> -> memref<128xi32, #tpu.memory_space<vmem>>
      %dma_wait3A_138 = arith.constant 0 : i32
      %dma_wait3A_139 = arith.constant 0 : i32
      %dma_wait3A_140 = tpu.memref_slice %arg3[%dma_wait3A_138, %dma_wait3A_139] : memref<10000x32xf32, #tpu.memory_space<hbm>> -> memref<10000x32xf32, #tpu.memory_space<hbm>>
      tpu.wait_indirect_dma semaphore(%arg10 : memref<!tpu.dma_semaphore, #tpu.memory_space<semaphore_mem>>) src(%dma_wait3A_140 : memref<10000x32xf32, #tpu.memory_space<hbm>>) dst(%dma_wait3A_134 : memref<128x32xf32, #tpu.memory_space<vmem>>)
      "tpu.region"() ({
        %run_scoped3A = tpu.sem_alloc : memref<!tpu.dma_semaphore, #tpu.memory_space<semaphore_mem>>
        %dma_start3A_141 = arith.constant 0 : i32
        %dma_start3A_142 = tpu.memref_slice %arg5[%mul3A_37, %dma_start3A_141] : memref<320000x128xf32, #tpu.memory_space<hbm>> -> memref<640x32xf32, #tpu.memory_space<hbm>>
        %dma_start3A_143 = arith.constant 0 : i32
        %dma_start3A_144 = tpu.memref_slice %arg5[%mul3A_37, %dma_start3A_143] : memref<320000x128xf32, #tpu.memory_space<hbm>> -> memref<640x32xf32, #tpu.memory_space<hbm>>
        tpu.enqueue_dma source(%arg8 : memref<640x32xf32, #tpu.memory_space<vmem>>) target(%dma_start3A_144 : memref<640x32xf32, #tpu.memory_space<hbm>>) target_semaphore(%run_scoped3A : memref<!tpu.dma_semaphore, #tpu.memory_space<semaphore_mem>>)
        %dma_wait3A_145 = arith.constant 0 : i32
        %dma_wait3A_146 = tpu.memref_slice %arg5[%mul3A_37, %dma_wait3A_145] : memref<320000x128xf32, #tpu.memory_space<hbm>> -> memref<640x32xf32, #tpu.memory_space<hbm>>
        %dma_wait3A_147 = arith.constant 0 : i32
        %dma_wait3A_148 = tpu.memref_slice %arg5[%mul3A_37, %dma_wait3A_147] : memref<320000x128xf32, #tpu.memory_space<hbm>> -> memref<640x32xf32, #tpu.memory_space<hbm>>
        tpu.wait_dma2 semaphore(%run_scoped3A : memref<!tpu.dma_semaphore, #tpu.memory_space<semaphore_mem>>) src(%arg8 : memref<640x32xf32, #tpu.memory_space<vmem>>) dst(%dma_wait3A_148 : memref<640x32xf32, #tpu.memory_space<hbm>>)
        tpu.yield
      }) : () -> ()
      "tpu.region"() ({
        %run_scoped3A = tpu.sem_alloc : memref<!tpu.dma_semaphore, #tpu.memory_space<semaphore_mem>>
        %dma_start3A_141 = arith.constant 32 : i32
        %dma_start3A_142 = tpu.memref_slice %arg5[%mul3A_37, %dma_start3A_141] : memref<320000x128xf32, #tpu.memory_space<hbm>> -> memref<640x32xf32, #tpu.memory_space<hbm>>
        %dma_start3A_143 = arith.constant 32 : i32
        %dma_start3A_144 = tpu.memref_slice %arg5[%mul3A_37, %dma_start3A_143] : memref<320000x128xf32, #tpu.memory_space<hbm>> -> memref<640x32xf32, #tpu.memory_space<hbm>>
        tpu.enqueue_dma source(%arg9 : memref<640x32xf32, #tpu.memory_space<vmem>>) target(%dma_start3A_144 : memref<640x32xf32, #tpu.memory_space<hbm>>) target_semaphore(%run_scoped3A : memref<!tpu.dma_semaphore, #tpu.memory_space<semaphore_mem>>)
        %dma_wait3A_145 = arith.constant 32 : i32
        %dma_wait3A_146 = tpu.memref_slice %arg5[%mul3A_37, %dma_wait3A_145] : memref<320000x128xf32, #tpu.memory_space<hbm>> -> memref<640x32xf32, #tpu.memory_space<hbm>>
        %dma_wait3A_147 = arith.constant 32 : i32
        %dma_wait3A_148 = tpu.memref_slice %arg5[%mul3A_37, %dma_wait3A_147] : memref<320000x128xf32, #tpu.memory_space<hbm>> -> memref<640x32xf32, #tpu.memory_space<hbm>>
        tpu.wait_dma2 semaphore(%run_scoped3A : memref<!tpu.dma_semaphore, #tpu.memory_space<semaphore_mem>>) src(%arg9 : memref<640x32xf32, #tpu.memory_space<vmem>>) dst(%dma_wait3A_148 : memref<640x32xf32, #tpu.memory_space<hbm>>)
        tpu.yield
      }) : () -> ()
    }
    %while3A_31 = arith.constant 1 : i32
    scf.for %while3A_32 = %while3A_29 to %while3A_25 step %while3A_31  : i32 {
      %mul3A_33 = arith.constant 32 : i32
      %mul3A_34 = arith.muli %while3A_32, %mul3A_33 : i32
      %add3A_35 = arith.addi %add3A, %mul3A_34 : i32
      %mul3A_36 = arith.constant 640 : i32
      %mul3A_37 = arith.muli %add3A_35, %mul3A_36 : i32
      "tpu.region"() ({
        %run_scoped3A = tpu.sem_alloc : memref<!tpu.dma_semaphore, #tpu.memory_space<semaphore_mem>>
        %dma_start3A_141 = arith.constant 0 : i32
        %dma_start3A_142 = tpu.memref_slice %arg4[%dma_start3A_141, %mul3A_37] : memref<2x320000xi32, #tpu.memory_space<hbm>> -> memref<2x640xi32, #tpu.memory_space<hbm>>
        %dma_start3A_143 = arith.constant 0 : i32
        %dma_start3A_144 = tpu.memref_slice %arg4[%dma_start3A_143, %mul3A_37] : memref<2x320000xi32, #tpu.memory_space<hbm>> -> memref<2x640xi32, #tpu.memory_space<hbm>>
        tpu.enqueue_dma source(%dma_start3A_144 : memref<2x640xi32, #tpu.memory_space<hbm>>) target(%arg7 : memref<2x640xi32, #tpu.memory_space<vmem>>) target_semaphore(%run_scoped3A : memref<!tpu.dma_semaphore, #tpu.memory_space<semaphore_mem>>)
        %dma_wait3A_145 = arith.constant 0 : i32
        %dma_wait3A_146 = tpu.memref_slice %arg4[%dma_wait3A_145, %mul3A_37] : memref<2x320000xi32, #tpu.memory_space<hbm>> -> memref<2x640xi32, #tpu.memory_space<hbm>>
        %dma_wait3A_147 = arith.constant 0 : i32
        %dma_wait3A_148 = tpu.memref_slice %arg4[%dma_wait3A_147, %mul3A_37] : memref<2x320000xi32, #tpu.memory_space<hbm>> -> memref<2x640xi32, #tpu.memory_space<hbm>>
        tpu.wait_dma2 semaphore(%run_scoped3A : memref<!tpu.dma_semaphore, #tpu.memory_space<semaphore_mem>>) src(%dma_wait3A_148 : memref<2x640xi32, #tpu.memory_space<hbm>>) dst(%arg7 : memref<2x640xi32, #tpu.memory_space<vmem>>)
        tpu.yield
      }) : () -> ()
      %dma_start3A = arith.constant 0 : i32
      %dma_start3A_38 = arith.constant 0 : i32
      %dma_start3A_39 = arith.constant 0 : i32
      %dma_start3A_40 = tpu.memref_slice %arg9[%dma_start3A_38, %dma_start3A_39] : memref<640x32xf32, #tpu.memory_space<vmem>> -> memref<128x32xf32, #tpu.memory_space<vmem>>
      %dma_start3A_41 = arith.constant 0 : i32
      %dma_start3A_42 = tpu.memref_slice %arg7[%dma_start3A, %dma_start3A_41] : memref<2x640xi32, #tpu.memory_space<vmem>> -> memref<1x128xi32, #tpu.memory_space<vmem>>
      %dma_start3A_43 = tpu.memref_squeeze %dma_start3A_42 : memref<1x128xi32, #tpu.memory_space<vmem>> -> memref<128xi32, #tpu.memory_space<vmem>>
      %dma_start3A_44 = arith.constant 0 : i32
      %dma_start3A_45 = arith.constant 0 : i32
      %dma_start3A_46 = tpu.memref_slice %arg3[%dma_start3A_44, %dma_start3A_45] : memref<10000x32xf32, #tpu.memory_space<hbm>> -> memref<10000x32xf32, #tpu.memory_space<hbm>>
      tpu.enqueue_indirect_dma source(%dma_start3A_46 : memref<10000x32xf32, #tpu.memory_space<hbm>>) target(%dma_start3A_40 : memref<128x32xf32, #tpu.memory_space<vmem>>) offsets(%dma_start3A_43 : memref<128xi32, #tpu.memory_space<vmem>>) semaphore(%arg10 : memref<!tpu.dma_semaphore, #tpu.memory_space<semaphore_mem>>)
      %dma_start3A_47 = arith.constant 0 : i32
      %dma_start3A_48 = arith.constant 128 : i32
      %dma_start3A_49 = arith.constant 0 : i32
      %dma_start3A_50 = tpu.memref_slice %arg9[%dma_start3A_48, %dma_start3A_49] : memref<640x32xf32, #tpu.memory_space<vmem>> -> memref<128x32xf32, #tpu.memory_space<vmem>>
      %dma_start3A_51 = arith.constant 128 : i32
      %dma_start3A_52 = tpu.memref_slice %arg7[%dma_start3A_47, %dma_start3A_51] : memref<2x640xi32, #tpu.memory_space<vmem>> -> memref<1x128xi32, #tpu.memory_space<vmem>>
      %dma_start3A_53 = tpu.memref_squeeze %dma_start3A_52 : memref<1x128xi32, #tpu.memory_space<vmem>> -> memref<128xi32, #tpu.memory_space<vmem>>
      %dma_start3A_54 = arith.constant 0 : i32
      %dma_start3A_55 = arith.constant 0 : i32
      %dma_start3A_56 = tpu.memref_slice %arg3[%dma_start3A_54, %dma_start3A_55] : memref<10000x32xf32, #tpu.memory_space<hbm>> -> memref<10000x32xf32, #tpu.memory_space<hbm>>
      tpu.enqueue_indirect_dma source(%dma_start3A_56 : memref<10000x32xf32, #tpu.memory_space<hbm>>) target(%dma_start3A_50 : memref<128x32xf32, #tpu.memory_space<vmem>>) offsets(%dma_start3A_53 : memref<128xi32, #tpu.memory_space<vmem>>) semaphore(%arg10 : memref<!tpu.dma_semaphore, #tpu.memory_space<semaphore_mem>>)
      %dma_start3A_57 = arith.constant 0 : i32
      %dma_start3A_58 = arith.constant 256 : i32
      %dma_start3A_59 = arith.constant 0 : i32
      %dma_start3A_60 = tpu.memref_slice %arg9[%dma_start3A_58, %dma_start3A_59] : memref<640x32xf32, #tpu.memory_space<vmem>> -> memref<128x32xf32, #tpu.memory_space<vmem>>
      %dma_start3A_61 = arith.constant 256 : i32
      %dma_start3A_62 = tpu.memref_slice %arg7[%dma_start3A_57, %dma_start3A_61] : memref<2x640xi32, #tpu.memory_space<vmem>> -> memref<1x128xi32, #tpu.memory_space<vmem>>
      %dma_start3A_63 = tpu.memref_squeeze %dma_start3A_62 : memref<1x128xi32, #tpu.memory_space<vmem>> -> memref<128xi32, #tpu.memory_space<vmem>>
      %dma_start3A_64 = arith.constant 0 : i32
      %dma_start3A_65 = arith.constant 0 : i32
      %dma_start3A_66 = tpu.memref_slice %arg3[%dma_start3A_64, %dma_start3A_65] : memref<10000x32xf32, #tpu.memory_space<hbm>> -> memref<10000x32xf32, #tpu.memory_space<hbm>>
      tpu.enqueue_indirect_dma source(%dma_start3A_66 : memref<10000x32xf32, #tpu.memory_space<hbm>>) target(%dma_start3A_60 : memref<128x32xf32, #tpu.memory_space<vmem>>) offsets(%dma_start3A_63 : memref<128xi32, #tpu.memory_space<vmem>>) semaphore(%arg10 : memref<!tpu.dma_semaphore, #tpu.memory_space<semaphore_mem>>)
      %dma_start3A_67 = arith.constant 0 : i32
      %dma_start3A_68 = arith.constant 384 : i32
      %dma_start3A_69 = arith.constant 0 : i32
      %dma_start3A_70 = tpu.memref_slice %arg9[%dma_start3A_68, %dma_start3A_69] : memref<640x32xf32, #tpu.memory_space<vmem>> -> memref<128x32xf32, #tpu.memory_space<vmem>>
      %dma_start3A_71 = arith.constant 384 : i32
      %dma_start3A_72 = tpu.memref_slice %arg7[%dma_start3A_67, %dma_start3A_71] : memref<2x640xi32, #tpu.memory_space<vmem>> -> memref<1x128xi32, #tpu.memory_space<vmem>>
      %dma_start3A_73 = tpu.memref_squeeze %dma_start3A_72 : memref<1x128xi32, #tpu.memory_space<vmem>> -> memref<128xi32, #tpu.memory_space<vmem>>
      %dma_start3A_74 = arith.constant 0 : i32
      %dma_start3A_75 = arith.constant 0 : i32
      %dma_start3A_76 = tpu.memref_slice %arg3[%dma_start3A_74, %dma_start3A_75] : memref<10000x32xf32, #tpu.memory_space<hbm>> -> memref<10000x32xf32, #tpu.memory_space<hbm>>
      tpu.enqueue_indirect_dma source(%dma_start3A_76 : memref<10000x32xf32, #tpu.memory_space<hbm>>) target(%dma_start3A_70 : memref<128x32xf32, #tpu.memory_space<vmem>>) offsets(%dma_start3A_73 : memref<128xi32, #tpu.memory_space<vmem>>) semaphore(%arg10 : memref<!tpu.dma_semaphore, #tpu.memory_space<semaphore_mem>>)
      %dma_start3A_77 = arith.constant 0 : i32
      %dma_start3A_78 = arith.constant 512 : i32
      %dma_start3A_79 = arith.constant 0 : i32
      %dma_start3A_80 = tpu.memref_slice %arg9[%dma_start3A_78, %dma_start3A_79] : memref<640x32xf32, #tpu.memory_space<vmem>> -> memref<128x32xf32, #tpu.memory_space<vmem>>
      %dma_start3A_81 = arith.constant 512 : i32
      %dma_start3A_82 = tpu.memref_slice %arg7[%dma_start3A_77, %dma_start3A_81] : memref<2x640xi32, #tpu.memory_space<vmem>> -> memref<1x128xi32, #tpu.memory_space<vmem>>
      %dma_start3A_83 = tpu.memref_squeeze %dma_start3A_82 : memref<1x128xi32, #tpu.memory_space<vmem>> -> memref<128xi32, #tpu.memory_space<vmem>>
      %dma_start3A_84 = arith.constant 0 : i32
      %dma_start3A_85 = arith.constant 0 : i32
      %dma_start3A_86 = tpu.memref_slice %arg3[%dma_start3A_84, %dma_start3A_85] : memref<10000x32xf32, #tpu.memory_space<hbm>> -> memref<10000x32xf32, #tpu.memory_space<hbm>>
      tpu.enqueue_indirect_dma source(%dma_start3A_86 : memref<10000x32xf32, #tpu.memory_space<hbm>>) target(%dma_start3A_80 : memref<128x32xf32, #tpu.memory_space<vmem>>) offsets(%dma_start3A_83 : memref<128xi32, #tpu.memory_space<vmem>>) semaphore(%arg10 : memref<!tpu.dma_semaphore, #tpu.memory_space<semaphore_mem>>)
      %scan3A = arith.constant 0 : i32
      %scan3A_87 = arith.constant 0 : i32
      %scan3A_88 = arith.constant 40 : i32
      %scan3A_89 = arith.addi %scan3A_87, %scan3A_88 : i32
      %scan3A_90 = arith.constant 1 : i32
      scf.for %scan3A_141 = %scan3A_87 to %scan3A_89 step %scan3A_90  : i32 {
        %mul3A_142 = arith.constant 16 : i32
        %mul3A_143 = arith.muli %scan3A_141, %mul3A_142 : i32
        %get3A = arith.constant 0 : i32
        %get3A_144 = arith.index_cast %get3A : i32 to index
        %get3A_145 = arith.index_cast %mul3A_143 : i32 to index
        %get3A_146 = tpu.vector_load %arg7[%get3A_144, %get3A_145] {strides = array<i32>} : memref<2x640xi32, #tpu.memory_space<vmem>>, vector<16xi32>,
        %mul3A_147 = arith.constant 4 : i32
        %mul3A_148 = vector.broadcast %mul3A_147 : i32 to vector<16xi32>
        %mul3A_149 = arith.muli %get3A_146, %mul3A_148 : vector<16xi32>
        %mul3A_150 = arith.constant 16 : i32
        %mul3A_151 = arith.muli %scan3A_141, %mul3A_150 : i32
        %get3A_152 = arith.constant 1 : i32
        %get3A_153 = arith.index_cast %get3A_152 : i32 to index
        %get3A_154 = arith.index_cast %mul3A_151 : i32 to index
        %get3A_155 = tpu.vector_load %arg7[%get3A_153, %get3A_154] {strides = array<i32>} : memref<2x640xi32, #tpu.memory_space<vmem>>, vector<16xi32>,
        %mul3A_156 = arith.constant 4 : i32
        %mul3A_157 = vector.broadcast %mul3A_156 : i32 to vector<16xi32>
        %mul3A_158 = arith.muli %get3A_155, %mul3A_157 : vector<16xi32>
        %gather3A = tpu.vector_load_idx %arg6[%mul3A_149] : memref<40000xf32, #tpu.memory_space<vmem>>[vector<16xi32>], vector<16xf32>,
        %gather3A_159 = tpu.vector_load_idx %arg6[%mul3A_158] : memref<40000xf32, #tpu.memory_space<vmem>>[vector<16xi32>], vector<16xf32>,
        %sub3A_160 = arith.subf %gather3A, %gather3A_159 : vector<16xf32>
        %add3A_161 = arith.constant 1 : i32
        %add3A_162 = vector.broadcast %add3A_161 : i32 to vector<16xi32>
        %add3A_163 = arith.addi %mul3A_149, %add3A_162 : vector<16xi32>
        %gather3A_164 = tpu.vector_load_idx %arg6[%add3A_163] : memref<40000xf32, #tpu.memory_space<vmem>>[vector<16xi32>], vector<16xf32>,
        %add3A_165 = arith.constant 1 : i32
        %add3A_166 = vector.broadcast %add3A_165 : i32 to vector<16xi32>
        %add3A_167 = arith.addi %mul3A_158, %add3A_166 : vector<16xi32>
        %gather3A_168 = tpu.vector_load_idx %arg6[%add3A_167] : memref<40000xf32, #tpu.memory_space<vmem>>[vector<16xi32>], vector<16xf32>,
        %sub3A_169 = arith.subf %gather3A_164, %gather3A_168 : vector<16xf32>
        %add3A_170 = arith.constant 2 : i32
        %add3A_171 = vector.broadcast %add3A_170 : i32 to vector<16xi32>
        %add3A_172 = arith.addi %mul3A_149, %add3A_171 : vector<16xi32>
        %gather3A_173 = tpu.vector_load_idx %arg6[%add3A_172] : memref<40000xf32, #tpu.memory_space<vmem>>[vector<16xi32>], vector<16xf32>,
        %add3A_174 = arith.constant 2 : i32
        %add3A_175 = vector.broadcast %add3A_174 : i32 to vector<16xi32>
        %add3A_176 = arith.addi %mul3A_158, %add3A_175 : vector<16xi32>
        %gather3A_177 = tpu.vector_load_idx %arg6[%add3A_176] : memref<40000xf32, #tpu.memory_space<vmem>>[vector<16xi32>], vector<16xf32>,
        %sub3A_178 = arith.subf %gather3A_173, %gather3A_177 : vector<16xf32>
        %mul3A_179 = arith.mulf %sub3A_160, %sub3A_160 : vector<16xf32>
        %mul3A_180 = arith.mulf %sub3A_169, %sub3A_169 : vector<16xf32>
        %add3A_181 = arith.addf %mul3A_179, %mul3A_180 : vector<16xf32>
        %mul3A_182 = arith.mulf %sub3A_178, %sub3A_178 : vector<16xf32>
        %add3A_183 = arith.addf %add3A_181, %mul3A_182 : vector<16xf32>
        %add3A_184 = arith.constant 9.99999971E-10 : f32
        %add3A_185 = vector.broadcast %add3A_184 : f32 to vector<16xf32>
        %add3A_186 = arith.addf %add3A_183, %add3A_185 : vector<16xf32>
        %bitcast3A = vector.bitcast %add3A_186 : vector<16xf32> to vector<16xi32>
        %shift_right_arithmetic3A = arith.constant 1 : i32
        %shift_right_arithmetic3A_187 = vector.broadcast %shift_right_arithmetic3A : i32 to vector<16xi32>
        %shift_right_arithmetic3A_188 = arith.shrsi %bitcast3A, %shift_right_arithmetic3A_187 : vector<16xi32>
        %sub3A_189 = arith.constant 1597463007 : i32
        %sub3A_190 = vector.broadcast %sub3A_189 : i32 to vector<16xi32>
        %sub3A_191 = arith.subi %sub3A_190, %shift_right_arithmetic3A_188 : vector<16xi32>
        %bitcast3A_192 = vector.bitcast %sub3A_191 : vector<16xi32> to vector<16xf32>
        %mul3A_193 = arith.constant 5.000000e-01 : f32
        %mul3A_194 = vector.broadcast %mul3A_193 : f32 to vector<16xf32>
        %mul3A_195 = arith.mulf %mul3A_194, %add3A_186 : vector<16xf32>
        %mul3A_196 = arith.mulf %mul3A_195, %bitcast3A_192 : vector<16xf32>
        %mul3A_197 = arith.mulf %mul3A_196, %bitcast3A_192 : vector<16xf32>
        %sub3A_198 = arith.constant 1.500000e+00 : f32
        %sub3A_199 = vector.broadcast %sub3A_198 : f32 to vector<16xf32>
        %sub3A_200 = arith.subf %sub3A_199, %mul3A_197 : vector<16xf32>
        %mul3A_201 = arith.mulf %bitcast3A_192, %sub3A_200 : vector<16xf32>
        %mul3A_202 = arith.constant 5.000000e-01 : f32
        %mul3A_203 = vector.broadcast %mul3A_202 : f32 to vector<16xf32>
        %mul3A_204 = arith.mulf %mul3A_203, %add3A_186 : vector<16xf32>
        %mul3A_205 = arith.mulf %mul3A_204, %mul3A_201 : vector<16xf32>
        %mul3A_206 = arith.mulf %mul3A_205, %mul3A_201 : vector<16xf32>
        %sub3A_207 = arith.constant 1.500000e+00 : f32
        %sub3A_208 = vector.broadcast %sub3A_207 : f32 to vector<16xf32>
        %sub3A_209 = arith.subf %sub3A_208, %mul3A_206 : vector<16xf32>
        %mul3A_210 = arith.mulf %mul3A_201, %sub3A_209 : vector<16xf32>
        %mul3A_211 = arith.constant 5.000000e-01 : f32
        %mul3A_212 = vector.broadcast %mul3A_211 : f32 to vector<16xf32>
        %mul3A_213 = arith.mulf %mul3A_212, %add3A_186 : vector<16xf32>
        %mul3A_214 = arith.mulf %mul3A_213, %mul3A_210 : vector<16xf32>
        %mul3A_215 = arith.mulf %mul3A_214, %mul3A_210 : vector<16xf32>
        %sub3A_216 = arith.constant 1.500000e+00 : f32
        %sub3A_217 = vector.broadcast %sub3A_216 : f32 to vector<16xf32>
        %sub3A_218 = arith.subf %sub3A_217, %mul3A_215 : vector<16xf32>
        %mul3A_219 = arith.mulf %mul3A_210, %sub3A_218 : vector<16xf32>
        %mul3A_220 = arith.mulf %add3A_186, %mul3A_219 : vector<16xf32>
        %mul3A_221 = arith.mulf %sub3A_160, %mul3A_219 : vector<16xf32>
        %mul3A_222 = arith.mulf %sub3A_169, %mul3A_219 : vector<16xf32>
        %mul3A_223 = arith.mulf %sub3A_178, %mul3A_219 : vector<16xf32>
        %mul3A_224 = arith.mulf %mul3A_223, %mul3A_223 : vector<16xf32>
        %mul3A_225 = arith.constant 5.000000e-02 : f32
        %mul3A_226 = vector.broadcast %mul3A_225 : f32 to vector<16xf32>
        %mul3A_227 = arith.mulf %mul3A_220, %mul3A_226 : vector<16xf32>
        %max3A = arith.constant 0.000000e+00 : f32
        %max3A_228 = vector.broadcast %max3A : f32 to vector<16xf32>
        %max3A_229 = arith.maximumf %mul3A_227, %max3A_228 : vector<16xf32>
        %min3A = arith.constant 1.000000e+00 : f32
        %min3A_230 = vector.broadcast %min3A : f32 to vector<16xf32>
        %min3A_231 = arith.minimumf %max3A_229, %min3A_230 : vector<16xf32>
        %sub3A_232 = arith.constant 5.000000e-01 : f32
        %sub3A_233 = vector.broadcast %sub3A_232 : f32 to vector<16xf32>
        %sub3A_234 = arith.subf %min3A_231, %sub3A_233 : vector<16xf32>
        %mul3A_235 = arith.constant 3.14159274 : f32
        %mul3A_236 = vector.broadcast %mul3A_235 : f32 to vector<16xf32>
        %mul3A_237 = arith.mulf %mul3A_236, %sub3A_234 : vector<16xf32>
        %mul3A_238 = arith.mulf %mul3A_237, %mul3A_237 : vector<16xf32>
        %mul3A_239 = arith.constant 2.75573188E-6 : f32
        %mul3A_240 = vector.broadcast %mul3A_239 : f32 to vector<16xf32>
        %mul3A_241 = arith.mulf %mul3A_238, %mul3A_240 : vector<16xf32>
        %add3A_242 = arith.constant -1.98412701E-4 : f32
        %add3A_243 = vector.broadcast %add3A_242 : f32 to vector<16xf32>
        %add3A_244 = arith.addf %add3A_243, %mul3A_241 : vector<16xf32>
        %mul3A_245 = arith.mulf %mul3A_238, %add3A_244 : vector<16xf32>
        %add3A_246 = arith.constant 0.00833333377 : f32
        %add3A_247 = vector.broadcast %add3A_246 : f32 to vector<16xf32>
        %add3A_248 = arith.addf %add3A_247, %mul3A_245 : vector<16xf32>
        %mul3A_249 = arith.mulf %mul3A_238, %add3A_248 : vector<16xf32>
        %add3A_250 = arith.constant -0.166666672 : f32
        %add3A_251 = vector.broadcast %add3A_250 : f32 to vector<16xf32>
        %add3A_252 = arith.addf %add3A_251, %mul3A_249 : vector<16xf32>
        %mul3A_253 = arith.mulf %mul3A_238, %add3A_252 : vector<16xf32>
        %add3A_254 = arith.constant 1.000000e+00 : f32
        %add3A_255 = vector.broadcast %add3A_254 : f32 to vector<16xf32>
        %add3A_256 = arith.addf %add3A_255, %mul3A_253 : vector<16xf32>
        %mul3A_257 = arith.mulf %mul3A_237, %add3A_256 : vector<16xf32>
        %sub3A_258 = arith.constant 1.000000e+00 : f32
        %sub3A_259 = vector.broadcast %sub3A_258 : f32 to vector<16xf32>
        %sub3A_260 = arith.subf %sub3A_259, %mul3A_257 : vector<16xf32>
        %mul3A_261 = arith.constant 5.000000e-01 : f32
        %mul3A_262 = vector.broadcast %mul3A_261 : f32 to vector<16xf32>
        %mul3A_263 = arith.mulf %mul3A_262, %sub3A_260 : vector<16xf32>
        %mul3A_264 = arith.constant 1.73205078 : f32
        %mul3A_265 = vector.broadcast %mul3A_264 : f32 to vector<16xf32>
        %mul3A_266 = arith.mulf %mul3A_265, %mul3A_221 : vector<16xf32>
        %mul3A_267 = arith.mulf %mul3A_266, %mul3A_263 : vector<16xf32>
        %mul3A_268 = arith.constant 1.73205078 : f32
        %mul3A_269 = vector.broadcast %mul3A_268 : f32 to vector<16xf32>
        %mul3A_270 = arith.mulf %mul3A_269, %mul3A_222 : vector<16xf32>
        %mul3A_271 = arith.mulf %mul3A_270, %mul3A_263 : vector<16xf32>
        %mul3A_272 = arith.constant 1.73205078 : f32
        %mul3A_273 = vector.broadcast %mul3A_272 : f32 to vector<16xf32>
        %mul3A_274 = arith.mulf %mul3A_273, %mul3A_223 : vector<16xf32>
        %mul3A_275 = arith.mulf %mul3A_274, %mul3A_263 : vector<16xf32>
        %mul3A_276 = arith.constant 3.87298346 : f32
        %mul3A_277 = vector.broadcast %mul3A_276 : f32 to vector<16xf32>
        %mul3A_278 = arith.mulf %mul3A_277, %mul3A_221 : vector<16xf32>
        %mul3A_279 = arith.mulf %mul3A_278, %mul3A_222 : vector<16xf32>
        %mul3A_280 = arith.mulf %mul3A_279, %mul3A_263 : vector<16xf32>
        %mul3A_281 = arith.constant 3.87298346 : f32
        %mul3A_282 = vector.broadcast %mul3A_281 : f32 to vector<16xf32>
        %mul3A_283 = arith.mulf %mul3A_282, %mul3A_222 : vector<16xf32>
        %mul3A_284 = arith.mulf %mul3A_283, %mul3A_223 : vector<16xf32>
        %mul3A_285 = arith.mulf %mul3A_284, %mul3A_263 : vector<16xf32>
        %mul3A_286 = arith.constant 3.000000e+00 : f32
        %mul3A_287 = vector.broadcast %mul3A_286 : f32 to vector<16xf32>
        %mul3A_288 = arith.mulf %mul3A_287, %mul3A_224 : vector<16xf32>
        %sub3A_289 = arith.constant 1.000000e+00 : f32
        %sub3A_290 = vector.broadcast %sub3A_289 : f32 to vector<16xf32>
        %sub3A_291 = arith.subf %mul3A_288, %sub3A_290 : vector<16xf32>
        %mul3A_292 = arith.constant 1.11803401 : f32
        %mul3A_293 = vector.broadcast %mul3A_292 : f32 to vector<16xf32>
        %mul3A_294 = arith.mulf %mul3A_293, %sub3A_291 : vector<16xf32>
        %mul3A_295 = arith.mulf %mul3A_294, %mul3A_263 : vector<16xf32>
        %mul3A_296 = arith.constant 3.87298346 : f32
        %mul3A_297 = vector.broadcast %mul3A_296 : f32 to vector<16xf32>
        %mul3A_298 = arith.mulf %mul3A_297, %mul3A_221 : vector<16xf32>
        %mul3A_299 = arith.mulf %mul3A_298, %mul3A_223 : vector<16xf32>
        %mul3A_300 = arith.mulf %mul3A_299, %mul3A_263 : vector<16xf32>
        %mul3A_301 = arith.mulf %mul3A_221, %mul3A_221 : vector<16xf32>
        %mul3A_302 = arith.mulf %mul3A_222, %mul3A_222 : vector<16xf32>
        %sub3A_303 = arith.subf %mul3A_301, %mul3A_302 : vector<16xf32>
        %mul3A_304 = arith.constant 1.93649173 : f32
        %mul3A_305 = vector.broadcast %mul3A_304 : f32 to vector<16xf32>
        %mul3A_306 = arith.mulf %mul3A_305, %sub3A_303 : vector<16xf32>
        %mul3A_307 = arith.mulf %mul3A_306, %mul3A_263 : vector<16xf32>
        %mul3A_308 = arith.constant 2.091650e+00 : f32
        %mul3A_309 = vector.broadcast %mul3A_308 : f32 to vector<16xf32>
        %mul3A_310 = arith.mulf %mul3A_309, %mul3A_222 : vector<16xf32>
        %mul3A_311 = arith.constant 3.000000e+00 : f32
        %mul3A_312 = vector.broadcast %mul3A_311 : f32 to vector<16xf32>
        %mul3A_313 = arith.mulf %mul3A_312, %mul3A_221 : vector<16xf32>
        %mul3A_314 = arith.mulf %mul3A_313, %mul3A_221 : vector<16xf32>
        %mul3A_315 = arith.mulf %mul3A_222, %mul3A_222 : vector<16xf32>
        %sub3A_316 = arith.subf %mul3A_314, %mul3A_315 : vector<16xf32>
        %mul3A_317 = arith.mulf %mul3A_310, %sub3A_316 : vector<16xf32>
        %mul3A_318 = arith.mulf %mul3A_317, %mul3A_263 : vector<16xf32>
        %mul3A_319 = arith.constant 10.2469511 : f32
        %mul3A_320 = vector.broadcast %mul3A_319 : f32 to vector<16xf32>
        %mul3A_321 = arith.mulf %mul3A_320, %mul3A_221 : vector<16xf32>
        %mul3A_322 = arith.mulf %mul3A_321, %mul3A_222 : vector<16xf32>
        %mul3A_323 = arith.mulf %mul3A_322, %mul3A_223 : vector<16xf32>
        %mul3A_324 = arith.mulf %mul3A_323, %mul3A_263 : vector<16xf32>
        %mul3A_325 = arith.constant 1.62018514 : f32
        %mul3A_326 = vector.broadcast %mul3A_325 : f32 to vector<16xf32>
        %mul3A_327 = arith.mulf %mul3A_326, %mul3A_222 : vector<16xf32>
        %mul3A_328 = arith.constant 5.000000e+00 : f32
        %mul3A_329 = vector.broadcast %mul3A_328 : f32 to vector<16xf32>
        %mul3A_330 = arith.mulf %mul3A_329, %mul3A_224 : vector<16xf32>
        %sub3A_331 = arith.constant 1.000000e+00 : f32
        %sub3A_332 = vector.broadcast %sub3A_331 : f32 to vector<16xf32>
        %sub3A_333 = arith.subf %mul3A_330, %sub3A_332 : vector<16xf32>
        %mul3A_334 = arith.mulf %mul3A_327, %sub3A_333 : vector<16xf32>
        %mul3A_335 = arith.mulf %mul3A_334, %mul3A_263 : vector<16xf32>
        %mul3A_336 = arith.constant 5.000000e+00 : f32
        %mul3A_337 = vector.broadcast %mul3A_336 : f32 to vector<16xf32>
        %mul3A_338 = arith.mulf %mul3A_337, %mul3A_224 : vector<16xf32>
        %sub3A_339 = arith.constant 3.000000e+00 : f32
        %sub3A_340 = vector.broadcast %sub3A_339 : f32 to vector<16xf32>
        %sub3A_341 = arith.subf %mul3A_338, %sub3A_340 : vector<16xf32>
        %mul3A_342 = arith.constant 1.32287562 : f32
        %mul3A_343 = vector.broadcast %mul3A_342 : f32 to vector<16xf32>
        %mul3A_344 = arith.mulf %mul3A_343, %sub3A_341 : vector<16xf32>
        %mul3A_345 = arith.mulf %mul3A_344, %mul3A_223 : vector<16xf32>
        %mul3A_346 = arith.mulf %mul3A_345, %mul3A_263 : vector<16xf32>
        %mul3A_347 = arith.constant 1.62018514 : f32
        %mul3A_348 = vector.broadcast %mul3A_347 : f32 to vector<16xf32>
        %mul3A_349 = arith.mulf %mul3A_348, %mul3A_221 : vector<16xf32>
        %mul3A_350 = arith.constant 5.000000e+00 : f32
        %mul3A_351 = vector.broadcast %mul3A_350 : f32 to vector<16xf32>
        %mul3A_352 = arith.mulf %mul3A_351, %mul3A_224 : vector<16xf32>
        %sub3A_353 = arith.constant 1.000000e+00 : f32
        %sub3A_354 = vector.broadcast %sub3A_353 : f32 to vector<16xf32>
        %sub3A_355 = arith.subf %mul3A_352, %sub3A_354 : vector<16xf32>
        %mul3A_356 = arith.mulf %mul3A_349, %sub3A_355 : vector<16xf32>
        %mul3A_357 = arith.mulf %mul3A_356, %mul3A_263 : vector<16xf32>
        %mul3A_358 = arith.mulf %mul3A_221, %mul3A_221 : vector<16xf32>
        %mul3A_359 = arith.mulf %mul3A_222, %mul3A_222 : vector<16xf32>
        %sub3A_360 = arith.subf %mul3A_358, %mul3A_359 : vector<16xf32>
        %mul3A_361 = arith.constant 5.12347555 : f32
        %mul3A_362 = vector.broadcast %mul3A_361 : f32 to vector<16xf32>
        %mul3A_363 = arith.mulf %mul3A_362, %sub3A_360 : vector<16xf32>
        %mul3A_364 = arith.mulf %mul3A_363, %mul3A_223 : vector<16xf32>
        %mul3A_365 = arith.mulf %mul3A_364, %mul3A_263 : vector<16xf32>
        %mul3A_366 = arith.constant 2.091650e+00 : f32
        %mul3A_367 = vector.broadcast %mul3A_366 : f32 to vector<16xf32>
        %mul3A_368 = arith.mulf %mul3A_367, %mul3A_221 : vector<16xf32>
        %mul3A_369 = arith.mulf %mul3A_221, %mul3A_221 : vector<16xf32>
        %mul3A_370 = arith.mulf %mul3A_222, %mul3A_222 : vector<16xf32>
        %sub3A_371 = arith.subf %mul3A_369, %mul3A_370 : vector<16xf32>
        %mul3A_372 = arith.mulf %mul3A_368, %sub3A_371 : vector<16xf32>
        %mul3A_373 = arith.mulf %mul3A_372, %mul3A_263 : vector<16xf32>
        %mul3A_374 = arith.constant 16 : i32
        %mul3A_375 = arith.muli %scan3A_141, %mul3A_374 : i32
        %add3A_376 = vector.broadcast %mul3A_375 : i32 to vector<16xi32>
        %add3A_377 = arith.addi %add3A_376, %iota3A : vector<16xi32>
        %broadcast_in_dim3A = arith.constant 0 : i32
        %broadcast_in_dim3A_378 = vector.broadcast %broadcast_in_dim3A : i32 to vector<16xi32>
        tpu.vector_store_idx %arg8[%add3A_377, %broadcast_in_dim3A_378], %mul3A_263 : memref<640x32xf32, #tpu.memory_space<vmem>>[vector<16xi32>, vector<16xi32>], vector<16xf32>,
        %broadcast_in_dim3A_379 = arith.constant 1 : i32
        %broadcast_in_dim3A_380 = vector.broadcast %broadcast_in_dim3A_379 : i32 to vector<16xi32>
        tpu.vector_store_idx %arg8[%add3A_377, %broadcast_in_dim3A_380], %mul3A_267 : memref<640x32xf32, #tpu.memory_space<vmem>>[vector<16xi32>, vector<16xi32>], vector<16xf32>,
        %broadcast_in_dim3A_381 = arith.constant 2 : i32
        %broadcast_in_dim3A_382 = vector.broadcast %broadcast_in_dim3A_381 : i32 to vector<16xi32>
        tpu.vector_store_idx %arg8[%add3A_377, %broadcast_in_dim3A_382], %mul3A_271 : memref<640x32xf32, #tpu.memory_space<vmem>>[vector<16xi32>, vector<16xi32>], vector<16xf32>,
        %broadcast_in_dim3A_383 = arith.constant 3 : i32
        %broadcast_in_dim3A_384 = vector.broadcast %broadcast_in_dim3A_383 : i32 to vector<16xi32>
        tpu.vector_store_idx %arg8[%add3A_377, %broadcast_in_dim3A_384], %mul3A_275 : memref<640x32xf32, #tpu.memory_space<vmem>>[vector<16xi32>, vector<16xi32>], vector<16xf32>,
        %broadcast_in_dim3A_385 = arith.constant 4 : i32
        %broadcast_in_dim3A_386 = vector.broadcast %broadcast_in_dim3A_385 : i32 to vector<16xi32>
        tpu.vector_store_idx %arg8[%add3A_377, %broadcast_in_dim3A_386], %mul3A_280 : memref<640x32xf32, #tpu.memory_space<vmem>>[vector<16xi32>, vector<16xi32>], vector<16xf32>,
        %broadcast_in_dim3A_387 = arith.constant 5 : i32
        %broadcast_in_dim3A_388 = vector.broadcast %broadcast_in_dim3A_387 : i32 to vector<16xi32>
        tpu.vector_store_idx %arg8[%add3A_377, %broadcast_in_dim3A_388], %mul3A_285 : memref<640x32xf32, #tpu.memory_space<vmem>>[vector<16xi32>, vector<16xi32>], vector<16xf32>,
        %broadcast_in_dim3A_389 = arith.constant 6 : i32
        %broadcast_in_dim3A_390 = vector.broadcast %broadcast_in_dim3A_389 : i32 to vector<16xi32>
        tpu.vector_store_idx %arg8[%add3A_377, %broadcast_in_dim3A_390], %mul3A_295 : memref<640x32xf32, #tpu.memory_space<vmem>>[vector<16xi32>, vector<16xi32>], vector<16xf32>,
        %broadcast_in_dim3A_391 = arith.constant 7 : i32
        %broadcast_in_dim3A_392 = vector.broadcast %broadcast_in_dim3A_391 : i32 to vector<16xi32>
        tpu.vector_store_idx %arg8[%add3A_377, %broadcast_in_dim3A_392], %mul3A_300 : memref<640x32xf32, #tpu.memory_space<vmem>>[vector<16xi32>, vector<16xi32>], vector<16xf32>,
        %broadcast_in_dim3A_393 = arith.constant 8 : i32
        %broadcast_in_dim3A_394 = vector.broadcast %broadcast_in_dim3A_393 : i32 to vector<16xi32>
        tpu.vector_store_idx %arg8[%add3A_377, %broadcast_in_dim3A_394], %mul3A_307 : memref<640x32xf32, #tpu.memory_space<vmem>>[vector<16xi32>, vector<16xi32>], vector<16xf32>,
        %broadcast_in_dim3A_395 = arith.constant 9 : i32
        %broadcast_in_dim3A_396 = vector.broadcast %broadcast_in_dim3A_395 : i32 to vector<16xi32>
        tpu.vector_store_idx %arg8[%add3A_377, %broadcast_in_dim3A_396], %mul3A_318 : memref<640x32xf32, #tpu.memory_space<vmem>>[vector<16xi32>, vector<16xi32>], vector<16xf32>,
        %broadcast_in_dim3A_397 = arith.constant 10 : i32
        %broadcast_in_dim3A_398 = vector.broadcast %broadcast_in_dim3A_397 : i32 to vector<16xi32>
        tpu.vector_store_idx %arg8[%add3A_377, %broadcast_in_dim3A_398], %mul3A_324 : memref<640x32xf32, #tpu.memory_space<vmem>>[vector<16xi32>, vector<16xi32>], vector<16xf32>,
        %broadcast_in_dim3A_399 = arith.constant 11 : i32
        %broadcast_in_dim3A_400 = vector.broadcast %broadcast_in_dim3A_399 : i32 to vector<16xi32>
        tpu.vector_store_idx %arg8[%add3A_377, %broadcast_in_dim3A_400], %mul3A_335 : memref<640x32xf32, #tpu.memory_space<vmem>>[vector<16xi32>, vector<16xi32>], vector<16xf32>,
        %broadcast_in_dim3A_401 = arith.constant 12 : i32
        %broadcast_in_dim3A_402 = vector.broadcast %broadcast_in_dim3A_401 : i32 to vector<16xi32>
        tpu.vector_store_idx %arg8[%add3A_377, %broadcast_in_dim3A_402], %mul3A_346 : memref<640x32xf32, #tpu.memory_space<vmem>>[vector<16xi32>, vector<16xi32>], vector<16xf32>,
        %broadcast_in_dim3A_403 = arith.constant 13 : i32
        %broadcast_in_dim3A_404 = vector.broadcast %broadcast_in_dim3A_403 : i32 to vector<16xi32>
        tpu.vector_store_idx %arg8[%add3A_377, %broadcast_in_dim3A_404], %mul3A_357 : memref<640x32xf32, #tpu.memory_space<vmem>>[vector<16xi32>, vector<16xi32>], vector<16xf32>,
        %broadcast_in_dim3A_405 = arith.constant 14 : i32
        %broadcast_in_dim3A_406 = vector.broadcast %broadcast_in_dim3A_405 : i32 to vector<16xi32>
        tpu.vector_store_idx %arg8[%add3A_377, %broadcast_in_dim3A_406], %mul3A_365 : memref<640x32xf32, #tpu.memory_space<vmem>>[vector<16xi32>, vector<16xi32>], vector<16xf32>,
        %broadcast_in_dim3A_407 = arith.constant 15 : i32
        %broadcast_in_dim3A_408 = vector.broadcast %broadcast_in_dim3A_407 : i32 to vector<16xi32>
        tpu.vector_store_idx %arg8[%add3A_377, %broadcast_in_dim3A_408], %mul3A_373 : memref<640x32xf32, #tpu.memory_space<vmem>>[vector<16xi32>, vector<16xi32>], vector<16xf32>,
        %sub3A_409 = arith.constant 0.000000e+00 : f32
        %sub3A_410 = vector.broadcast %sub3A_409 : f32 to vector<16xf32>
        %sub3A_411 = arith.subf %mul3A_220, %sub3A_410 : vector<16xf32>
        %mul3A_412 = arith.constant 4.500000e-01 : f32
        %mul3A_413 = vector.broadcast %mul3A_412 : f32 to vector<16xf32>
        %mul3A_414 = arith.mulf %sub3A_411, %mul3A_413 : vector<16xf32>
        %mul3A_415 = arith.mulf %mul3A_414, %mul3A_414 : vector<16xf32>
        %neg3A = arith.constant 0.000000e+00 : f32
        %neg3A_416 = vector.broadcast %neg3A : f32 to vector<16xf32>
        %neg3A_417 = arith.subf %neg3A_416, %mul3A_415 : vector<16xf32>
        %exp3A = math.exp %neg3A_417 : vector<16xf32>
        %mul3A_418 = arith.constant 3.1622777 : f32
        %mul3A_419 = vector.broadcast %mul3A_418 : f32 to vector<16xf32>
        %mul3A_420 = arith.mulf %exp3A, %mul3A_419 : vector<16xf32>
        %broadcast_in_dim3A_421 = arith.constant 16 : i32
        %broadcast_in_dim3A_422 = vector.broadcast %broadcast_in_dim3A_421 : i32 to vector<16xi32>
        tpu.vector_store_idx %arg8[%add3A_377, %broadcast_in_dim3A_422], %mul3A_420 : memref<640x32xf32, #tpu.memory_space<vmem>>[vector<16xi32>, vector<16xi32>], vector<16xf32>,
        %sub3A_423 = arith.constant 2.22222233 : f32
        %sub3A_424 = vector.broadcast %sub3A_423 : f32 to vector<16xf32>
        %sub3A_425 = arith.subf %mul3A_220, %sub3A_424 : vector<16xf32>
        %mul3A_426 = arith.constant 4.500000e-01 : f32
        %mul3A_427 = vector.broadcast %mul3A_426 : f32 to vector<16xf32>
        %mul3A_428 = arith.mulf %sub3A_425, %mul3A_427 : vector<16xf32>
        %mul3A_429 = arith.mulf %mul3A_428, %mul3A_428 : vector<16xf32>
        %neg3A_430 = arith.constant 0.000000e+00 : f32
        %neg3A_431 = vector.broadcast %neg3A_430 : f32 to vector<16xf32>
        %neg3A_432 = arith.subf %neg3A_431, %mul3A_429 : vector<16xf32>
        %exp3A_433 = math.exp %neg3A_432 : vector<16xf32>
        %mul3A_434 = arith.constant 3.1622777 : f32
        %mul3A_435 = vector.broadcast %mul3A_434 : f32 to vector<16xf32>
        %mul3A_436 = arith.mulf %exp3A_433, %mul3A_435 : vector<16xf32>
        %broadcast_in_dim3A_437 = arith.constant 17 : i32
        %broadcast_in_dim3A_438 = vector.broadcast %broadcast_in_dim3A_437 : i32 to vector<16xi32>
        tpu.vector_store_idx %arg8[%add3A_377, %broadcast_in_dim3A_438], %mul3A_436 : memref<640x32xf32, #tpu.memory_space<vmem>>[vector<16xi32>, vector<16xi32>], vector<16xf32>,
        %sub3A_439 = arith.constant 4.44444466 : f32
        %sub3A_440 = vector.broadcast %sub3A_439 : f32 to vector<16xf32>
        %sub3A_441 = arith.subf %mul3A_220, %sub3A_440 : vector<16xf32>
        %mul3A_442 = arith.constant 4.500000e-01 : f32
        %mul3A_443 = vector.broadcast %mul3A_442 : f32 to vector<16xf32>
        %mul3A_444 = arith.mulf %sub3A_441, %mul3A_443 : vector<16xf32>
        %mul3A_445 = arith.mulf %mul3A_444, %mul3A_444 : vector<16xf32>
        %neg3A_446 = arith.constant 0.000000e+00 : f32
        %neg3A_447 = vector.broadcast %neg3A_446 : f32 to vector<16xf32>
        %neg3A_448 = arith.subf %neg3A_447, %mul3A_445 : vector<16xf32>
        %exp3A_449 = math.exp %neg3A_448 : vector<16xf32>
        %mul3A_450 = arith.constant 3.1622777 : f32
        %mul3A_451 = vector.broadcast %mul3A_450 : f32 to vector<16xf32>
        %mul3A_452 = arith.mulf %exp3A_449, %mul3A_451 : vector<16xf32>
        %broadcast_in_dim3A_453 = arith.constant 18 : i32
        %broadcast_in_dim3A_454 = vector.broadcast %broadcast_in_dim3A_453 : i32 to vector<16xi32>
        tpu.vector_store_idx %arg8[%add3A_377, %broadcast_in_dim3A_454], %mul3A_452 : memref<640x32xf32, #tpu.memory_space<vmem>>[vector<16xi32>, vector<16xi32>], vector<16xf32>,
        %sub3A_455 = arith.constant 6.66666651 : f32
        %sub3A_456 = vector.broadcast %sub3A_455 : f32 to vector<16xf32>
        %sub3A_457 = arith.subf %mul3A_220, %sub3A_456 : vector<16xf32>
        %mul3A_458 = arith.constant 4.500000e-01 : f32
        %mul3A_459 = vector.broadcast %mul3A_458 : f32 to vector<16xf32>
        %mul3A_460 = arith.mulf %sub3A_457, %mul3A_459 : vector<16xf32>
        %mul3A_461 = arith.mulf %mul3A_460, %mul3A_460 : vector<16xf32>
        %neg3A_462 = arith.constant 0.000000e+00 : f32
        %neg3A_463 = vector.broadcast %neg3A_462 : f32 to vector<16xf32>
        %neg3A_464 = arith.subf %neg3A_463, %mul3A_461 : vector<16xf32>
        %exp3A_465 = math.exp %neg3A_464 : vector<16xf32>
        %mul3A_466 = arith.constant 3.1622777 : f32
        %mul3A_467 = vector.broadcast %mul3A_466 : f32 to vector<16xf32>
        %mul3A_468 = arith.mulf %exp3A_465, %mul3A_467 : vector<16xf32>
        %broadcast_in_dim3A_469 = arith.constant 19 : i32
        %broadcast_in_dim3A_470 = vector.broadcast %broadcast_in_dim3A_469 : i32 to vector<16xi32>
        tpu.vector_store_idx %arg8[%add3A_377, %broadcast_in_dim3A_470], %mul3A_468 : memref<640x32xf32, #tpu.memory_space<vmem>>[vector<16xi32>, vector<16xi32>], vector<16xf32>,
        %sub3A_471 = arith.constant 8.88888931 : f32
        %sub3A_472 = vector.broadcast %sub3A_471 : f32 to vector<16xf32>
        %sub3A_473 = arith.subf %mul3A_220, %sub3A_472 : vector<16xf32>
        %mul3A_474 = arith.constant 4.500000e-01 : f32
        %mul3A_475 = vector.broadcast %mul3A_474 : f32 to vector<16xf32>
        %mul3A_476 = arith.mulf %sub3A_473, %mul3A_475 : vector<16xf32>
        %mul3A_477 = arith.mulf %mul3A_476, %mul3A_476 : vector<16xf32>
        %neg3A_478 = arith.constant 0.000000e+00 : f32
        %neg3A_479 = vector.broadcast %neg3A_478 : f32 to vector<16xf32>
        %neg3A_480 = arith.subf %neg3A_479, %mul3A_477 : vector<16xf32>
        %exp3A_481 = math.exp %neg3A_480 : vector<16xf32>
        %mul3A_482 = arith.constant 3.1622777 : f32
        %mul3A_483 = vector.broadcast %mul3A_482 : f32 to vector<16xf32>
        %mul3A_484 = arith.mulf %exp3A_481, %mul3A_483 : vector<16xf32>
        %broadcast_in_dim3A_485 = arith.constant 20 : i32
        %broadcast_in_dim3A_486 = vector.broadcast %broadcast_in_dim3A_485 : i32 to vector<16xi32>
        tpu.vector_store_idx %arg8[%add3A_377, %broadcast_in_dim3A_486], %mul3A_484 : memref<640x32xf32, #tpu.memory_space<vmem>>[vector<16xi32>, vector<16xi32>], vector<16xf32>,
        %sub3A_487 = arith.constant 11.1111107 : f32
        %sub3A_488 = vector.broadcast %sub3A_487 : f32 to vector<16xf32>
        %sub3A_489 = arith.subf %mul3A_220, %sub3A_488 : vector<16xf32>
        %mul3A_490 = arith.constant 4.500000e-01 : f32
        %mul3A_491 = vector.broadcast %mul3A_490 : f32 to vector<16xf32>
        %mul3A_492 = arith.mulf %sub3A_489, %mul3A_491 : vector<16xf32>
        %mul3A_493 = arith.mulf %mul3A_492, %mul3A_492 : vector<16xf32>
        %neg3A_494 = arith.constant 0.000000e+00 : f32
        %neg3A_495 = vector.broadcast %neg3A_494 : f32 to vector<16xf32>
        %neg3A_496 = arith.subf %neg3A_495, %mul3A_493 : vector<16xf32>
        %exp3A_497 = math.exp %neg3A_496 : vector<16xf32>
        %mul3A_498 = arith.constant 3.1622777 : f32
        %mul3A_499 = vector.broadcast %mul3A_498 : f32 to vector<16xf32>
        %mul3A_500 = arith.mulf %exp3A_497, %mul3A_499 : vector<16xf32>
        %broadcast_in_dim3A_501 = arith.constant 21 : i32
        %broadcast_in_dim3A_502 = vector.broadcast %broadcast_in_dim3A_501 : i32 to vector<16xi32>
        tpu.vector_store_idx %arg8[%add3A_377, %broadcast_in_dim3A_502], %mul3A_500 : memref<640x32xf32, #tpu.memory_space<vmem>>[vector<16xi32>, vector<16xi32>], vector<16xf32>,
        %sub3A_503 = arith.constant 13.333333 : f32
        %sub3A_504 = vector.broadcast %sub3A_503 : f32 to vector<16xf32>
        %sub3A_505 = arith.subf %mul3A_220, %sub3A_504 : vector<16xf32>
        %mul3A_506 = arith.constant 4.500000e-01 : f32
        %mul3A_507 = vector.broadcast %mul3A_506 : f32 to vector<16xf32>
        %mul3A_508 = arith.mulf %sub3A_505, %mul3A_507 : vector<16xf32>
        %mul3A_509 = arith.mulf %mul3A_508, %mul3A_508 : vector<16xf32>
        %neg3A_510 = arith.constant 0.000000e+00 : f32
        %neg3A_511 = vector.broadcast %neg3A_510 : f32 to vector<16xf32>
        %neg3A_512 = arith.subf %neg3A_511, %mul3A_509 : vector<16xf32>
        %exp3A_513 = math.exp %neg3A_512 : vector<16xf32>
        %mul3A_514 = arith.constant 3.1622777 : f32
        %mul3A_515 = vector.broadcast %mul3A_514 : f32 to vector<16xf32>
        %mul3A_516 = arith.mulf %exp3A_513, %mul3A_515 : vector<16xf32>
        %broadcast_in_dim3A_517 = arith.constant 22 : i32
        %broadcast_in_dim3A_518 = vector.broadcast %broadcast_in_dim3A_517 : i32 to vector<16xi32>
        tpu.vector_store_idx %arg8[%add3A_377, %broadcast_in_dim3A_518], %mul3A_516 : memref<640x32xf32, #tpu.memory_space<vmem>>[vector<16xi32>, vector<16xi32>], vector<16xf32>,
        %sub3A_519 = arith.constant 15.5555553 : f32
        %sub3A_520 = vector.broadcast %sub3A_519 : f32 to vector<16xf32>
        %sub3A_521 = arith.subf %mul3A_220, %sub3A_520 : vector<16xf32>
        %mul3A_522 = arith.constant 4.500000e-01 : f32
        %mul3A_523 = vector.broadcast %mul3A_522 : f32 to vector<16xf32>
        %mul3A_524 = arith.mulf %sub3A_521, %mul3A_523 : vector<16xf32>
        %mul3A_525 = arith.mulf %mul3A_524, %mul3A_524 : vector<16xf32>
        %neg3A_526 = arith.constant 0.000000e+00 : f32
        %neg3A_527 = vector.broadcast %neg3A_526 : f32 to vector<16xf32>
        %neg3A_528 = arith.subf %neg3A_527, %mul3A_525 : vector<16xf32>
        %exp3A_529 = math.exp %neg3A_528 : vector<16xf32>
        %mul3A_530 = arith.constant 3.1622777 : f32
        %mul3A_531 = vector.broadcast %mul3A_530 : f32 to vector<16xf32>
        %mul3A_532 = arith.mulf %exp3A_529, %mul3A_531 : vector<16xf32>
        %broadcast_in_dim3A_533 = arith.constant 23 : i32
        %broadcast_in_dim3A_534 = vector.broadcast %broadcast_in_dim3A_533 : i32 to vector<16xi32>
        tpu.vector_store_idx %arg8[%add3A_377, %broadcast_in_dim3A_534], %mul3A_532 : memref<640x32xf32, #tpu.memory_space<vmem>>[vector<16xi32>, vector<16xi32>], vector<16xf32>,
        %sub3A_535 = arith.constant 17.7777786 : f32
        %sub3A_536 = vector.broadcast %sub3A_535 : f32 to vector<16xf32>
        %sub3A_537 = arith.subf %mul3A_220, %sub3A_536 : vector<16xf32>
        %mul3A_538 = arith.constant 4.500000e-01 : f32
        %mul3A_539 = vector.broadcast %mul3A_538 : f32 to vector<16xf32>
        %mul3A_540 = arith.mulf %sub3A_537, %mul3A_539 : vector<16xf32>
        %mul3A_541 = arith.mulf %mul3A_540, %mul3A_540 : vector<16xf32>
        %neg3A_542 = arith.constant 0.000000e+00 : f32
        %neg3A_543 = vector.broadcast %neg3A_542 : f32 to vector<16xf32>
        %neg3A_544 = arith.subf %neg3A_543, %mul3A_541 : vector<16xf32>
        %exp3A_545 = math.exp %neg3A_544 : vector<16xf32>
        %mul3A_546 = arith.constant 3.1622777 : f32
        %mul3A_547 = vector.broadcast %mul3A_546 : f32 to vector<16xf32>
        %mul3A_548 = arith.mulf %exp3A_545, %mul3A_547 : vector<16xf32>
        %broadcast_in_dim3A_549 = arith.constant 24 : i32
        %broadcast_in_dim3A_550 = vector.broadcast %broadcast_in_dim3A_549 : i32 to vector<16xi32>
        tpu.vector_store_idx %arg8[%add3A_377, %broadcast_in_dim3A_550], %mul3A_548 : memref<640x32xf32, #tpu.memory_space<vmem>>[vector<16xi32>, vector<16xi32>], vector<16xf32>,
        %sub3A_551 = arith.constant 2.000000e+01 : f32
        %sub3A_552 = vector.broadcast %sub3A_551 : f32 to vector<16xf32>
        %sub3A_553 = arith.subf %mul3A_220, %sub3A_552 : vector<16xf32>
        %mul3A_554 = arith.constant 4.500000e-01 : f32
        %mul3A_555 = vector.broadcast %mul3A_554 : f32 to vector<16xf32>
        %mul3A_556 = arith.mulf %sub3A_553, %mul3A_555 : vector<16xf32>
        %mul3A_557 = arith.mulf %mul3A_556, %mul3A_556 : vector<16xf32>
        %neg3A_558 = arith.constant 0.000000e+00 : f32
        %neg3A_559 = vector.broadcast %neg3A_558 : f32 to vector<16xf32>
        %neg3A_560 = arith.subf %neg3A_559, %mul3A_557 : vector<16xf32>
        %exp3A_561 = math.exp %neg3A_560 : vector<16xf32>
        %mul3A_562 = arith.constant 3.1622777 : f32
        %mul3A_563 = vector.broadcast %mul3A_562 : f32 to vector<16xf32>
        %mul3A_564 = arith.mulf %exp3A_561, %mul3A_563 : vector<16xf32>
        %broadcast_in_dim3A_565 = arith.constant 25 : i32
        %broadcast_in_dim3A_566 = vector.broadcast %broadcast_in_dim3A_565 : i32 to vector<16xi32>
        tpu.vector_store_idx %arg8[%add3A_377, %broadcast_in_dim3A_566], %mul3A_564 : memref<640x32xf32, #tpu.memory_space<vmem>>[vector<16xi32>, vector<16xi32>], vector<16xf32>,
      }
      %scan3A_91 = arith.constant 40 : i32
      %dma_wait3A = arith.constant 0 : i32
      %dma_wait3A_92 = arith.constant 0 : i32
      %dma_wait3A_93 = arith.constant 0 : i32
      %dma_wait3A_94 = tpu.memref_slice %arg9[%dma_wait3A_92, %dma_wait3A_93] : memref<640x32xf32, #tpu.memory_space<vmem>> -> memref<128x32xf32, #tpu.memory_space<vmem>>
      %dma_wait3A_95 = arith.constant 0 : i32
      %dma_wait3A_96 = tpu.memref_slice %arg7[%dma_wait3A, %dma_wait3A_95] : memref<2x640xi32, #tpu.memory_space<vmem>> -> memref<1x128xi32, #tpu.memory_space<vmem>>
      %dma_wait3A_97 = tpu.memref_squeeze %dma_wait3A_96 : memref<1x128xi32, #tpu.memory_space<vmem>> -> memref<128xi32, #tpu.memory_space<vmem>>
      %dma_wait3A_98 = arith.constant 0 : i32
      %dma_wait3A_99 = arith.constant 0 : i32
      %dma_wait3A_100 = tpu.memref_slice %arg3[%dma_wait3A_98, %dma_wait3A_99] : memref<10000x32xf32, #tpu.memory_space<hbm>> -> memref<10000x32xf32, #tpu.memory_space<hbm>>
      tpu.wait_indirect_dma semaphore(%arg10 : memref<!tpu.dma_semaphore, #tpu.memory_space<semaphore_mem>>) src(%dma_wait3A_100 : memref<10000x32xf32, #tpu.memory_space<hbm>>) dst(%dma_wait3A_94 : memref<128x32xf32, #tpu.memory_space<vmem>>)
      %dma_wait3A_101 = arith.constant 0 : i32
      %dma_wait3A_102 = arith.constant 128 : i32
      %dma_wait3A_103 = arith.constant 0 : i32
      %dma_wait3A_104 = tpu.memref_slice %arg9[%dma_wait3A_102, %dma_wait3A_103] : memref<640x32xf32, #tpu.memory_space<vmem>> -> memref<128x32xf32, #tpu.memory_space<vmem>>
      %dma_wait3A_105 = arith.constant 128 : i32
      %dma_wait3A_106 = tpu.memref_slice %arg7[%dma_wait3A_101, %dma_wait3A_105] : memref<2x640xi32, #tpu.memory_space<vmem>> -> memref<1x128xi32, #tpu.memory_space<vmem>>
      %dma_wait3A_107 = tpu.memref_squeeze %dma_wait3A_106 : memref<1x128xi32, #tpu.memory_space<vmem>> -> memref<128xi32, #tpu.memory_space<vmem>>
      %dma_wait3A_108 = arith.constant 0 : i32
      %dma_wait3A_109 = arith.constant 0 : i32
      %dma_wait3A_110 = tpu.memref_slice %arg3[%dma_wait3A_108, %dma_wait3A_109] : memref<10000x32xf32, #tpu.memory_space<hbm>> -> memref<10000x32xf32, #tpu.memory_space<hbm>>
      tpu.wait_indirect_dma semaphore(%arg10 : memref<!tpu.dma_semaphore, #tpu.memory_space<semaphore_mem>>) src(%dma_wait3A_110 : memref<10000x32xf32, #tpu.memory_space<hbm>>) dst(%dma_wait3A_104 : memref<128x32xf32, #tpu.memory_space<vmem>>)
      %dma_wait3A_111 = arith.constant 0 : i32
      %dma_wait3A_112 = arith.constant 256 : i32
      %dma_wait3A_113 = arith.constant 0 : i32
      %dma_wait3A_114 = tpu.memref_slice %arg9[%dma_wait3A_112, %dma_wait3A_113] : memref<640x32xf32, #tpu.memory_space<vmem>> -> memref<128x32xf32, #tpu.memory_space<vmem>>
      %dma_wait3A_115 = arith.constant 256 : i32
      %dma_wait3A_116 = tpu.memref_slice %arg7[%dma_wait3A_111, %dma_wait3A_115] : memref<2x640xi32, #tpu.memory_space<vmem>> -> memref<1x128xi32, #tpu.memory_space<vmem>>
      %dma_wait3A_117 = tpu.memref_squeeze %dma_wait3A_116 : memref<1x128xi32, #tpu.memory_space<vmem>> -> memref<128xi32, #tpu.memory_space<vmem>>
      %dma_wait3A_118 = arith.constant 0 : i32
      %dma_wait3A_119 = arith.constant 0 : i32
      %dma_wait3A_120 = tpu.memref_slice %arg3[%dma_wait3A_118, %dma_wait3A_119] : memref<10000x32xf32, #tpu.memory_space<hbm>> -> memref<10000x32xf32, #tpu.memory_space<hbm>>
      tpu.wait_indirect_dma semaphore(%arg10 : memref<!tpu.dma_semaphore, #tpu.memory_space<semaphore_mem>>) src(%dma_wait3A_120 : memref<10000x32xf32, #tpu.memory_space<hbm>>) dst(%dma_wait3A_114 : memref<128x32xf32, #tpu.memory_space<vmem>>)
      %dma_wait3A_121 = arith.constant 0 : i32
      %dma_wait3A_122 = arith.constant 384 : i32
      %dma_wait3A_123 = arith.constant 0 : i32
      %dma_wait3A_124 = tpu.memref_slice %arg9[%dma_wait3A_122, %dma_wait3A_123] : memref<640x32xf32, #tpu.memory_space<vmem>> -> memref<128x32xf32, #tpu.memory_space<vmem>>
      %dma_wait3A_125 = arith.constant 384 : i32
      %dma_wait3A_126 = tpu.memref_slice %arg7[%dma_wait3A_121, %dma_wait3A_125] : memref<2x640xi32, #tpu.memory_space<vmem>> -> memref<1x128xi32, #tpu.memory_space<vmem>>
      %dma_wait3A_127 = tpu.memref_squeeze %dma_wait3A_126 : memref<1x128xi32, #tpu.memory_space<vmem>> -> memref<128xi32, #tpu.memory_space<vmem>>
      %dma_wait3A_128 = arith.constant 0 : i32
      %dma_wait3A_129 = arith.constant 0 : i32
      %dma_wait3A_130 = tpu.memref_slice %arg3[%dma_wait3A_128, %dma_wait3A_129] : memref<10000x32xf32, #tpu.memory_space<hbm>> -> memref<10000x32xf32, #tpu.memory_space<hbm>>
      tpu.wait_indirect_dma semaphore(%arg10 : memref<!tpu.dma_semaphore, #tpu.memory_space<semaphore_mem>>) src(%dma_wait3A_130 : memref<10000x32xf32, #tpu.memory_space<hbm>>) dst(%dma_wait3A_124 : memref<128x32xf32, #tpu.memory_space<vmem>>)
      %dma_wait3A_131 = arith.constant 0 : i32
      %dma_wait3A_132 = arith.constant 512 : i32
      %dma_wait3A_133 = arith.constant 0 : i32
      %dma_wait3A_134 = tpu.memref_slice %arg9[%dma_wait3A_132, %dma_wait3A_133] : memref<640x32xf32, #tpu.memory_space<vmem>> -> memref<128x32xf32, #tpu.memory_space<vmem>>
      %dma_wait3A_135 = arith.constant 512 : i32
      %dma_wait3A_136 = tpu.memref_slice %arg7[%dma_wait3A_131, %dma_wait3A_135] : memref<2x640xi32, #tpu.memory_space<vmem>> -> memref<1x128xi32, #tpu.memory_space<vmem>>
      %dma_wait3A_137 = tpu.memref_squeeze %dma_wait3A_136 : memref<1x128xi32, #tpu.memory_space<vmem>> -> memref<128xi32, #tpu.memory_space<vmem>>
      %dma_wait3A_138 = arith.constant 0 : i32
      %dma_wait3A_139 = arith.constant 0 : i32
      %dma_wait3A_140 = tpu.memref_slice %arg3[%dma_wait3A_138, %dma_wait3A_139] : memref<10000x32xf32, #tpu.memory_space<hbm>> -> memref<10000x32xf32, #tpu.memory_space<hbm>>
      tpu.wait_indirect_dma semaphore(%arg10 : memref<!tpu.dma_semaphore, #tpu.memory_space<semaphore_mem>>) src(%dma_wait3A_140 : memref<10000x32xf32, #tpu.memory_space<hbm>>) dst(%dma_wait3A_134 : memref<128x32xf32, #tpu.memory_space<vmem>>)
      "tpu.region"() ({
        %run_scoped3A = tpu.sem_alloc : memref<!tpu.dma_semaphore, #tpu.memory_space<semaphore_mem>>
        %dma_start3A_141 = arith.constant 0 : i32
        %dma_start3A_142 = tpu.memref_slice %arg5[%mul3A_37, %dma_start3A_141] : memref<320000x128xf32, #tpu.memory_space<hbm>> -> memref<640x32xf32, #tpu.memory_space<hbm>>
        %dma_start3A_143 = arith.constant 0 : i32
        %dma_start3A_144 = tpu.memref_slice %arg5[%mul3A_37, %dma_start3A_143] : memref<320000x128xf32, #tpu.memory_space<hbm>> -> memref<640x32xf32, #tpu.memory_space<hbm>>
        tpu.enqueue_dma source(%arg8 : memref<640x32xf32, #tpu.memory_space<vmem>>) target(%dma_start3A_144 : memref<640x32xf32, #tpu.memory_space<hbm>>) target_semaphore(%run_scoped3A : memref<!tpu.dma_semaphore, #tpu.memory_space<semaphore_mem>>)
        %dma_wait3A_145 = arith.constant 0 : i32
        %dma_wait3A_146 = tpu.memref_slice %arg5[%mul3A_37, %dma_wait3A_145] : memref<320000x128xf32, #tpu.memory_space<hbm>> -> memref<640x32xf32, #tpu.memory_space<hbm>>
        %dma_wait3A_147 = arith.constant 0 : i32
        %dma_wait3A_148 = tpu.memref_slice %arg5[%mul3A_37, %dma_wait3A_147] : memref<320000x128xf32, #tpu.memory_space<hbm>> -> memref<640x32xf32, #tpu.memory_space<hbm>>
        tpu.wait_dma2 semaphore(%run_scoped3A : memref<!tpu.dma_semaphore, #tpu.memory_space<semaphore_mem>>) src(%arg8 : memref<640x32xf32, #tpu.memory_space<vmem>>) dst(%dma_wait3A_148 : memref<640x32xf32, #tpu.memory_space<hbm>>)
        tpu.yield
      }) : () -> ()
      "tpu.region"() ({
        %run_scoped3A = tpu.sem_alloc : memref<!tpu.dma_semaphore, #tpu.memory_space<semaphore_mem>>
        %dma_start3A_141 = arith.constant 32 : i32
        %dma_start3A_142 = tpu.memref_slice %arg5[%mul3A_37, %dma_start3A_141] : memref<320000x128xf32, #tpu.memory_space<hbm>> -> memref<640x32xf32, #tpu.memory_space<hbm>>
        %dma_start3A_143 = arith.constant 32 : i32
        %dma_start3A_144 = tpu.memref_slice %arg5[%mul3A_37, %dma_start3A_143] : memref<320000x128xf32, #tpu.memory_space<hbm>> -> memref<640x32xf32, #tpu.memory_space<hbm>>
        tpu.enqueue_dma source(%arg9 : memref<640x32xf32, #tpu.memory_space<vmem>>) target(%dma_start3A_144 : memref<640x32xf32, #tpu.memory_space<hbm>>) target_semaphore(%run_scoped3A : memref<!tpu.dma_semaphore, #tpu.memory_space<semaphore_mem>>)
        %dma_wait3A_145 = arith.constant 32 : i32
        %dma_wait3A_146 = tpu.memref_slice %arg5[%mul3A_37, %dma_wait3A_145] : memref<320000x128xf32, #tpu.memory_space<hbm>> -> memref<640x32xf32, #tpu.memory_space<hbm>>
        %dma_wait3A_147 = arith.constant 32 : i32
        %dma_wait3A_148 = tpu.memref_slice %arg5[%mul3A_37, %dma_wait3A_147] : memref<320000x128xf32, #tpu.memory_space<hbm>> -> memref<640x32xf32, #tpu.memory_space<hbm>>
        tpu.wait_dma2 semaphore(%run_scoped3A : memref<!tpu.dma_semaphore, #tpu.memory_space<semaphore_mem>>) src(%arg9 : memref<640x32xf32, #tpu.memory_space<vmem>>) dst(%dma_wait3A_148 : memref<640x32xf32, #tpu.memory_space<hbm>>)
        tpu.yield
      }) : () -> ()
    }
    return
  }
}

#map = affine_map<(d0, d1) -> (0, 0)>
module attributes {stable_mosaic.version = 14 : i64} {
  func.func @_sc_scatter_body(%arg0: i32, %arg1: i32, %arg2: memref<320000x128xf32, #tpu.memory_space<hbm>>, %arg3: memref<2500x128xi32, #tpu.memory_space<hbm>>, %arg4: memref<10000x80xf32, #tpu.memory_space<hbm>>, %arg5: memref<20000x80xf32, #tpu.memory_space<hbm>>, %arg6: memref<4x128xi32, #tpu.memory_space<vmem>>, %arg7: memref<512x80xf32, #tpu.memory_space<vmem>>, %arg8: memref<10000x80xf32, #tpu.memory_space<vmem_shared>>) attributes {dimension_semantics = [#tpu.dimension_semantics<core_parallel>, #tpu.dimension_semantics<subcore_parallel>], iteration_bounds = array<i64: 2, 16>, scalar_prefetch = 0 : i64, scratch_operands = 3 : i64, tpu.core_type = #tpu.core_type<sc_vector_subcore>, window_params = [{transform_indices = #map}, {transform_indices = #map}, {transform_indices = #map}, {transform_indices = #map}]} {
    %mul3A = arith.constant 2 : i32
    %mul3A_0 = arith.muli %arg1, %mul3A : i32
    %add3A = arith.addi %mul3A_0, %arg0 : i32
    %eq3A = arith.constant 0 : i32
    %eq3A_1 = arith.cmpi eq, %arg1, %eq3A : i32
    %convert_element_type3A = arith.extui %eq3A_1 : i1 to i32
    %cond3A = arith.constant 0 : i32
    %cond3A_2 = arith.cmpi ne, %convert_element_type3A, %cond3A : i32
    scf.if %cond3A_2 {
      "tpu.region"() ({
        %run_scoped3A = tpu.sem_alloc : memref<!tpu.dma_semaphore, #tpu.memory_space<semaphore_mem>>
        tpu.enqueue_dma source(%arg4 : memref<10000x80xf32, #tpu.memory_space<hbm>>) target(%arg8 : memref<10000x80xf32, #tpu.memory_space<vmem_shared>>) target_semaphore(%run_scoped3A : memref<!tpu.dma_semaphore, #tpu.memory_space<semaphore_mem>>)
        tpu.wait_dma2 semaphore(%run_scoped3A : memref<!tpu.dma_semaphore, #tpu.memory_space<semaphore_mem>>) src(%arg4 : memref<10000x80xf32, #tpu.memory_space<hbm>>) dst(%arg8 : memref<10000x80xf32, #tpu.memory_space<vmem_shared>>)
        tpu.yield
      }) : () -> ()
    } else {
    }
    %barrier3A = arith.constant 0 : index
    tpu.barrier barrier_id(%barrier3A)
    %sub3A = arith.constant 625 : i32
    %sub3A_3 = arith.subi %sub3A, %add3A : i32
    %add3A_4 = arith.constant 32 : i32
    %add3A_5 = arith.addi %sub3A_3, %add3A_4 : i32
    %sub3A_6 = arith.constant 1 : i32
    %sub3A_7 = arith.subi %add3A_5, %sub3A_6 : i32
    %jit3A = arith.constant 32 : i32
    %div3A = arith.divsi %sub3A_7, %jit3A : i32
    %sign3A = arith.constant 0 : i32
    %sign3A_8 = arith.cmpi sgt, %sub3A_7, %sign3A : i32
    %sign3A_9 = arith.extui %sign3A_8 : i1 to i32
    %sign3A_10 = arith.constant 0 : i32
    %sign3A_11 = arith.cmpi slt, %sub3A_7, %sign3A_10 : i32
    %sign3A_12 = arith.extui %sign3A_11 : i1 to i32
    %sign3A_13 = arith.subi %sign3A_9, %sign3A_12 : i32
    %sign3A_14 = arith.constant 0 : i32
    %sign3A_15 = arith.cmpi sgt, %jit3A, %sign3A_14 : i32
    %sign3A_16 = arith.extui %sign3A_15 : i1 to i32
    %sign3A_17 = arith.constant 0 : i32
    %sign3A_18 = arith.cmpi slt, %jit3A, %sign3A_17 : i32
    %sign3A_19 = arith.extui %sign3A_18 : i1 to i32
    %sign3A_20 = arith.subi %sign3A_16, %sign3A_19 : i32
    %ne3A = arith.cmpi ne, %sign3A_13, %sign3A_20 : i32
    %rem3A = arith.remsi %sub3A_7, %jit3A : i32
    %ne3A_21 = arith.constant 0 : i32
    %ne3A_22 = arith.cmpi ne, %rem3A, %ne3A_21 : i32
    %and3A = arith.andi %ne3A, %ne3A_22 : i1
    %sub3A_23 = arith.constant 1 : i32
    %sub3A_24 = arith.subi %div3A, %sub3A_23 : i32
    %select_n3A = arith.select %and3A, %sub3A_24, %div3A : i32
    %while3A = arith.constant 0 : i32
    %while3A_25 = arith.constant 0 : i32
    %while3A_26 = arith.subi %select_n3A, %while3A_25 : i32
    %while3A_27 = arith.addi %while3A_25, %while3A_26 : i32
    %while3A_28 = arith.constant 1 : i32
    %while3A_29 = arith.divsi %while3A_26, %while3A_28 : i32
    %while3A_30 = arith.muli %while3A_29, %while3A_28 : i32
    %while3A_31 = arith.addi %while3A_25, %while3A_30 : i32
    %while3A_32 = arith.constant 1 : i32
    scf.for %while3A_42 = %while3A_25 to %while3A_31 step %while3A_32  : i32 {
      %mul3A_43 = arith.constant 32 : i32
      %mul3A_44 = arith.muli %while3A_42, %mul3A_43 : i32
      %add3A_45 = arith.addi %add3A, %mul3A_44 : i32
      %mul3A_46 = arith.constant 4 : i32
      %mul3A_47 = arith.muli %add3A_45, %mul3A_46 : i32
      "tpu.region"() ({
        %run_scoped3A_53 = tpu.sem_alloc : memref<!tpu.dma_semaphore, #tpu.memory_space<semaphore_mem>>
        %dma_start3A = arith.constant 0 : i32
        %dma_start3A_54 = tpu.memref_slice %arg3[%mul3A_47, %dma_start3A] : memref<2500x128xi32, #tpu.memory_space<hbm>> -> memref<4x128xi32, #tpu.memory_space<hbm>>
        %dma_start3A_55 = arith.constant 0 : i32
        %dma_start3A_56 = tpu.memref_slice %arg3[%mul3A_47, %dma_start3A_55] : memref<2500x128xi32, #tpu.memory_space<hbm>> -> memref<4x128xi32, #tpu.memory_space<hbm>>
        tpu.enqueue_dma source(%dma_start3A_56 : memref<4x128xi32, #tpu.memory_space<hbm>>) target(%arg6 : memref<4x128xi32, #tpu.memory_space<vmem>>) target_semaphore(%run_scoped3A_53 : memref<!tpu.dma_semaphore, #tpu.memory_space<semaphore_mem>>)
        %dma_wait3A = arith.constant 0 : i32
        %dma_wait3A_57 = tpu.memref_slice %arg3[%mul3A_47, %dma_wait3A] : memref<2500x128xi32, #tpu.memory_space<hbm>> -> memref<4x128xi32, #tpu.memory_space<hbm>>
        %dma_wait3A_58 = arith.constant 0 : i32
        %dma_wait3A_59 = tpu.memref_slice %arg3[%mul3A_47, %dma_wait3A_58] : memref<2500x128xi32, #tpu.memory_space<hbm>> -> memref<4x128xi32, #tpu.memory_space<hbm>>
        tpu.wait_dma2 semaphore(%run_scoped3A_53 : memref<!tpu.dma_semaphore, #tpu.memory_space<semaphore_mem>>) src(%dma_wait3A_59 : memref<4x128xi32, #tpu.memory_space<hbm>>) dst(%arg6 : memref<4x128xi32, #tpu.memory_space<vmem>>)
        tpu.yield
      }) : () -> ()
      %mul3A_48 = arith.constant 512 : i32
      %mul3A_49 = arith.muli %add3A_45, %mul3A_48 : i32
      "tpu.region"() ({
        %run_scoped3A_53 = tpu.sem_alloc : memref<!tpu.dma_semaphore, #tpu.memory_space<semaphore_mem>>
        %dma_start3A = arith.constant 0 : i32
        %dma_start3A_54 = tpu.memref_slice %arg2[%mul3A_49, %dma_start3A] : memref<320000x128xf32, #tpu.memory_space<hbm>> -> memref<512x80xf32, #tpu.memory_space<hbm>>
        %dma_start3A_55 = arith.constant 0 : i32
        %dma_start3A_56 = tpu.memref_slice %arg2[%mul3A_49, %dma_start3A_55] : memref<320000x128xf32, #tpu.memory_space<hbm>> -> memref<512x80xf32, #tpu.memory_space<hbm>>
        tpu.enqueue_dma source(%dma_start3A_56 : memref<512x80xf32, #tpu.memory_space<hbm>>) target(%arg7 : memref<512x80xf32, #tpu.memory_space<vmem>>) target_semaphore(%run_scoped3A_53 : memref<!tpu.dma_semaphore, #tpu.memory_space<semaphore_mem>>)
        %dma_wait3A = arith.constant 0 : i32
        %dma_wait3A_57 = tpu.memref_slice %arg2[%mul3A_49, %dma_wait3A] : memref<320000x128xf32, #tpu.memory_space<hbm>> -> memref<512x80xf32, #tpu.memory_space<hbm>>
        %dma_wait3A_58 = arith.constant 0 : i32
        %dma_wait3A_59 = tpu.memref_slice %arg2[%mul3A_49, %dma_wait3A_58] : memref<320000x128xf32, #tpu.memory_space<hbm>> -> memref<512x80xf32, #tpu.memory_space<hbm>>
        tpu.wait_dma2 semaphore(%run_scoped3A_53 : memref<!tpu.dma_semaphore, #tpu.memory_space<semaphore_mem>>) src(%dma_wait3A_59 : memref<512x80xf32, #tpu.memory_space<hbm>>) dst(%arg7 : memref<512x80xf32, #tpu.memory_space<vmem>>)
        tpu.yield
      }) : () -> ()
      %run_scoped3A = arith.constant 0 : i32
      "tpu.region"() ({
        %run_scoped3A_53 = tpu.sem_alloc : memref<!tpu.dma_semaphore, #tpu.memory_space<semaphore_mem>>
        %dma_start3A = arith.constant 0 : i32
        %dma_start3A_54 = arith.constant 0 : i32
        %dma_start3A_55 = tpu.memref_slice %arg7[%dma_start3A, %dma_start3A_54] : memref<512x80xf32, #tpu.memory_space<vmem>> -> memref<128x80xf32, #tpu.memory_space<vmem>>
        %dma_start3A_56 = arith.constant 0 : i32
        %dma_start3A_57 = tpu.memref_slice %arg6[%run_scoped3A, %dma_start3A_56] : memref<4x128xi32, #tpu.memory_space<vmem>> -> memref<1x128xi32, #tpu.memory_space<vmem>>
        %dma_start3A_58 = tpu.memref_squeeze %dma_start3A_57 : memref<1x128xi32, #tpu.memory_space<vmem>> -> memref<128xi32, #tpu.memory_space<vmem>>
        %dma_start3A_59 = arith.constant 0 : i32
        %dma_start3A_60 = arith.constant 0 : i32
        %dma_start3A_61 = tpu.memref_slice %arg8[%dma_start3A_59, %dma_start3A_60] : memref<10000x80xf32, #tpu.memory_space<vmem_shared>> -> memref<10000x80xf32, #tpu.memory_space<vmem_shared>>
        tpu.enqueue_indirect_dma source(%dma_start3A_55 : memref<128x80xf32, #tpu.memory_space<vmem>>) target(%dma_start3A_61 : memref<10000x80xf32, #tpu.memory_space<vmem_shared>>) offsets(%dma_start3A_58 : memref<128xi32, #tpu.memory_space<vmem>>) semaphore(%run_scoped3A_53 : memref<!tpu.dma_semaphore, #tpu.memory_space<semaphore_mem>>) {add = true}
        %dma_wait3A = arith.constant 0 : i32
        %dma_wait3A_62 = arith.constant 0 : i32
        %dma_wait3A_63 = tpu.memref_slice %arg7[%dma_wait3A, %dma_wait3A_62] : memref<512x80xf32, #tpu.memory_space<vmem>> -> memref<128x80xf32, #tpu.memory_space<vmem>>
        %dma_wait3A_64 = arith.constant 0 : i32
        %dma_wait3A_65 = tpu.memref_slice %arg6[%run_scoped3A, %dma_wait3A_64] : memref<4x128xi32, #tpu.memory_space<vmem>> -> memref<1x128xi32, #tpu.memory_space<vmem>>
        %dma_wait3A_66 = tpu.memref_squeeze %dma_wait3A_65 : memref<1x128xi32, #tpu.memory_space<vmem>> -> memref<128xi32, #tpu.memory_space<vmem>>
        %dma_wait3A_67 = arith.constant 0 : i32
        %dma_wait3A_68 = arith.constant 0 : i32
        %dma_wait3A_69 = tpu.memref_slice %arg8[%dma_wait3A_67, %dma_wait3A_68] : memref<10000x80xf32, #tpu.memory_space<vmem_shared>> -> memref<10000x80xf32, #tpu.memory_space<vmem_shared>>
        tpu.wait_indirect_dma semaphore(%run_scoped3A_53 : memref<!tpu.dma_semaphore, #tpu.memory_space<semaphore_mem>>) src(%dma_wait3A_63 : memref<128x80xf32, #tpu.memory_space<vmem>>) dst(%dma_wait3A_69 : memref<10000x80xf32, #tpu.memory_space<vmem_shared>>)
        tpu.yield
      }) : () -> ()
      %run_scoped3A_50 = arith.constant 1 : i32
      "tpu.region"() ({
        %run_scoped3A_53 = tpu.sem_alloc : memref<!tpu.dma_semaphore, #tpu.memory_space<semaphore_mem>>
        %dma_start3A = arith.constant 128 : i32
        %dma_start3A_54 = arith.constant 0 : i32
        %dma_start3A_55 = tpu.memref_slice %arg7[%dma_start3A, %dma_start3A_54] : memref<512x80xf32, #tpu.memory_space<vmem>> -> memref<128x80xf32, #tpu.memory_space<vmem>>
        %dma_start3A_56 = arith.constant 0 : i32
        %dma_start3A_57 = tpu.memref_slice %arg6[%run_scoped3A_50, %dma_start3A_56] : memref<4x128xi32, #tpu.memory_space<vmem>> -> memref<1x128xi32, #tpu.memory_space<vmem>>
        %dma_start3A_58 = tpu.memref_squeeze %dma_start3A_57 : memref<1x128xi32, #tpu.memory_space<vmem>> -> memref<128xi32, #tpu.memory_space<vmem>>
        %dma_start3A_59 = arith.constant 0 : i32
        %dma_start3A_60 = arith.constant 0 : i32
        %dma_start3A_61 = tpu.memref_slice %arg8[%dma_start3A_59, %dma_start3A_60] : memref<10000x80xf32, #tpu.memory_space<vmem_shared>> -> memref<10000x80xf32, #tpu.memory_space<vmem_shared>>
        tpu.enqueue_indirect_dma source(%dma_start3A_55 : memref<128x80xf32, #tpu.memory_space<vmem>>) target(%dma_start3A_61 : memref<10000x80xf32, #tpu.memory_space<vmem_shared>>) offsets(%dma_start3A_58 : memref<128xi32, #tpu.memory_space<vmem>>) semaphore(%run_scoped3A_53 : memref<!tpu.dma_semaphore, #tpu.memory_space<semaphore_mem>>) {add = true}
        %dma_wait3A = arith.constant 128 : i32
        %dma_wait3A_62 = arith.constant 0 : i32
        %dma_wait3A_63 = tpu.memref_slice %arg7[%dma_wait3A, %dma_wait3A_62] : memref<512x80xf32, #tpu.memory_space<vmem>> -> memref<128x80xf32, #tpu.memory_space<vmem>>
        %dma_wait3A_64 = arith.constant 0 : i32
        %dma_wait3A_65 = tpu.memref_slice %arg6[%run_scoped3A_50, %dma_wait3A_64] : memref<4x128xi32, #tpu.memory_space<vmem>> -> memref<1x128xi32, #tpu.memory_space<vmem>>
        %dma_wait3A_66 = tpu.memref_squeeze %dma_wait3A_65 : memref<1x128xi32, #tpu.memory_space<vmem>> -> memref<128xi32, #tpu.memory_space<vmem>>
        %dma_wait3A_67 = arith.constant 0 : i32
        %dma_wait3A_68 = arith.constant 0 : i32
        %dma_wait3A_69 = tpu.memref_slice %arg8[%dma_wait3A_67, %dma_wait3A_68] : memref<10000x80xf32, #tpu.memory_space<vmem_shared>> -> memref<10000x80xf32, #tpu.memory_space<vmem_shared>>
        tpu.wait_indirect_dma semaphore(%run_scoped3A_53 : memref<!tpu.dma_semaphore, #tpu.memory_space<semaphore_mem>>) src(%dma_wait3A_63 : memref<128x80xf32, #tpu.memory_space<vmem>>) dst(%dma_wait3A_69 : memref<10000x80xf32, #tpu.memory_space<vmem_shared>>)
        tpu.yield
      }) : () -> ()
      %run_scoped3A_51 = arith.constant 2 : i32
      "tpu.region"() ({
        %run_scoped3A_53 = tpu.sem_alloc : memref<!tpu.dma_semaphore, #tpu.memory_space<semaphore_mem>>
        %dma_start3A = arith.constant 256 : i32
        %dma_start3A_54 = arith.constant 0 : i32
        %dma_start3A_55 = tpu.memref_slice %arg7[%dma_start3A, %dma_start3A_54] : memref<512x80xf32, #tpu.memory_space<vmem>> -> memref<128x80xf32, #tpu.memory_space<vmem>>
        %dma_start3A_56 = arith.constant 0 : i32
        %dma_start3A_57 = tpu.memref_slice %arg6[%run_scoped3A_51, %dma_start3A_56] : memref<4x128xi32, #tpu.memory_space<vmem>> -> memref<1x128xi32, #tpu.memory_space<vmem>>
        %dma_start3A_58 = tpu.memref_squeeze %dma_start3A_57 : memref<1x128xi32, #tpu.memory_space<vmem>> -> memref<128xi32, #tpu.memory_space<vmem>>
        %dma_start3A_59 = arith.constant 0 : i32
        %dma_start3A_60 = arith.constant 0 : i32
        %dma_start3A_61 = tpu.memref_slice %arg8[%dma_start3A_59, %dma_start3A_60] : memref<10000x80xf32, #tpu.memory_space<vmem_shared>> -> memref<10000x80xf32, #tpu.memory_space<vmem_shared>>
        tpu.enqueue_indirect_dma source(%dma_start3A_55 : memref<128x80xf32, #tpu.memory_space<vmem>>) target(%dma_start3A_61 : memref<10000x80xf32, #tpu.memory_space<vmem_shared>>) offsets(%dma_start3A_58 : memref<128xi32, #tpu.memory_space<vmem>>) semaphore(%run_scoped3A_53 : memref<!tpu.dma_semaphore, #tpu.memory_space<semaphore_mem>>) {add = true}
        %dma_wait3A = arith.constant 256 : i32
        %dma_wait3A_62 = arith.constant 0 : i32
        %dma_wait3A_63 = tpu.memref_slice %arg7[%dma_wait3A, %dma_wait3A_62] : memref<512x80xf32, #tpu.memory_space<vmem>> -> memref<128x80xf32, #tpu.memory_space<vmem>>
        %dma_wait3A_64 = arith.constant 0 : i32
        %dma_wait3A_65 = tpu.memref_slice %arg6[%run_scoped3A_51, %dma_wait3A_64] : memref<4x128xi32, #tpu.memory_space<vmem>> -> memref<1x128xi32, #tpu.memory_space<vmem>>
        %dma_wait3A_66 = tpu.memref_squeeze %dma_wait3A_65 : memref<1x128xi32, #tpu.memory_space<vmem>> -> memref<128xi32, #tpu.memory_space<vmem>>
        %dma_wait3A_67 = arith.constant 0 : i32
        %dma_wait3A_68 = arith.constant 0 : i32
        %dma_wait3A_69 = tpu.memref_slice %arg8[%dma_wait3A_67, %dma_wait3A_68] : memref<10000x80xf32, #tpu.memory_space<vmem_shared>> -> memref<10000x80xf32, #tpu.memory_space<vmem_shared>>
        tpu.wait_indirect_dma semaphore(%run_scoped3A_53 : memref<!tpu.dma_semaphore, #tpu.memory_space<semaphore_mem>>) src(%dma_wait3A_63 : memref<128x80xf32, #tpu.memory_space<vmem>>) dst(%dma_wait3A_69 : memref<10000x80xf32, #tpu.memory_space<vmem_shared>>)
        tpu.yield
      }) : () -> ()
      %run_scoped3A_52 = arith.constant 3 : i32
      "tpu.region"() ({
        %run_scoped3A_53 = tpu.sem_alloc : memref<!tpu.dma_semaphore, #tpu.memory_space<semaphore_mem>>
        %dma_start3A = arith.constant 384 : i32
        %dma_start3A_54 = arith.constant 0 : i32
        %dma_start3A_55 = tpu.memref_slice %arg7[%dma_start3A, %dma_start3A_54] : memref<512x80xf32, #tpu.memory_space<vmem>> -> memref<128x80xf32, #tpu.memory_space<vmem>>
        %dma_start3A_56 = arith.constant 0 : i32
        %dma_start3A_57 = tpu.memref_slice %arg6[%run_scoped3A_52, %dma_start3A_56] : memref<4x128xi32, #tpu.memory_space<vmem>> -> memref<1x128xi32, #tpu.memory_space<vmem>>
        %dma_start3A_58 = tpu.memref_squeeze %dma_start3A_57 : memref<1x128xi32, #tpu.memory_space<vmem>> -> memref<128xi32, #tpu.memory_space<vmem>>
        %dma_start3A_59 = arith.constant 0 : i32
        %dma_start3A_60 = arith.constant 0 : i32
        %dma_start3A_61 = tpu.memref_slice %arg8[%dma_start3A_59, %dma_start3A_60] : memref<10000x80xf32, #tpu.memory_space<vmem_shared>> -> memref<10000x80xf32, #tpu.memory_space<vmem_shared>>
        tpu.enqueue_indirect_dma source(%dma_start3A_55 : memref<128x80xf32, #tpu.memory_space<vmem>>) target(%dma_start3A_61 : memref<10000x80xf32, #tpu.memory_space<vmem_shared>>) offsets(%dma_start3A_58 : memref<128xi32, #tpu.memory_space<vmem>>) semaphore(%run_scoped3A_53 : memref<!tpu.dma_semaphore, #tpu.memory_space<semaphore_mem>>) {add = true}
        %dma_wait3A = arith.constant 384 : i32
        %dma_wait3A_62 = arith.constant 0 : i32
        %dma_wait3A_63 = tpu.memref_slice %arg7[%dma_wait3A, %dma_wait3A_62] : memref<512x80xf32, #tpu.memory_space<vmem>> -> memref<128x80xf32, #tpu.memory_space<vmem>>
        %dma_wait3A_64 = arith.constant 0 : i32
        %dma_wait3A_65 = tpu.memref_slice %arg6[%run_scoped3A_52, %dma_wait3A_64] : memref<4x128xi32, #tpu.memory_space<vmem>> -> memref<1x128xi32, #tpu.memory_space<vmem>>
        %dma_wait3A_66 = tpu.memref_squeeze %dma_wait3A_65 : memref<1x128xi32, #tpu.memory_space<vmem>> -> memref<128xi32, #tpu.memory_space<vmem>>
        %dma_wait3A_67 = arith.constant 0 : i32
        %dma_wait3A_68 = arith.constant 0 : i32
        %dma_wait3A_69 = tpu.memref_slice %arg8[%dma_wait3A_67, %dma_wait3A_68] : memref<10000x80xf32, #tpu.memory_space<vmem_shared>> -> memref<10000x80xf32, #tpu.memory_space<vmem_shared>>
        tpu.wait_indirect_dma semaphore(%run_scoped3A_53 : memref<!tpu.dma_semaphore, #tpu.memory_space<semaphore_mem>>) src(%dma_wait3A_63 : memref<128x80xf32, #tpu.memory_space<vmem>>) dst(%dma_wait3A_69 : memref<10000x80xf32, #tpu.memory_space<vmem_shared>>)
        tpu.yield
      }) : () -> ()
    }
    %while3A_33 = arith.constant 1 : i32
    scf.for %while3A_42 = %while3A_31 to %while3A_27 step %while3A_33  : i32 {
      %mul3A_43 = arith.constant 32 : i32
      %mul3A_44 = arith.muli %while3A_42, %mul3A_43 : i32
      %add3A_45 = arith.addi %add3A, %mul3A_44 : i32
      %mul3A_46 = arith.constant 4 : i32
      %mul3A_47 = arith.muli %add3A_45, %mul3A_46 : i32
      "tpu.region"() ({
        %run_scoped3A_53 = tpu.sem_alloc : memref<!tpu.dma_semaphore, #tpu.memory_space<semaphore_mem>>
        %dma_start3A = arith.constant 0 : i32
        %dma_start3A_54 = tpu.memref_slice %arg3[%mul3A_47, %dma_start3A] : memref<2500x128xi32, #tpu.memory_space<hbm>> -> memref<4x128xi32, #tpu.memory_space<hbm>>
        %dma_start3A_55 = arith.constant 0 : i32
        %dma_start3A_56 = tpu.memref_slice %arg3[%mul3A_47, %dma_start3A_55] : memref<2500x128xi32, #tpu.memory_space<hbm>> -> memref<4x128xi32, #tpu.memory_space<hbm>>
        tpu.enqueue_dma source(%dma_start3A_56 : memref<4x128xi32, #tpu.memory_space<hbm>>) target(%arg6 : memref<4x128xi32, #tpu.memory_space<vmem>>) target_semaphore(%run_scoped3A_53 : memref<!tpu.dma_semaphore, #tpu.memory_space<semaphore_mem>>)
        %dma_wait3A = arith.constant 0 : i32
        %dma_wait3A_57 = tpu.memref_slice %arg3[%mul3A_47, %dma_wait3A] : memref<2500x128xi32, #tpu.memory_space<hbm>> -> memref<4x128xi32, #tpu.memory_space<hbm>>
        %dma_wait3A_58 = arith.constant 0 : i32
        %dma_wait3A_59 = tpu.memref_slice %arg3[%mul3A_47, %dma_wait3A_58] : memref<2500x128xi32, #tpu.memory_space<hbm>> -> memref<4x128xi32, #tpu.memory_space<hbm>>
        tpu.wait_dma2 semaphore(%run_scoped3A_53 : memref<!tpu.dma_semaphore, #tpu.memory_space<semaphore_mem>>) src(%dma_wait3A_59 : memref<4x128xi32, #tpu.memory_space<hbm>>) dst(%arg6 : memref<4x128xi32, #tpu.memory_space<vmem>>)
        tpu.yield
      }) : () -> ()
      %mul3A_48 = arith.constant 512 : i32
      %mul3A_49 = arith.muli %add3A_45, %mul3A_48 : i32
      "tpu.region"() ({
        %run_scoped3A_53 = tpu.sem_alloc : memref<!tpu.dma_semaphore, #tpu.memory_space<semaphore_mem>>
        %dma_start3A = arith.constant 0 : i32
        %dma_start3A_54 = tpu.memref_slice %arg2[%mul3A_49, %dma_start3A] : memref<320000x128xf32, #tpu.memory_space<hbm>> -> memref<512x80xf32, #tpu.memory_space<hbm>>
        %dma_start3A_55 = arith.constant 0 : i32
        %dma_start3A_56 = tpu.memref_slice %arg2[%mul3A_49, %dma_start3A_55] : memref<320000x128xf32, #tpu.memory_space<hbm>> -> memref<512x80xf32, #tpu.memory_space<hbm>>
        tpu.enqueue_dma source(%dma_start3A_56 : memref<512x80xf32, #tpu.memory_space<hbm>>) target(%arg7 : memref<512x80xf32, #tpu.memory_space<vmem>>) target_semaphore(%run_scoped3A_53 : memref<!tpu.dma_semaphore, #tpu.memory_space<semaphore_mem>>)
        %dma_wait3A = arith.constant 0 : i32
        %dma_wait3A_57 = tpu.memref_slice %arg2[%mul3A_49, %dma_wait3A] : memref<320000x128xf32, #tpu.memory_space<hbm>> -> memref<512x80xf32, #tpu.memory_space<hbm>>
        %dma_wait3A_58 = arith.constant 0 : i32
        %dma_wait3A_59 = tpu.memref_slice %arg2[%mul3A_49, %dma_wait3A_58] : memref<320000x128xf32, #tpu.memory_space<hbm>> -> memref<512x80xf32, #tpu.memory_space<hbm>>
        tpu.wait_dma2 semaphore(%run_scoped3A_53 : memref<!tpu.dma_semaphore, #tpu.memory_space<semaphore_mem>>) src(%dma_wait3A_59 : memref<512x80xf32, #tpu.memory_space<hbm>>) dst(%arg7 : memref<512x80xf32, #tpu.memory_space<vmem>>)
        tpu.yield
      }) : () -> ()
      %run_scoped3A = arith.constant 0 : i32
      "tpu.region"() ({
        %run_scoped3A_53 = tpu.sem_alloc : memref<!tpu.dma_semaphore, #tpu.memory_space<semaphore_mem>>
        %dma_start3A = arith.constant 0 : i32
        %dma_start3A_54 = arith.constant 0 : i32
        %dma_start3A_55 = tpu.memref_slice %arg7[%dma_start3A, %dma_start3A_54] : memref<512x80xf32, #tpu.memory_space<vmem>> -> memref<128x80xf32, #tpu.memory_space<vmem>>
        %dma_start3A_56 = arith.constant 0 : i32
        %dma_start3A_57 = tpu.memref_slice %arg6[%run_scoped3A, %dma_start3A_56] : memref<4x128xi32, #tpu.memory_space<vmem>> -> memref<1x128xi32, #tpu.memory_space<vmem>>
        %dma_start3A_58 = tpu.memref_squeeze %dma_start3A_57 : memref<1x128xi32, #tpu.memory_space<vmem>> -> memref<128xi32, #tpu.memory_space<vmem>>
        %dma_start3A_59 = arith.constant 0 : i32
        %dma_start3A_60 = arith.constant 0 : i32
        %dma_start3A_61 = tpu.memref_slice %arg8[%dma_start3A_59, %dma_start3A_60] : memref<10000x80xf32, #tpu.memory_space<vmem_shared>> -> memref<10000x80xf32, #tpu.memory_space<vmem_shared>>
        tpu.enqueue_indirect_dma source(%dma_start3A_55 : memref<128x80xf32, #tpu.memory_space<vmem>>) target(%dma_start3A_61 : memref<10000x80xf32, #tpu.memory_space<vmem_shared>>) offsets(%dma_start3A_58 : memref<128xi32, #tpu.memory_space<vmem>>) semaphore(%run_scoped3A_53 : memref<!tpu.dma_semaphore, #tpu.memory_space<semaphore_mem>>) {add = true}
        %dma_wait3A = arith.constant 0 : i32
        %dma_wait3A_62 = arith.constant 0 : i32
        %dma_wait3A_63 = tpu.memref_slice %arg7[%dma_wait3A, %dma_wait3A_62] : memref<512x80xf32, #tpu.memory_space<vmem>> -> memref<128x80xf32, #tpu.memory_space<vmem>>
        %dma_wait3A_64 = arith.constant 0 : i32
        %dma_wait3A_65 = tpu.memref_slice %arg6[%run_scoped3A, %dma_wait3A_64] : memref<4x128xi32, #tpu.memory_space<vmem>> -> memref<1x128xi32, #tpu.memory_space<vmem>>
        %dma_wait3A_66 = tpu.memref_squeeze %dma_wait3A_65 : memref<1x128xi32, #tpu.memory_space<vmem>> -> memref<128xi32, #tpu.memory_space<vmem>>
        %dma_wait3A_67 = arith.constant 0 : i32
        %dma_wait3A_68 = arith.constant 0 : i32
        %dma_wait3A_69 = tpu.memref_slice %arg8[%dma_wait3A_67, %dma_wait3A_68] : memref<10000x80xf32, #tpu.memory_space<vmem_shared>> -> memref<10000x80xf32, #tpu.memory_space<vmem_shared>>
        tpu.wait_indirect_dma semaphore(%run_scoped3A_53 : memref<!tpu.dma_semaphore, #tpu.memory_space<semaphore_mem>>) src(%dma_wait3A_63 : memref<128x80xf32, #tpu.memory_space<vmem>>) dst(%dma_wait3A_69 : memref<10000x80xf32, #tpu.memory_space<vmem_shared>>)
        tpu.yield
      }) : () -> ()
      %run_scoped3A_50 = arith.constant 1 : i32
      "tpu.region"() ({
        %run_scoped3A_53 = tpu.sem_alloc : memref<!tpu.dma_semaphore, #tpu.memory_space<semaphore_mem>>
        %dma_start3A = arith.constant 128 : i32
        %dma_start3A_54 = arith.constant 0 : i32
        %dma_start3A_55 = tpu.memref_slice %arg7[%dma_start3A, %dma_start3A_54] : memref<512x80xf32, #tpu.memory_space<vmem>> -> memref<128x80xf32, #tpu.memory_space<vmem>>
        %dma_start3A_56 = arith.constant 0 : i32
        %dma_start3A_57 = tpu.memref_slice %arg6[%run_scoped3A_50, %dma_start3A_56] : memref<4x128xi32, #tpu.memory_space<vmem>> -> memref<1x128xi32, #tpu.memory_space<vmem>>
        %dma_start3A_58 = tpu.memref_squeeze %dma_start3A_57 : memref<1x128xi32, #tpu.memory_space<vmem>> -> memref<128xi32, #tpu.memory_space<vmem>>
        %dma_start3A_59 = arith.constant 0 : i32
        %dma_start3A_60 = arith.constant 0 : i32
        %dma_start3A_61 = tpu.memref_slice %arg8[%dma_start3A_59, %dma_start3A_60] : memref<10000x80xf32, #tpu.memory_space<vmem_shared>> -> memref<10000x80xf32, #tpu.memory_space<vmem_shared>>
        tpu.enqueue_indirect_dma source(%dma_start3A_55 : memref<128x80xf32, #tpu.memory_space<vmem>>) target(%dma_start3A_61 : memref<10000x80xf32, #tpu.memory_space<vmem_shared>>) offsets(%dma_start3A_58 : memref<128xi32, #tpu.memory_space<vmem>>) semaphore(%run_scoped3A_53 : memref<!tpu.dma_semaphore, #tpu.memory_space<semaphore_mem>>) {add = true}
        %dma_wait3A = arith.constant 128 : i32
        %dma_wait3A_62 = arith.constant 0 : i32
        %dma_wait3A_63 = tpu.memref_slice %arg7[%dma_wait3A, %dma_wait3A_62] : memref<512x80xf32, #tpu.memory_space<vmem>> -> memref<128x80xf32, #tpu.memory_space<vmem>>
        %dma_wait3A_64 = arith.constant 0 : i32
        %dma_wait3A_65 = tpu.memref_slice %arg6[%run_scoped3A_50, %dma_wait3A_64] : memref<4x128xi32, #tpu.memory_space<vmem>> -> memref<1x128xi32, #tpu.memory_space<vmem>>
        %dma_wait3A_66 = tpu.memref_squeeze %dma_wait3A_65 : memref<1x128xi32, #tpu.memory_space<vmem>> -> memref<128xi32, #tpu.memory_space<vmem>>
        %dma_wait3A_67 = arith.constant 0 : i32
        %dma_wait3A_68 = arith.constant 0 : i32
        %dma_wait3A_69 = tpu.memref_slice %arg8[%dma_wait3A_67, %dma_wait3A_68] : memref<10000x80xf32, #tpu.memory_space<vmem_shared>> -> memref<10000x80xf32, #tpu.memory_space<vmem_shared>>
        tpu.wait_indirect_dma semaphore(%run_scoped3A_53 : memref<!tpu.dma_semaphore, #tpu.memory_space<semaphore_mem>>) src(%dma_wait3A_63 : memref<128x80xf32, #tpu.memory_space<vmem>>) dst(%dma_wait3A_69 : memref<10000x80xf32, #tpu.memory_space<vmem_shared>>)
        tpu.yield
      }) : () -> ()
      %run_scoped3A_51 = arith.constant 2 : i32
      "tpu.region"() ({
        %run_scoped3A_53 = tpu.sem_alloc : memref<!tpu.dma_semaphore, #tpu.memory_space<semaphore_mem>>
        %dma_start3A = arith.constant 256 : i32
        %dma_start3A_54 = arith.constant 0 : i32
        %dma_start3A_55 = tpu.memref_slice %arg7[%dma_start3A, %dma_start3A_54] : memref<512x80xf32, #tpu.memory_space<vmem>> -> memref<128x80xf32, #tpu.memory_space<vmem>>
        %dma_start3A_56 = arith.constant 0 : i32
        %dma_start3A_57 = tpu.memref_slice %arg6[%run_scoped3A_51, %dma_start3A_56] : memref<4x128xi32, #tpu.memory_space<vmem>> -> memref<1x128xi32, #tpu.memory_space<vmem>>
        %dma_start3A_58 = tpu.memref_squeeze %dma_start3A_57 : memref<1x128xi32, #tpu.memory_space<vmem>> -> memref<128xi32, #tpu.memory_space<vmem>>
        %dma_start3A_59 = arith.constant 0 : i32
        %dma_start3A_60 = arith.constant 0 : i32
        %dma_start3A_61 = tpu.memref_slice %arg8[%dma_start3A_59, %dma_start3A_60] : memref<10000x80xf32, #tpu.memory_space<vmem_shared>> -> memref<10000x80xf32, #tpu.memory_space<vmem_shared>>
        tpu.enqueue_indirect_dma source(%dma_start3A_55 : memref<128x80xf32, #tpu.memory_space<vmem>>) target(%dma_start3A_61 : memref<10000x80xf32, #tpu.memory_space<vmem_shared>>) offsets(%dma_start3A_58 : memref<128xi32, #tpu.memory_space<vmem>>) semaphore(%run_scoped3A_53 : memref<!tpu.dma_semaphore, #tpu.memory_space<semaphore_mem>>) {add = true}
        %dma_wait3A = arith.constant 256 : i32
        %dma_wait3A_62 = arith.constant 0 : i32
        %dma_wait3A_63 = tpu.memref_slice %arg7[%dma_wait3A, %dma_wait3A_62] : memref<512x80xf32, #tpu.memory_space<vmem>> -> memref<128x80xf32, #tpu.memory_space<vmem>>
        %dma_wait3A_64 = arith.constant 0 : i32
        %dma_wait3A_65 = tpu.memref_slice %arg6[%run_scoped3A_51, %dma_wait3A_64] : memref<4x128xi32, #tpu.memory_space<vmem>> -> memref<1x128xi32, #tpu.memory_space<vmem>>
        %dma_wait3A_66 = tpu.memref_squeeze %dma_wait3A_65 : memref<1x128xi32, #tpu.memory_space<vmem>> -> memref<128xi32, #tpu.memory_space<vmem>>
        %dma_wait3A_67 = arith.constant 0 : i32
        %dma_wait3A_68 = arith.constant 0 : i32
        %dma_wait3A_69 = tpu.memref_slice %arg8[%dma_wait3A_67, %dma_wait3A_68] : memref<10000x80xf32, #tpu.memory_space<vmem_shared>> -> memref<10000x80xf32, #tpu.memory_space<vmem_shared>>
        tpu.wait_indirect_dma semaphore(%run_scoped3A_53 : memref<!tpu.dma_semaphore, #tpu.memory_space<semaphore_mem>>) src(%dma_wait3A_63 : memref<128x80xf32, #tpu.memory_space<vmem>>) dst(%dma_wait3A_69 : memref<10000x80xf32, #tpu.memory_space<vmem_shared>>)
        tpu.yield
      }) : () -> ()
      %run_scoped3A_52 = arith.constant 3 : i32
      "tpu.region"() ({
        %run_scoped3A_53 = tpu.sem_alloc : memref<!tpu.dma_semaphore, #tpu.memory_space<semaphore_mem>>
        %dma_start3A = arith.constant 384 : i32
        %dma_start3A_54 = arith.constant 0 : i32
        %dma_start3A_55 = tpu.memref_slice %arg7[%dma_start3A, %dma_start3A_54] : memref<512x80xf32, #tpu.memory_space<vmem>> -> memref<128x80xf32, #tpu.memory_space<vmem>>
        %dma_start3A_56 = arith.constant 0 : i32
        %dma_start3A_57 = tpu.memref_slice %arg6[%run_scoped3A_52, %dma_start3A_56] : memref<4x128xi32, #tpu.memory_space<vmem>> -> memref<1x128xi32, #tpu.memory_space<vmem>>
        %dma_start3A_58 = tpu.memref_squeeze %dma_start3A_57 : memref<1x128xi32, #tpu.memory_space<vmem>> -> memref<128xi32, #tpu.memory_space<vmem>>
        %dma_start3A_59 = arith.constant 0 : i32
        %dma_start3A_60 = arith.constant 0 : i32
        %dma_start3A_61 = tpu.memref_slice %arg8[%dma_start3A_59, %dma_start3A_60] : memref<10000x80xf32, #tpu.memory_space<vmem_shared>> -> memref<10000x80xf32, #tpu.memory_space<vmem_shared>>
        tpu.enqueue_indirect_dma source(%dma_start3A_55 : memref<128x80xf32, #tpu.memory_space<vmem>>) target(%dma_start3A_61 : memref<10000x80xf32, #tpu.memory_space<vmem_shared>>) offsets(%dma_start3A_58 : memref<128xi32, #tpu.memory_space<vmem>>) semaphore(%run_scoped3A_53 : memref<!tpu.dma_semaphore, #tpu.memory_space<semaphore_mem>>) {add = true}
        %dma_wait3A = arith.constant 384 : i32
        %dma_wait3A_62 = arith.constant 0 : i32
        %dma_wait3A_63 = tpu.memref_slice %arg7[%dma_wait3A, %dma_wait3A_62] : memref<512x80xf32, #tpu.memory_space<vmem>> -> memref<128x80xf32, #tpu.memory_space<vmem>>
        %dma_wait3A_64 = arith.constant 0 : i32
        %dma_wait3A_65 = tpu.memref_slice %arg6[%run_scoped3A_52, %dma_wait3A_64] : memref<4x128xi32, #tpu.memory_space<vmem>> -> memref<1x128xi32, #tpu.memory_space<vmem>>
        %dma_wait3A_66 = tpu.memref_squeeze %dma_wait3A_65 : memref<1x128xi32, #tpu.memory_space<vmem>> -> memref<128xi32, #tpu.memory_space<vmem>>
        %dma_wait3A_67 = arith.constant 0 : i32
        %dma_wait3A_68 = arith.constant 0 : i32
        %dma_wait3A_69 = tpu.memref_slice %arg8[%dma_wait3A_67, %dma_wait3A_68] : memref<10000x80xf32, #tpu.memory_space<vmem_shared>> -> memref<10000x80xf32, #tpu.memory_space<vmem_shared>>
        tpu.wait_indirect_dma semaphore(%run_scoped3A_53 : memref<!tpu.dma_semaphore, #tpu.memory_space<semaphore_mem>>) src(%dma_wait3A_63 : memref<128x80xf32, #tpu.memory_space<vmem>>) dst(%dma_wait3A_69 : memref<10000x80xf32, #tpu.memory_space<vmem_shared>>)
        tpu.yield
      }) : () -> ()
    }
    %barrier3A_34 = arith.constant 0 : index
    tpu.barrier barrier_id(%barrier3A_34)
    %mul3A_35 = arith.constant 625 : i32
    %mul3A_36 = arith.muli %arg1, %mul3A_35 : i32
    %mul3A_37 = arith.constant 10000 : i32
    %mul3A_38 = arith.muli %arg0, %mul3A_37 : i32
    %mul3A_39 = arith.constant 625 : i32
    %mul3A_40 = arith.muli %arg1, %mul3A_39 : i32
    %add3A_41 = arith.addi %mul3A_38, %mul3A_40 : i32
    "tpu.region"() ({
      %run_scoped3A = tpu.sem_alloc : memref<!tpu.dma_semaphore, #tpu.memory_space<semaphore_mem>>
      %dma_start3A = arith.constant 0 : i32
      %dma_start3A_42 = tpu.memref_slice %arg5[%add3A_41, %dma_start3A] : memref<20000x80xf32, #tpu.memory_space<hbm>> -> memref<625x80xf32, #tpu.memory_space<hbm>>
      %dma_start3A_43 = arith.constant 0 : i32
      %dma_start3A_44 = tpu.memref_slice %arg8[%mul3A_36, %dma_start3A_43] : memref<10000x80xf32, #tpu.memory_space<vmem_shared>> -> memref<625x80xf32, #tpu.memory_space<vmem_shared>>
      tpu.enqueue_dma source(%dma_start3A_44 : memref<625x80xf32, #tpu.memory_space<vmem_shared>>) target(%dma_start3A_42 : memref<625x80xf32, #tpu.memory_space<hbm>>) target_semaphore(%run_scoped3A : memref<!tpu.dma_semaphore, #tpu.memory_space<semaphore_mem>>)
      %dma_wait3A = arith.constant 0 : i32
      %dma_wait3A_45 = tpu.memref_slice %arg5[%add3A_41, %dma_wait3A] : memref<20000x80xf32, #tpu.memory_space<hbm>> -> memref<625x80xf32, #tpu.memory_space<hbm>>
      %dma_wait3A_46 = arith.constant 0 : i32
      %dma_wait3A_47 = tpu.memref_slice %arg8[%mul3A_36, %dma_wait3A_46] : memref<10000x80xf32, #tpu.memory_space<vmem_shared>> -> memref<625x80xf32, #tpu.memory_space<vmem_shared>>
      tpu.wait_dma2 semaphore(%run_scoped3A : memref<!tpu.dma_semaphore, #tpu.memory_space<semaphore_mem>>) src(%dma_wait3A_47 : memref<625x80xf32, #tpu.memory_space<vmem_shared>>) dst(%dma_wait3A_45 : memref<625x80xf32, #tpu.memory_space<hbm>>)
      tpu.yield
    }) : () -> ()
    return
  }
}

module attributes {stable_mosaic.version = 14 : i64} {
  func.func @_tc_edge_body(%arg0: i32, %arg1: memref<6400x128xf32, #tpu.memory_space<vmem>>, %arg2: memref<128x128xf32, #tpu.memory_space<vmem>>, %arg3: memref<1x128xf32, #tpu.memory_space<vmem>>, %arg4: memref<128x128xf32, #tpu.memory_space<vmem>>, %arg5: memref<1x128xf32, #tpu.memory_space<vmem>>, %arg6: memref<128x128xf32, #tpu.memory_space<vmem>>, %arg7: memref<128x128xf32, #tpu.memory_space<vmem>>, %arg8: memref<6400x128xf32, #tpu.memory_space<vmem>>) attributes {dimension_semantics = [#tpu.dimension_semantics<arbitrary>], iteration_bounds = array<i64: 50>, scalar_prefetch = 0 : i64, scratch_operands = 0 : i64, tpu.core_type = #tpu.core_type<tc>, window_params = [{transform_indices = @transform_0, window_bounds = array<i64: 6400, 128>}, {pipeline_mode = #tpu.pipeline_mode<synchronous>, transform_indices = @transform_1, window_bounds = array<i64: 128, 128>}, {pipeline_mode = #tpu.pipeline_mode<synchronous>, transform_indices = @transform_2, window_bounds = array<i64: 1, 128>}, {pipeline_mode = #tpu.pipeline_mode<synchronous>, transform_indices = @transform_3, window_bounds = array<i64: 128, 128>}, {pipeline_mode = #tpu.pipeline_mode<synchronous>, transform_indices = @transform_4, window_bounds = array<i64: 1, 128>}, {pipeline_mode = #tpu.pipeline_mode<synchronous>, transform_indices = @transform_5, window_bounds = array<i64: 128, 128>}, {pipeline_mode = #tpu.pipeline_mode<synchronous>, transform_indices = @transform_6, window_bounds = array<i64: 128, 128>}, {transform_indices = @transform_7, window_bounds = array<i64: 6400, 128>}]} {
    %get3A = arith.constant 0 : index
    %get3A_0 = arith.constant 0 : index
    %get3A_1 = vector.load %arg1[%get3A, %get3A_0] : memref<6400x128xf32, #tpu.memory_space<vmem>>, vector<6400x128xf32>
    %get3A_2 = arith.constant 0 : index
    %get3A_3 = arith.constant 0 : index
    %get3A_4 = vector.load %arg2[%get3A_2, %get3A_3] : memref<128x128xf32, #tpu.memory_space<vmem>>, vector<128x128xf32>
    %dot_general3A = arith.constant dense<0.000000e+00> : vector<6400x128xf32>
    %dot_general3A_5 = tpu.matmul %get3A_1, %get3A_4, %dot_general3A {dimension_numbers = #tpu.dot_dimension_numbers<[1], [0], [0], [1], [0, 0, 1, 1], [], []>, transpose_lhs_hint = false} : vector<6400x128xf32>, vector<128x128xf32>, vector<6400x128xf32> -> vector<6400x128xf32>
    %get3A_6 = arith.constant 0 : index
    %get3A_7 = arith.constant 0 : index
    %get3A_8 = vector.load %arg3[%get3A_6, %get3A_7] : memref<1x128xf32, #tpu.memory_space<vmem>>, vector<1x128xf32>
    %add3A = vector.broadcast %get3A_8 : vector<1x128xf32> to vector<6400x128xf32>
    %add3A_9 = arith.addf %dot_general3A_5, %add3A : vector<6400x128xf32>
    %max3A = arith.constant 0.000000e+00 : f32
    %max3A_10 = vector.broadcast %max3A : f32 to vector<6400x128xf32>
    %max3A_11 = arith.maximumf %add3A_9, %max3A_10 : vector<6400x128xf32>
    %get3A_12 = arith.constant 0 : index
    %get3A_13 = arith.constant 0 : index
    %get3A_14 = vector.load %arg4[%get3A_12, %get3A_13] : memref<128x128xf32, #tpu.memory_space<vmem>>, vector<128x128xf32>
    %dot_general3A_15 = arith.constant dense<0.000000e+00> : vector<6400x128xf32>
    %dot_general3A_16 = tpu.matmul %max3A_11, %get3A_14, %dot_general3A_15 {dimension_numbers = #tpu.dot_dimension_numbers<[1], [0], [0], [1], [0, 0, 1, 1], [], []>, transpose_lhs_hint = false} : vector<6400x128xf32>, vector<128x128xf32>, vector<6400x128xf32> -> vector<6400x128xf32>
    %get3A_17 = arith.constant 0 : index
    %get3A_18 = arith.constant 0 : index
    %get3A_19 = vector.load %arg5[%get3A_17, %get3A_18] : memref<1x128xf32, #tpu.memory_space<vmem>>, vector<1x128xf32>
    %add3A_20 = vector.broadcast %get3A_19 : vector<1x128xf32> to vector<6400x128xf32>
    %add3A_21 = arith.addf %dot_general3A_16, %add3A_20 : vector<6400x128xf32>
    %get3A_22 = arith.constant 0 : index
    %get3A_23 = arith.constant 0 : index
    %get3A_24 = vector.load %arg6[%get3A_22, %get3A_23] : memref<128x128xf32, #tpu.memory_space<vmem>>, vector<128x128xf32>
    %dot_general3A_25 = arith.constant dense<0.000000e+00> : vector<6400x128xf32>
    %dot_general3A_26 = tpu.matmul %get3A_1, %get3A_24, %dot_general3A_25 {dimension_numbers = #tpu.dot_dimension_numbers<[1], [0], [0], [1], [0, 0, 1, 1], [], []>, transpose_lhs_hint = false} : vector<6400x128xf32>, vector<128x128xf32>, vector<6400x128xf32> -> vector<6400x128xf32>
    %get3A_27 = arith.constant 0 : index
    %get3A_28 = arith.constant 0 : index
    %get3A_29 = vector.load %arg7[%get3A_27, %get3A_28] : memref<128x128xf32, #tpu.memory_space<vmem>>, vector<128x128xf32>
    %dot_general3A_30 = arith.constant dense<0.000000e+00> : vector<6400x128xf32>
    %dot_general3A_31 = tpu.matmul %get3A_1, %get3A_29, %dot_general3A_30 {dimension_numbers = #tpu.dot_dimension_numbers<[1], [0], [0], [1], [0, 0, 1, 1], [], []>, transpose_lhs_hint = false} : vector<6400x128xf32>, vector<128x128xf32>, vector<6400x128xf32> -> vector<6400x128xf32>
    %mul3A = arith.mulf %dot_general3A_31, %add3A_21 : vector<6400x128xf32>
    %mul3A_32 = arith.mulf %mul3A, %dot_general3A_26 : vector<6400x128xf32>
    %swap3A = arith.constant 0 : index
    %swap3A_33 = arith.constant 0 : index
    %swap3A_34 = vector.load %arg8[%swap3A, %swap3A_33] : memref<6400x128xf32, #tpu.memory_space<vmem>>, vector<6400x128xf32>
    tpu.vector_store %arg8[%swap3A, %swap3A_33], %mul3A_32 {strides = array<i32>} : memref<6400x128xf32, #tpu.memory_space<vmem>>, vector<6400x128xf32>,
    return
  }
  func.func @transform_0(%arg0: i32) -> (i32, i32) {
    %c0_i32 = arith.constant 0 : i32
    %c0_i32_0 = arith.constant 0 : i32
    return %arg0, %c0_i32 : i32, i32
  }
  func.func @transform_1(%arg0: i32) -> (i32, i32) {
    %c0_i32 = arith.constant 0 : i32
    %c0_i32_0 = arith.constant 0 : i32
    %c0_i32_1 = arith.constant 0 : i32
    return %c0_i32, %c0_i32_0 : i32, i32
  }
  func.func @transform_2(%arg0: i32) -> (i32, i32) {
    %c0_i32 = arith.constant 0 : i32
    %c0_i32_0 = arith.constant 0 : i32
    %c0_i32_1 = arith.constant 0 : i32
    return %c0_i32, %c0_i32_0 : i32, i32
  }
  func.func @transform_3(%arg0: i32) -> (i32, i32) {
    %c0_i32 = arith.constant 0 : i32
    %c0_i32_0 = arith.constant 0 : i32
    %c0_i32_1 = arith.constant 0 : i32
    return %c0_i32, %c0_i32_0 : i32, i32
  }
  func.func @transform_4(%arg0: i32) -> (i32, i32) {
    %c0_i32 = arith.constant 0 : i32
    %c0_i32_0 = arith.constant 0 : i32
    %c0_i32_1 = arith.constant 0 : i32
    return %c0_i32, %c0_i32_0 : i32, i32
  }
  func.func @transform_5(%arg0: i32) -> (i32, i32) {
    %c0_i32 = arith.constant 0 : i32
    %c0_i32_0 = arith.constant 0 : i32
    %c0_i32_1 = arith.constant 0 : i32
    return %c0_i32, %c0_i32_0 : i32, i32
  }
  func.func @transform_6(%arg0: i32) -> (i32, i32) {
    %c0_i32 = arith.constant 0 : i32
    %c0_i32_0 = arith.constant 0 : i32
    %c0_i32_1 = arith.constant 0 : i32
    return %c0_i32, %c0_i32_0 : i32, i32
  }
  func.func @transform_7(%arg0: i32) -> (i32, i32) {
    %c0_i32 = arith.constant 0 : i32
    %c0_i32_0 = arith.constant 0 : i32
    return %arg0, %c0_i32 : i32, i32
  }
}

module attributes {stable_mosaic.version = 14 : i64} {
  func.func @_tc_final_body(%arg0: memref<10000x32xf32, #tpu.memory_space<vmem>>, %arg1: memref<20000x80xf32, #tpu.memory_space<vmem>>, %arg2: memref<1x10000xf32, #tpu.memory_space<vmem>>, %arg3: memref<32x128xf32, #tpu.memory_space<vmem>>, %arg4: memref<128x256xf32, #tpu.memory_space<vmem>>, %arg5: memref<256x128xf32, #tpu.memory_space<vmem>>, %arg6: memref<1x128xf32, #tpu.memory_space<vmem>>, %arg7: memref<64x128xf32, #tpu.memory_space<vmem>>) attributes {dimension_semantics = [], scalar_prefetch = 0 : i64, scratch_operands = 0 : i64, tpu.core_type = #tpu.core_type<tc>} {
    %get3A = arith.constant 0 : index
    %get3A_0 = arith.constant 0 : index
    %get3A_1 = vector.load %arg0[%get3A, %get3A_0] : memref<10000x32xf32, #tpu.memory_space<vmem>>, vector<10000x32xf32>
    %get3A_2 = arith.constant 0 : index
    %get3A_3 = arith.constant 0 : index
    %get3A_4 = vector.load %arg3[%get3A_2, %get3A_3] : memref<32x128xf32, #tpu.memory_space<vmem>>, vector<32x128xf32>
    %dot_general3A = arith.constant dense<0.000000e+00> : vector<10000x128xf32>
    %dot_general3A_5 = tpu.matmul %get3A_1, %get3A_4, %dot_general3A {dimension_numbers = #tpu.dot_dimension_numbers<[1], [0], [0], [1], [0, 0, 1, 1], [], []>, transpose_lhs_hint = false} : vector<10000x32xf32>, vector<32x128xf32>, vector<10000x128xf32> -> vector<10000x128xf32>
    %get3A_6 = arith.constant 0 : index
    %get3A_7 = arith.constant 0 : index
    %get3A_8 = vector.load %arg1[%get3A_6, %get3A_7] : memref<20000x80xf32, #tpu.memory_space<vmem>>, vector<20000x80xf32>
    %slice3A = vector.extract_strided_slice %get3A_8 {offsets = [0, 0], sizes = [10000, 80], strides = [1, 1]} : vector<20000x80xf32> to vector<10000x80xf32>
    %slice3A_9 = vector.extract_strided_slice %get3A_8 {offsets = [10000, 0], sizes = [10000, 80], strides = [1, 1]} : vector<20000x80xf32> to vector<10000x80xf32>
    %add3A = arith.addf %slice3A, %slice3A_9 : vector<10000x80xf32>
    %broadcast_in_dim3A = arith.constant 0.000000e+00 : f32
    %broadcast_in_dim3A_10 = vector.broadcast %broadcast_in_dim3A : f32 to vector<10000x48xf32>
    %concatenate3A = tpu.concatenate %add3A, %broadcast_in_dim3A_10 in 1 : vector<10000x80xf32>, vector<10000x48xf32> -> vector<10000x128xf32>
    %mul3A = arith.constant 0.176776692 : f32
    %mul3A_11 = vector.broadcast %mul3A : f32 to vector<10000x128xf32>
    %mul3A_12 = arith.mulf %concatenate3A, %mul3A_11 : vector<10000x128xf32>
    %add3A_13 = arith.addf %dot_general3A_5, %mul3A_12 : vector<10000x128xf32>
    %iota3A = tpu.iota {dimensions = array<i32: 0>} : vector<64x10000xi32>
    %convert_element_type3A = arith.sitofp %iota3A : vector<64x10000xi32> to vector<64x10000xf32>
    %get3A_14 = arith.constant 0 : index
    %get3A_15 = arith.constant 0 : index
    %get3A_16 = vector.load %arg2[%get3A_14, %get3A_15] : memref<1x10000xf32, #tpu.memory_space<vmem>>, vector<1x10000xf32>
    %eq3A = vector.broadcast %get3A_16 : vector<1x10000xf32> to vector<64x10000xf32>
    %eq3A_17 = arith.cmpf oeq, %convert_element_type3A, %eq3A : vector<64x10000xf32>
    %jit3A = arith.constant 1.000000e+00 : f32
    %jit3A_18 = arith.constant 0.000000e+00 : f32
    %broadcast_in_dim3A_19 = vector.broadcast %jit3A : f32 to vector<64x10000xf32>
    %broadcast_in_dim3A_20 = vector.broadcast %jit3A_18 : f32 to vector<64x10000xf32>
    %select_n3A = arith.select %eq3A_17, %broadcast_in_dim3A_19, %broadcast_in_dim3A_20 : vector<64x10000xi1>, vector<64x10000xf32>
    %dot_general3A_21 = arith.constant dense<0.000000e+00> : vector<64x128xf32>
    %dot_general3A_22 = tpu.matmul %select_n3A, %add3A_13, %dot_general3A_21 {dimension_numbers = #tpu.dot_dimension_numbers<[1], [0], [0], [1], [0, 0, 1, 1], [], []>, transpose_lhs_hint = false} : vector<64x10000xf32>, vector<10000x128xf32>, vector<64x128xf32> -> vector<64x128xf32>
    %reduce_sum3A = arith.constant dense<0.000000e+00> : vector<64xf32>
    %reduce_sum3A_23 = vector.multi_reduction <add>, %select_n3A, %reduce_sum3A [1] : vector<64x10000xf32> to vector<64xf32>
    %broadcast_in_dim3A_24 = vector.shape_cast %reduce_sum3A_23 : vector<64xf32> to vector<64x1xf32>
    %max3A = arith.constant 1.000000e+00 : f32
    %max3A_25 = vector.broadcast %max3A : f32 to vector<64x1xf32>
    %max3A_26 = arith.maximumf %broadcast_in_dim3A_24, %max3A_25 : vector<64x1xf32>
    %div3A = vector.broadcast %max3A_26 : vector<64x1xf32> to vector<64x128xf32>
    %div3A_27 = arith.divf %dot_general3A_22, %div3A : vector<64x128xf32>
    %get3A_28 = arith.constant 0 : index
    %get3A_29 = arith.constant 0 : index
    %get3A_30 = vector.load %arg4[%get3A_28, %get3A_29] : memref<128x256xf32, #tpu.memory_space<vmem>>, vector<128x256xf32>
    %get3A_31 = arith.constant 0 : index
    %get3A_32 = arith.constant 0 : index
    %get3A_33 = vector.load %arg5[%get3A_31, %get3A_32] : memref<256x128xf32, #tpu.memory_space<vmem>>, vector<256x128xf32>
    %dot_general3A_34 = arith.constant dense<0.000000e+00> : vector<128x128xf32>
    %dot_general3A_35 = tpu.matmul %get3A_30, %get3A_33, %dot_general3A_34 {dimension_numbers = #tpu.dot_dimension_numbers<[1], [0], [0], [1], [0, 0, 1, 1], [], []>, transpose_lhs_hint = false} : vector<128x256xf32>, vector<256x128xf32>, vector<128x128xf32> -> vector<128x128xf32>
    %dot_general3A_36 = arith.constant dense<0.000000e+00> : vector<64x128xf32>
    %dot_general3A_37 = tpu.matmul %div3A_27, %dot_general3A_35, %dot_general3A_36 {dimension_numbers = #tpu.dot_dimension_numbers<[1], [0], [0], [1], [0, 0, 1, 1], [], []>, transpose_lhs_hint = false} : vector<64x128xf32>, vector<128x128xf32>, vector<64x128xf32> -> vector<64x128xf32>
    %get3A_38 = arith.constant 0 : index
    %get3A_39 = arith.constant 0 : index
    %get3A_40 = vector.load %arg6[%get3A_38, %get3A_39] : memref<1x128xf32, #tpu.memory_space<vmem>>, vector<1x128xf32>
    %add3A_41 = vector.broadcast %get3A_40 : vector<1x128xf32> to vector<64x128xf32>
    %add3A_42 = arith.addf %dot_general3A_37, %add3A_41 : vector<64x128xf32>
    %swap3A = arith.constant 0 : index
    %swap3A_43 = arith.constant 0 : index
    %swap3A_44 = vector.load %arg7[%swap3A, %swap3A_43] : memref<64x128xf32, #tpu.memory_space<vmem>>, vector<64x128xf32>
    tpu.vector_store %arg7[%swap3A, %swap3A_43], %add3A_42 {strides = array<i32>} : memref<64x128xf32, #tpu.memory_space<vmem>>, vector<64x128xf32>,
    return
  }
}

</mosaic_0001>

<sc_bundles>
// kernel: kernel.6.cloned.1.call-start
scs
__scs_entry_jumppad:
0x0: {  	(pc) =	sbr.rel $0x88, $3  }
0x1: {  	(tag) =	ssettag $0x0;
	lr =	simm.s32 $0x1  }
0x2: {  	[smem:$0x3F91] =	sst lr;
	_ =	strace $0xD0000000  }
0x3: {  	_ = 	snop  }
0x4: {  	_ = 	snop  }
0x5: {  	_ = 	snop  }
0x6: {  	_ = 	snop  }
0x7: {  	_ = 	snop  }
__scs_overlays_trampoline_lowered:
0x8: {  	[smem:$0x3FA0] =	sst s0  }
0x9: {  	[smem:$0x3FA1] =	sst s1  }
0xa: {  	[smem:$0x3FA2] =	sst s2  }
0xb: {  	[smem:$0x3FA3] =	sst s3  }
0xc: {  	[smem:$0x3FA4] =	sst s4  }
0xd: {  	[smem:$0x3FA5] =	sst s5  }
0xe: {  	[smem:$0x3FA6] =	sst s6  }
0xf: {  	[smem:$0x3FA7] =	sst s7  }
0x10: {  	[smem:$0x3FA8] =	sst s8  }
0x11: {  	[smem:$0x3FA9] =	sst s9;
	s0 =	simm.s32 @!p0 $0x0  }
0x12: {  	s1 =	sld [smem:$0x3F8F];
	s0 =	simm.s32 @p0 $0x1  }
0x13: {  	[smem:$0x3FAA] =	sst s0;
	s0 =	simm.s32 @!p1 $0x0  }
0x14: {  	s2 =	sld [smem:$0x3F8E];
	s0 =	simm.s32 @p1 $0x1  }
0x15: {  	[smem:$0x3FAB] =	sst s0;
	s0 =	simm.s32 @!p2 $0x0  }
0x16: {  	s3 =	sld [smem:$0x3FDB];
	s0 =	simm.s32 @p2 $0x1  }
0x17: {  	s4 =	simm.s32 $0x1BF5;
	[smem:$0x3FAD] =	sst s0  }
0x18: {  	s0 =	sld [smem:$0x3F90];
	_ =	swait.ge [sflag:s4], $0x0  }
0x19: {  	s7 =	sld [smem:$0x3F91]  }
0x1a: {  	s8 =	sadd.s32 $0xFFFFE003, lr  }
0x1b: {  	s9 =	sadd.s32 $0xFFFFFEF7, lr;
	s5 =	simm.s32 $0xFFFFFFFF;
	p2 =	slt.u32 s8, $0xFFFFF086  }
0x1c: {  	p1 =	slt.u32 s9, $0xF7A;
	s5 =	simm.s32 @!p2 $0x0  }
0x1d: {  	s5 =	simm.s32 @p1 $0x1;
	p0 =	seq.s32 s7, s2  }
0x1e: {  	s7 =	smul.u32 @!p0 $0xF7A, s2;
	p2 =	seq.s32 @!p0 s5, $0x0  }
0x1f: {  	s9 =	smul.u32 $0xF7A, s1;
	s8 =	simm.s32 @!p0 $0x1BF5;
	p2 =	por !p2, p0  }
0x20: {  	[sflag:s8] =	ssyncset.s32 @!p0 $0xFFFFF086;
	s6 =	sadd.s32 @!p0 s3, s7;
	s7 =	simm.s32 @!p0 $0x108  }
0x21: {  	s3 =	sadd.s32 s3, s9;
	s6 =	sadd.s32 @!p0 $0x88, s6;
	s7 =	simm.s32 @p2 $0x1082  }
0x22: {  	[simem:s7], [sflag:s8] =	dma.local @!p0 [hbm:s6], $0xF7A  }
0x23: {  	s9 =	sor.u32 $0xD0000000, s2;
	s6 =	simm.s32 $0x108;
	_ =	swait.ge @!p0 [sflag:s8], $0x0  }
0x24: {  	s3 =	sadd.s32 $0x88, s3;
	s6 =	simm.s32 @!p1 $0x1082;
	[sflag:s4] =	ssyncset.s32 $0xFFFFF086  }
0x25: {  	[simem:s6], [sflag:s4] =	dma.local [hbm:s3], $0xF7A  }
0x26: {  	[smem:$0x3F91] =	sst s1;
	(tag) =	ssettag s2;
	_ =	strace s9  }
0x27: {  	s1 =	sld [smem:$0x3FA1]  }
0x28: {  	s2 =	sld [smem:$0x3FA2]  }
0x29: {  	s4 =	sld [smem:$0x3FA4]  }
0x2a: {  	p0 =	seq.s32 s5, $0x0;
	s5 =	sld [smem:$0x3FA5]  }
0x2b: {  	s6 =	sld [smem:$0x3FA6]  }
0x2c: {  	s7 =	sld [smem:$0x3FA7]  }
0x2d: {  	s3 =	simm.s32 $0x108;
	s8 =	sld [smem:$0x3FA8]  }
0x2e: {  	s3 =	simm.s32 @!p0 $0x1082;
	s9 =	sld [smem:$0x3FA9]  }
0x2f: {  	lr =	sadd.s32 s0, s3;
	s0 =	sld [smem:$0x3FA0]  }
0x30: {  	s3 =	sld [smem:$0x3FA3]  }
0x31: {  	[smem:$0x3FAC] =	sst s10  }
0x32: {  	s10 =	sld [smem:$0x3FAA];
	_ =	sdelay $0x3  }
0x33: {  	p0 =	seq.s32 s10, $0x1;
	s10 =	sld [smem:$0x3FAC];
	_ =	sdelay $0x3  }
0x34: {  	[smem:$0x3FAC] =	sst s10  }
0x35: {  	s10 =	sld [smem:$0x3FAB];
	_ =	sdelay $0x3  }
0x36: {  	p1 =	seq.s32 s10, $0x1;
	s10 =	sld [smem:$0x3FAC];
	_ =	sdelay $0x3  }
0x37: {  	[smem:$0x3FAC] =	sst s10  }
0x38: {  	s10 =	sld [smem:$0x3FAD]  }
0x39: {  	_ = 	snop;
	(pc) =	sbr.ind lr, $3  }
0x3a: {  	_ = 	snop  }
0x3b: {  	_ = 	snop  }
0x3c: {  	p2 =	seq.s32 s10, $0x1;
	s10 =	sld [smem:$0x3FAC]  }
0x3d: {  	_ =	shalt  }
0x3e: {  	_ =	shalt  }
0x3f: {  	_ =	shalt  }
0x40: {  	_ =	shalt  }
0x41: {  	_ =	shalt  }
0x42: {  	_ =	shalt  }
0x43: {  	_ =	shalt  }
0x44: {  	_ =	shalt  }
0x45: {  	_ =	shalt  }
0x46: {  	_ =	shalt  }
0x47: {  	_ =	shalt  }
0x48: {  	_ =	shalt  }
0x49: {  	_ =	shalt  }
0x4a: {  	_ =	shalt  }
0x4b: {  	_ =	shalt  }
0x4c: {  	_ =	shalt  }
0x4d: {  	_ =	shalt  }
0x4e: {  	_ =	shalt  }
0x4f: {  	_ =	shalt  }
0x50: {  	_ =	shalt  }
0x51: {  	_ =	shalt  }
0x52: {  	_ =	shalt  }
0x53: {  	_ =	shalt  }
0x54: {  	_ =	shalt  }
0x55: {  	_ =	shalt  }
0x56: {  	_ =	shalt  }
0x57: {  	_ =	shalt  }
0x58: {  	_ =	shalt  }
0x59: {  	_ =	shalt  }
0x5a: {  	_ =	shalt  }
0x5b: {  	_ =	shalt  }
0x5c: {  	_ =	shalt  }
0x5d: {  	_ =	shalt  }
0x5e: {  	_ =	shalt  }
0x5f: {  	_ =	shalt  }
0x60: {  	_ =	shalt  }
0x61: {  	_ =	shalt  }
0x62: {  	_ =	shalt  }
0x63: {  	_ =	shalt  }
0x64: {  	_ =	shalt  }
0x65: {  	_ =	shalt  }
0x66: {  	_ =	shalt  }
0x67: {  	_ =	shalt  }
0x68: {  	_ =	shalt  }
0x69: {  	_ =	shalt  }
0x6a: {  	_ =	shalt  }
0x6b: {  	_ =	shalt  }
0x6c: {  	_ =	shalt  }
0x6d: {  	_ =	shalt  }
0x6e: {  	_ =	shalt  }
0x6f: {  	_ =	shalt  }
0x70: {  	_ =	shalt  }
0x71: {  	_ =	shalt  }
0x72: {  	_ =	shalt  }
0x73: {  	_ =	shalt  }
0x74: {  	_ =	shalt  }
0x75: {  	_ =	shalt  }
0x76: {  	_ =	shalt  }
0x77: {  	_ =	shalt  }
0x78: {  	_ =	shalt  }
0x79: {  	_ =	shalt  }
0x7a: {  	_ =	shalt  }
0x7b: {  	_ =	shalt  }
0x7c: {  	_ =	shalt  }
0x7d: {  	_ =	shalt  }
0x7e: {  	_ =	shalt  }
0x7f: {  	_ =	shalt  }
0x80: {  	_ =	shalt  }
0x81: {  	_ =	shalt  }
0x82: {  	_ =	shalt  }
0x83: {  	_ =	shalt  }
0x84: {  	_ =	shalt  }
0x85: {  	_ =	shalt  }
0x86: {  	_ =	shalt  }
0x87: {  	_ =	shalt  }
.Lfunc_end0:
.L_simem_size_0:
called_computation_lowered:
.L_overlay_start_0:
0x88: {  	s2 =	sld [smem:$0x3FD9]  }
0x89: {  	s3 =	sld [smem:$0x3FFE];
	_ =	sdelay $0x1  }
0x8a: {  	s1 =	srdreg.scid  }
0x8b: {  	s0 =	sand.u32 $0x1, s1  }
0x8c: {  	s16 =	sshll.u32 s0, $0xA;
	s2 =	sadd.s32 s3, s2  }
0x8d: {  	s2 =	sadd.s32 s2, s16  }
0x8e: {  	[smem:$0x3FB8] =	sst s2  }
0x8f: {  	_ = 	snop  }
0x90: {  	(tm) =	ssettm $0x1  }
0x91: {  	s17 =	sld [smem:$0x3FFB];
	_ =	sdelay $0x3  }
0x92: {  	_ =	strace s17  }
0x93: {  	s2 =	sld [smem:$0x3FFC];
	_ =	sdelay $0x3  }
0x94: {  	_ =	strace s2  }
0x95: {  	s2 =	sld [smem:$0x3FFD];
	_ =	sdelay $0x3  }
0x96: {  	_ =	strace s2  }
0x97: {  	_ =	strace $0x8FFFFFFF  }
0x98: {  	s18 =	sld [smem:$0x3FDB];
	_ =	sdelay $0x1  }
0x99: {  	s19 =	simm.s32 $_scs_section_size  }
0x9a: {  	s4 =	simm.s32 $_size__tile_overlayer_lowered;
	s5 =	simm.s32 $_tile_overlayer_lowered  }
0x9b: {  	s22 =	simm.s32 $0x1BFF;
	s21 =	sshll.u32 s5, $0x1;
	s2 =	sadd.s32 s19, s18  }
0x9c: {  	s6 =	simm.s32 $0x0;
	s20 =	sshll.u32 s4, $0x1;
	s4 =	sadd.s32 s21, s2  }
0x9d: {  	[timem:s6], [sflag:s22] =	dma.local [hbm:s4], s20  }
0x9e: {  	_ =	swait.ge [sflag:s22], s20  }
0x9f: {  	s3 =	ssub.s32 $0x0, s20;
	[sflag:s22] =	ssyncset.done $0x0  }
0xa0: {  	[sflag:s22] =	ssyncadd.s32 s3;
	_ =	sdelay $0x1  }
0xa1: {  	s23 =	simm.s32 $0x1B8B  }
0xa2: {  	_ =	swait.ge [sflag:s23], $0x1  }
0xa3: {  	[sflag:s23] =	ssyncset.done $0x0  }
0xa4: {  	s25 =	simm.s32 $0x1B8E;
	s24 =	sld [smem:$0x3FFE];
	[sflag:s23] =	ssyncadd.s32 $0xFFFFFFFF  }
0xa5: {  	s26 =	simm.s32 $execute0_lowered;
	[smem:$0x3FD2] =	sst s25  }
0xa6: {  	s4 =	sshll.u32 s26, $0x1;
	_ =	strace $0x80000046;
	[dreg:$0x1] =	wrdreg $0xFFFFFFFF  }
0xa7: {  	s28 =	simm.s32 $_size_execute0_lowered;
	s2 =	sadd.s32 s2, s4;
	[dreg:$0x0] =	wrdreg $0x0  }
0xa8: {  	s4 =	sshll.u32 s28, $0x1;
	[dreg:$0x2] =	wrdreg s2  }
0xa9: {  	[dreg:$0x3] =	wrdreg s4  }
0xaa: {  	[dreg:$0x4] =	wrdreg $0xC0  }
0xab: {  	_ =	task [dreg:s6], $0x5FFFF  }
0xac: {  	[dreg:$0x1] =	wrdreg $0xFFFFFFFF  }
0xad: {  	[dreg:$0x0] =	wrdreg $0x60  }
0xae: {  	[dreg:$0x2] =	wrdreg s24  }
0xaf: {  	[dreg:$0x3] =	wrdreg $0x9  }
0xb0: {  	_ =	task.clear_ibuf [dreg:s6], $0x4FFFF;
	_ =	strace $0x90000046  }
0xb1: {  	s29 =	simm.s32 $0x9;
	_ =	strace $0x80000048  }
0xb2: {  	_ =	swait.ge [sflag:s29], $0x1  }
0xb3: {  	[sflag:s29] =	ssyncadd.s32 $0xFFFFFFFF  }
0xb4: {  	_ =	strace $0x90000048  }
0xb5: {  	_ =	sfence  }
0xb6: {  	s30 =	sld [smem:$0x0];
	_ =	sdelay $0x2  }
0xb7: {  	s31 =	sshll.u32 s1, $0xD;
	s1 =	sshrl.u32 s1, $0x2  }
0xb8: {  	s3 =	sand.u32 $0x4000, s31;
	s1 =	sadd.s32 s1, s30  }
0xb9: {  	s0 =	sor.u32 s3, s0;
	s1 =	sshll.u32 s1, $0x11  }
0xba: {  	s0 =	sor.u32 s1, s0  }
0xbb: {  	s0 =	sadd.s32 $0x8F2B, s0  }
0xbc: {  	[sflag:s0] =	ssyncadd.remote.s32 $0x1  }
0xbd: {  	_ =	sfence.sel $0xFFFF  }
0xbe: {  	[dreg:$0x0] =	wrdreg $0xFFFFFFFF;
	(pc) =	sbr.abs _section_cstart, $3  }
0xbf: {  	[dreg:$0x1] =	wrdreg $0xFFFFFFFF  }
0xc0: {  	_ =	task.clear_ibuf [dreg:s6], $0x2FFFF;
	_ =	strace $0x9FFFFFFF  }
0xc1: {  	(tm) =	ssettm $0x7FFFFFFF  }
tec
execute0_lowered:
.L_overlay_start_1:
0x0: {  	(tag) =	ssettag $0x1  }
0x1: {  	s0 =	rddreg [dreg:$0x0];
	s1 =	simm.s32 $0x0  }
0x2: {  	s2 =	srdreg.scid;
	s5 =	stileid.u32;
	s11 =	simm.s32 $0x2  }
0x3: {  	s12 =	simm.s32 $0x280;
	s13 =	simm.s32 $0x4E200;
	s14 =	simm.s32 $0x9C40  }
0x4: {  	s15 =	simm.s32 $0x80;
	s16 =	simm.s32 $0xF140;
	s17 =	simm.s32 $0x9CC0  }
0x5: {  	s18 =	simm.s32 $0x10140;
	s19 =	simm.s32 $0x9D40;
	s20 =	simm.s32 $0x11140  }
0x6: {  	s21 =	simm.s32 $0x9DC0;
	s22 =	simm.s32 $0x12140;
	s23 =	simm.s32 $0x9E40  }
0x7: {  	s24 =	simm.s32 $0x13140;
	s25 =	simm.s32 $0xA140;
	s26 =	simm.s32 $0x1  }
0x8: {  	s28 =	simm.s32 $0x20;
	s29 =	simm.s32 $0x0;
	[smem:$0x7FF] =	sst s1  }
0x9: {  	s3 =	sadd.s32 $0x33400, s0;
	s2 =	sand.u32 $0x1, s2;
	s4 =	sadd.s32 $0x29600, s0  }
0xa: {  	s6 =	sshll.u32 s5, $0x1;
	s5 =	sadd.s32 $0x34800, s0;
	s8 =	ssub.s32 $0x2, s2  }
0xb: {  	s7 =	sadd.s32 $0x48200, s0;
	s6 =	sor.u32 s6, s2;
	s9 =	sshrl.u32 s8, $0x1  }
0xc: {  	v0 =	vlaneseq.u32;
	_ =	strace $0x80000047;
	s31 =	ssub.s32 $0x213, s6;
	s30 =	ssub.s32 s8, s9  }
0xd: {  	v0 =	vmul.u32 $0x20, v0;
	s8 =	sadd.s32 $0x48204, s0;
	s9 =	sshrl.u32 s31, $0x5;
	s10 =	smax.u32 s30, $0x1  }
.LBB2_1:
0xe: {  	[tilespmem:s1], [sflag:$0x2] =	stream.linear.gather [hbm4b:s3+s1], $0x9C40, $0x38;
	[tilespmem:$0x14140] =	vst v63  }
0xf: {  	_ =	swait.ge [sflag:s11], $0x9C40  }
0x10: {  	[sflag:s11] =	ssyncset.done $0x0  }
0x11: {  	s30 =	simm.s32 $0x0;
	[sflag:s11] =	ssyncadd.s32 $0xFFFF63C0  }
.LBB2_2:
0x12: {  	s0 =	sshll.u32 s30, $0x5  }
0x13: {  	s31 =	sor.u32 s6, s0  }
0x14: {  	s0 =	smul.u32 $0x280, s31;
	_ =	sdelay $0x1  }
0x15: {  	s0 =	sshrl.u32 s0, $0x3  }
0x16: {  	s0 =	sadd.s32 s5, s0  }
0x17: {  	[tilespmem:s14], [sflag:$0x2] =	stream.strided.gather [hbm4b:s0+s12], $0x500, s13, s12, $0x38;
	[tilespmem:$0x14140] =	vst v63  }
0x18: {  	_ =	swait.ge [sflag:s11], $0x500  }
0x19: {  	[sflag:s11] =	ssyncset.done $0x0  }
0x1a: {  	[sflag:s11] =	ssyncadd.s32 $0xFFFFFB00  }
0x1b: {  	[tilespmem:s16], [sflag:$0x1] =	stream.indirect.gather [hbm4b:s4+s15], $0x20, s14, s15, $0xb8;
	[tilespmem:$0x14140] =	vst v63  }
0x1c: {  	_ = 	snop  }
0x1d: {  	[tilespmem:s18], [sflag:$0x1] =	stream.indirect.gather [hbm4b:s4+s15], $0x20, s17, s15, $0xb8;
	[tilespmem:$0x14140] =	vst v63  }
0x1e: {  	_ = 	snop  }
0x1f: {  	[tilespmem:s20], [sflag:$0x1] =	stream.indirect.gather [hbm4b:s4+s15], $0x20, s19, s15, $0xb8;
	[tilespmem:$0x14140] =	vst v63  }
0x20: {  	_ = 	snop  }
0x21: {  	[tilespmem:s22], [sflag:$0x1] =	stream.indirect.gather [hbm4b:s4+s15], $0x20, s21, s15, $0xb8;
	[tilespmem:$0x14140] =	vst v63  }
0x22: {  	s2 =	simm.s32 $0x9EC0;
	s0 =	simm.s32 $0x0  }
0x23: {  	[tilespmem:s24], [sflag:$0x1] =	stream.indirect.gather [hbm4b:s4+s15], $0x20, s23, s15, $0xb8;
	[tilespmem:$0x14140] =	vst v63  }
.LBB2_3:
0x24: {  	v1 =	vld [tilespmem:s2+$0xFFFFFD80]  }
0x25: {  	v2 =	vld [tilespmem:s2+$0x0];
	_ =	sdelay $0x3  }
0x26: {  	v1 =	vshll.u32 v1, $0x2  }
0x27: {  	v2 =	vshll.u32 v2, $0x2  }
0x28: {  	v3 =	vor.u32 $0x1, v1  }
0x29: {  	v4 =	vor.u32 $0x1, v2  }
0x2a: {  	v5 =	vor.u32 $0x2, v1  }
0x2b: {  	v6 =	vor.u32 $0x2, v2;
	v1 =	vld.idx.msk [tilespmem:v1+s1+$0x0], $0xffff  }
0x2c: {  	v2 =	vld.idx.msk [tilespmem:v2+s1+$0x0], $0xffff  }
0x2d: {  	v3 =	vld.idx.msk [tilespmem:v3+s1+$0x0], $0xffff  }
0x2e: {  	v4 =	vld.idx.msk [tilespmem:v4+s1+$0x0], $0xffff  }
0x2f: {  	v5 =	vld.idx.msk [tilespmem:v5+s1+$0x0], $0xffff  }
0x30: {  	v6 =	vld.idx.msk [tilespmem:v6+s1+$0x0], $0xffff;
	_ =	sdelay $0x2  }
0x31: {  	v1 =	vsub.f32 v1, v2;
	v2 =	vsub.f32 v3, v4;
	_ =	sdelay $0x1  }
0x32: {  	v3 =	vsub.f32 v5, v6;
	v41 =	vmul.f32 v1, v1;
	v42 =	vmul.f32 v2, v2;
	_ =	sdelay $0x1  }
0x33: {  	v43 =	vmul.f32 v3, v3;
	v4 =	vadd.f32 v42, v41;
	_ =	sdelay $0x1  }
0x34: {  	v4 =	vadd.f32 v43, v4;
	_ =	sdelay $0x1  }
0x35: {  	v4 =	vadd.f32 $9.999999710e-10, v4;
	_ =	sdelay $0x1  }
0x36: {  	v44 =	vshra.s32 v4, $0x1;
	v45 =	vmul.f32 $5.000000000e-01, v4  }
0x37: {  	v5 =	vsub.s32 $0x5F3759DF, v44  }
0x38: {  	v7 =	vmul.f32 v5, v45;
	_ =	sdelay $0x1  }
0x39: {  	v7 =	vmul.f32 v5, v7;
	_ =	sdelay $0x1  }
0x3a: {  	v7 =	vsub.f32 $1.500000000e+00, v7;
	_ =	sdelay $0x1  }
0x3b: {  	v5 =	vmul.f32 v5, v7;
	_ =	sdelay $0x1  }
0x3c: {  	v7 =	vmul.f32 v5, v45;
	_ =	sdelay $0x1  }
0x3d: {  	v7 =	vmul.f32 v7, v5;
	_ =	sdelay $0x1  }
0x3e: {  	v7 =	vsub.f32 $1.500000000e+00, v7;
	_ =	sdelay $0x1  }
0x3f: {  	v5 =	vmul.f32 v7, v5;
	_ =	sdelay $0x1  }
0x40: {  	v6 =	vmul.f32 v5, v45;
	_ =	sdelay $0x1  }
0x41: {  	v6 =	vmul.f32 v6, v5;
	_ =	sdelay $0x1  }
0x42: {  	v6 =	vsub.f32 $1.500000000e+00, v6;
	_ =	sdelay $0x1  }
0x43: {  	v5 =	vmul.f32 v6, v5;
	_ =	sdelay $0x1  }
0x44: {  	v4 =	vmul.f32 v5, v4;
	v48 =	vmul.f32 v5, v1  }
0x45: {  	v2 =	vmul.f32 v5, v2;
	v3 =	vmul.f32 v5, v3  }
0x46: {  	v46 =	vmul.f32 $5.000000070e-02, v4;
	v49 =	vmul.f32 $1.732050780e+00, v48  }
0x47: {  	v50 =	vmul.f32 v3, v3;
	v51 =	vmul.f32 $1.732050780e+00, v2  }
0x48: {  	v9 =	vmul.f32 $3.872983460e+00, v48;
	v10 =	vmul.f32 $3.872983460e+00, v2;
	v6 =	vmax.f32 v46, $0.0e+00  }
0x49: {  	v11 =	vmul.f32 $1.732050780e+00, v3;
	v14 =	vmul.f32 $3.000000000e+00, v48;
	v6 =	vmin.f32 v6, $1.000000000e+00  }
0x4a: {  	v15 =	vmul.f32 v48, v48;
	v16 =	vmul.f32 v2, v2;
	v6 =	vadd.f32 $-5.000000000e-01, v6  }
0x4b: {  	v17 =	vmul.f32 $2.091650010e+00, v2;
	v52 =	vmul.f32 $1.024695110e+01, v48  }
0x4c: {  	v19 =	vmul.f32 $1.620185140e+00, v48;
	v6 =	vmul.f32 $3.141592740e+00, v6  }
0x4d: {  	v24 =	vmul.f32 $4.499999880e-01, v4;
	v25 =	vadd.f32 $-2.222222330e+00, v4;
	v28 =	vadd.f32 $-4.444444660e+00, v4  }
0x4e: {  	v29 =	vadd.f32 $-6.666666510e+00, v4;
	v12 =	vmul.f32 $3.000000000e+00, v50;
	v47 =	vmul.f32 v6, v6  }
0x4f: {  	v31 =	vadd.f32 $-8.888889310e+00, v4;
	v13 =	vmul.f32 v9, v2;
	v10 =	vmul.f32 v10, v3  }
0x50: {  	v63 =	vadd.f32 $-1.333333300e+01, v4;
	v9 =	vmul.f32 v9, v3;
	v8 =	vmul.f32 $2.755731880e-06, v47  }
0x51: {  	v35 =	vadd.f32 $-1.777777860e+01, v4;
	v14 =	vmul.f32 v14, v48;
	v24 =	vmul.f32 v24, v24  }
0x52: {  	v25 =	vmul.f32 $4.499999880e-01, v25;
	v28 =	vmul.f32 $4.499999880e-01, v28;
	v8 =	vadd.f32 $-1.984127010e-04, v8  }
0x53: {  	v15 =	vsub.f32 v15, v16;
	v29 =	vmul.f32 $4.499999880e-01, v29;
	v31 =	vmul.f32 $4.499999880e-01, v31  }
0x54: {  	v34 =	vmul.f32 $4.499999880e-01, v63;
	v8 =	vmul.f32 v8, v47  }
0x55: {  	v38 =	vmul.f32 $4.499999880e-01, v35;
	v14 =	vsub.f32 v14, v16;
	v18 =	vmul.f32 $1.936491730e+00, v15  }
0x56: {  	v16 =	vmul.f32 v52, v2;
	v2 =	vmul.f32 $1.620185140e+00, v2;
	v8 =	vadd.f32 $8.333333770e-03, v8  }
0x57: {  	v20 =	vmul.f32 $5.123475550e+00, v15;
	v25 =	vmul.f32 v25, v25  }
0x58: {  	v12 =	vadd.f32 $-1.000000000e+00, v12;
	v28 =	vmul.f32 v28, v28;
	v8 =	vmul.f32 v8, v47  }
0x59: {  	v24 =	vsub.f32 $0.0e+00, v24;
	v29 =	vmul.f32 v29, v29;
	v31 =	vmul.f32 v31, v31  }
0x5a: {  	v41 =	vmul.f32 v38, v38;
	v12 =	vmul.f32 $1.118034010e+00, v12;
	v8 =	vadd.f32 $-1.666666720e-01, v8  }
0x5b: {  	v61 =	vadd.f32 $-1.111111070e+01, v4;
	v14 =	vmul.f32 v14, v17;
	v24 =	vmul.f32 $1.442695020e+00, v24  }
0x5c: {  	v25 =	vsub.f32 $0.0e+00, v25;
	v28 =	vsub.f32 $0.0e+00, v28;
	v7 =	vmul.f32 v8, v47  }
0x5d: {  	v16 =	vmul.f32 v16, v3;
	v58 =	vsub.f32 $0.0e+00, v29;
	v31 =	vsub.f32 $0.0e+00, v31  }
0x5e: {  	(erf) = vpow2.f32 v24;
	v57 =	vmul.f32 $1.442695020e+00, v25;
	v7 =	vadd.f32 $1.000000000e+00, v7  }
0x5f: {  	v28 =	vmul.f32 $1.442695020e+00, v28;
	v60 =	vmul.f32 $1.442695020e+00, v58;
	v25 =	vadd.f32 $-1.555555530e+01, v4  }
0x60: {  	v62 =	vmul.f32 $1.442695020e+00, v31;
	v4 =	vadd.f32 $-2.000000000e+01, v4;
	v6 =	vmul.f32 v7, v6  }
0x61: {  	(erf) = vpow2.f32 v57;
	v36 =	vmul.f32 $4.499999880e-01, v25  }
0x62: {  	v4 =	vmul.f32 $4.499999880e-01, v4;
	v1 =	vsub.f32 $1.000000000e+00, v6;
	v6 =	vmul.f32 $5.000000000e+00, v50  }
0x63: {  	v54 =	vmov s0;
	(erf) = vpow2.f32 v28;
	v39 =	vmul.f32 v36, v36  }
0x64: {  	(erf) = vpow2.f32 v60;
	v4 =	vmul.f32 v4, v4;
	v53 =	vadd.f32 $-1.000000000e+00, v6  }
0x65: {  	v24 =	vmul.f32 $4.499999880e-01, v61;
	(erf) = vpow2.f32 v62;
	v42 =	vsub.f32 $0.0e+00, v39  }
0x66: {  	v4 =	vsub.f32 $0.0e+00, v4;
	v17 =	vmul.f32 v53, v19;
	v19 =	vshll.u32 v54, $0x5  }
0x67: {  	v44 =	vmul.f32 $1.442695020e+00, v42;
	v7 =	vmul.f32 $2.091650010e+00, v48;
	v19 =	vor.u32 v0, v19  }
0x68: {  	v4 =	vmul.f32 $1.442695020e+00, v4;
	v1 =	vmul.f32 $5.000000000e-01, v1;
	v55 =	vor.u32 $0x1, v19  }
0x69: {  	v7 =	vmul.f32 v15, v7;
	v6 =	vadd.f32 $-3.000000000e+00, v6;
	v56 =	vor.u32 $0x2, v19  }
0x6a: {  	v5 =	vmul.f32 v1, v49;
	v8 =	vmul.f32 v1, v51;
	v21 =	vor.u32 $0x3, v19  }
0x6b: {  	v11 =	vmul.f32 v1, v11;
	v13 =	vmul.f32 v1, v13;
	v22 =	vor.u32 $0x4, v19  }
0x6c: {  	v10 =	vmul.f32 v1, v10;
	v12 =	vmul.f32 v1, v12;
	v23 =	vor.u32 $0x5, v19;
	[tilespmem:v19+s25+$0x0] =	vst.idx.msk $0xffff, v1  }
0x6d: {  	v9 =	vmul.f32 v1, v9;
	v18 =	vmul.f32 v1, v18;
	v26 =	vor.u32 $0x6, v19;
	[tilespmem:v55+s25+$0x0] =	vst.idx.msk $0xffff, v5  }
0x6e: {  	v14 =	vmul.f32 v1, v14;
	v2 =	vmul.f32 v53, v2;
	v27 =	vor.u32 $0x7, v19;
	[tilespmem:v56+s25+$0x0] =	vst.idx.msk $0xffff, v8  }
0x6f: {  	v6 =	vmul.f32 $1.322875620e+00, v6;
	v30 =	vor.u32 $0x8, v19;
	v5 =	vmul.f32 v24, v24;
	[tilespmem:v21+s25+$0x0] =	vst.idx.msk $0xffff, v11  }
0x70: {  	v16 =	vmul.f32 v1, v16;
	v32 =	vor.u32 $0x9, v19;
	v8 =	vmul.f32 v34, v34;
	[tilespmem:v22+s25+$0x0] =	vst.idx.msk $0xffff, v13  }
0x71: {  	v2 =	vmul.f32 v1, v2;
	v33 =	vor.u32 $0xA, v19;
	v5 =	vsub.f32 $0.0e+00, v5;
	[tilespmem:v23+s25+$0x0] =	vst.idx.msk $0xffff, v10  }
0x72: {  	v6 =	vmul.f32 v6, v3;
	v59 =	vor.u32 $0xB, v19;
	v8 =	vsub.f32 $0.0e+00, v8;
	[tilespmem:v26+s25+$0x0] =	vst.idx.msk $0xffff, v12  }
0x73: {  	v3 =	vmul.f32 v20, v3;
	v37 =	vor.u32 $0xC, v19;
	v5 =	vmul.f32 $1.442695020e+00, v5;
	[tilespmem:v27+s25+$0x0] =	vst.idx.msk $0xffff, v9  }
0x74: {  	v40 =	vor.u32 $0xD, v19;
	v8 =	vmul.f32 $1.442695020e+00, v8;
	v12 =	vsub.f32 $0.0e+00, v41;
	[tilespmem:v30+s25+$0x0] =	vst.idx.msk $0xffff, v18  }
0x75: {  	v43 =	vor.u32 $0xE, v19;
	v6 =	vmul.f32 v1, v6;
	(erf) = vpow2.f32 v5;
	[tilespmem:v32+s25+$0x0] =	vst.idx.msk $0xffff, v14  }
0x76: {  	v45 =	vor.u32 $0xF, v19;
	(erf) = vpow2.f32 v8;
	v46 =	vmul.f32 $1.442695020e+00, v12;
	[tilespmem:v33+s25+$0x0] =	vst.idx.msk $0xffff, v16  }
0x77: {  	v17 =	vmul.f32 v1, v17;
	(erf) = vpow2.f32 v44;
	[tilespmem:v59+s25+$0x0] =	vst.idx.msk $0xffff, v2;
	v2 =	vor.u32 $0x10, v19  }
0x78: {  	v47 =	vor.u32 $0x11, v19;
	v3 =	vmul.f32 v1, v3;
	(erf) = vpow2.f32 v46;
	[tilespmem:v37+s25+$0x0] =	vst.idx.msk $0xffff, v6  }
0x79: {  	v48 =	vpop (erf);
	v49 =	vor.u32 $0x12, v19;
	v1 =	vmul.f32 v1, v7;
	(erf) = vpow2.f32 v4;
	[tilespmem:v40+s25+$0x0] =	vst.idx.msk $0xffff, v17  }
0x7a: {  	v50 =	vpop (erf);
	v51 =	vor.u32 $0x13, v19;
	[tilespmem:v43+s25+$0x0] =	vst.idx.msk $0xffff, v3;
	v3 =	vmul.f32 $3.162277700e+00, v48  }
0x7b: {  	v52 =	vpop (erf);
	v53 =	vor.u32 $0x14, v19;
	[tilespmem:v45+s25+$0x0] =	vst.idx.msk $0xffff, v1;
	v1 =	vmul.f32 $3.162277700e+00, v50  }
0x7c: {  	v54 =	vpop (erf);
	[tilespmem:v2+s25+$0x0] =	vst.idx.msk $0xffff, v3;
	v2 =	vmul.f32 $3.162277700e+00, v52;
	v3 =	vor.u32 $0x15, v19  }
0x7d: {  	v55 =	vpop (erf);
	v56 =	vor.u32 $0x16, v19;
	[tilespmem:v47+s25+$0x0] =	vst.idx.msk $0xffff, v1;
	v1 =	vmul.f32 $3.162277700e+00, v54  }
0x7e: {  	v58 =	vor.u32 $0x17, v19;
	v57 =	vpop (erf);
	[tilespmem:v49+s25+$0x0] =	vst.idx.msk $0xffff, v2;
	v2 =	vmul.f32 $3.162277700e+00, v55  }
0x7f: {  	v60 =	vor.u32 $0x18, v19;
	v59 =	vpop (erf);
	[tilespmem:v51+s25+$0x0] =	vst.idx.msk $0xffff, v1;
	v1 =	vmul.f32 $3.162277700e+00, v57  }
0x80: {  	p0 =	sne.s32 s0, $0x270;
	v62 =	vor.u32 $0x19, v19;
	v61 =	vpop (erf);
	[tilespmem:v53+s25+$0x0] =	vst.idx.msk $0xffff, v2;
	v2 =	vmul.f32 $3.162277700e+00, v59  }
.Ltmp0:
0x81: {  	v63 =	vpop (erf);
	[tilespmem:v3+s25+$0x0] =	vst.idx.msk $0xffff, v1;
	v1 =	vmul.f32 $3.162277700e+00, v61;
	(pc) =	sbr.rel @p0 .LBB2_3-.Ltmp0, $4  }
0x82: {  	v3 =	vpop (erf);
	[tilespmem:v56+s25+$0x0] =	vst.idx.msk $0xffff, v2;
	v2 =	vmul.f32 $3.162277700e+00, v63  }
0x83: {  	[tilespmem:v58+s25+$0x0] =	vst.idx.msk $0xffff, v1;
	v1 =	vmul.f32 $3.162277700e+00, v3  }
0x84: {  	[tilespmem:v60+s25+$0x0] =	vst.idx.msk $0xffff, v2  }
0x85: {  	s2 =	sadd.s32 $0x10, s2;
	s0 =	sadd.s32 $0x10, s0;
	[tilespmem:v62+s25+$0x0] =	vst.idx.msk $0xffff, v1  }
0x86: {  	_ =	swait.ge [sflag:s26], $0x1000  }
0x87: {  	[sflag:s26] =	ssyncset.done $0x0  }
0x88: {  	[sflag:s26] =	ssyncadd.s32 $0xFFFFF000  }
0x89: {  	_ =	swait.ge [sflag:s26], $0x1000  }
0x8a: {  	[sflag:s26] =	ssyncset.done $0x0  }
0x8b: {  	[sflag:s26] =	ssyncadd.s32 $0xFFFFF000  }
0x8c: {  	_ =	swait.ge [sflag:s26], $0x1000  }
0x8d: {  	[sflag:s26] =	ssyncset.done $0x0  }
0x8e: {  	[sflag:s26] =	ssyncadd.s32 $0xFFFFF000  }
0x8f: {  	_ =	swait.ge [sflag:s26], $0x1000  }
0x90: {  	[sflag:s26] =	ssyncset.done $0x0  }
0x91: {  	s0 =	smul.u32 $0x14000, s31;
	[sflag:s26] =	ssyncadd.s32 $0xFFFFF000  }
0x92: {  	_ =	swait.ge [sflag:s26], $0x1000  }
0x93: {  	s0 =	sshrl.u32 s0, $0x3;
	[sflag:s26] =	ssyncset.done $0x0  }
0x94: {  	s2 =	sadd.s32 s7, s0;
	[sflag:s26] =	ssyncadd.s32 $0xFFFFF000  }
0x95: {  	[hbm4b:s2+s28] =	stream.strided.scatter [tilespmem:s25], [sflag:$0x2], $0x5000, s15, s28, $0x38;
	[tilespmem:$0x14140] =	vst v63  }
0x96: {  	s30 =	sadd.s32 $0x1, s30;
	_ =	swait.ge [sflag:s11], $0x5000  }
0x97: {  	p0 =	sne.s32 s30, s9;
	[sflag:s11] =	ssyncset.done $0x0  }
.Ltmp1:
0x98: {  	s0 =	sadd.s32 s0, s8;
	[sflag:s11] =	ssyncadd.s32 $0xFFFFB000;
	(pc) =	sbr.rel @p0 .LBB2_2-.Ltmp1, $4  }
0x99: {  	[hbm4b:s0+s28] =	stream.strided.scatter [tilespmem:s16], [sflag:$0x2], $0x5000, s15, s28, $0x38;
	[tilespmem:$0x14140] =	vst v63  }
0x9a: {  	_ =	swait.ge [sflag:s11], $0x5000  }
0x9b: {  	[sflag:s11] =	ssyncset.done $0x0  }
0x9c: {  	[sflag:s11] =	ssyncadd.s32 $0xFFFFB000  }
0x9d: {  	s29 =	sadd.s32 $0x1, s29  }
0x9e: {  	p0 =	sne.s32 s29, s10  }
.Ltmp2:
0x9f: {  	_ = 	snop;
	(pc) =	sbr.rel @p0 .LBB2_1-.Ltmp2, $1  }
0xa0: {  	_ =	sdelay $0x3  }
0xa1: {  	_ =	sfence.sel $0x180000  }
0xa2: {  	[bflag:$0x0] =	sbarrier.arrive $0xFFFF  }
0xa3: {  	_ =	strace $0x90000047  }
0xa4: {  	s0 =	stileid.u32;
	[bflag:$0x2] =	sbarrier.arrive $0xFFFF  }
0xa5: {  	p0 =	sne.s32 s0, $0x0;
	s0 =	rddreg [dreg:$0x1]  }
0xa6: {  	s0 =	sadd.s32 @!p0 $0x100000, s0  }
0xa7: {  	[sflag:s0] =	ssyncadd.tile.s32 @!p0 $0x1;
	_ =	shalt  }
.Lfunc_end2:
_tile_overlayer_lowered:
.L_overlay_start_2:
0xa8: {  	(tag) =	ssettag $0x2  }
0xa9: {  	s0 =	rddreg [dreg:$0x0];
	s2 =	stileid.u32  }
0xaa: {  	s1 =	rddreg [dreg:$0x1];
	p0 =	sne.s32 s2, $0x0  }
0xab: {  	s3 =	rddreg [dreg:$0x2];
	[bflag:$0x3] =	sbarrier.arrive $0xFFFF;
	s2 =	simm.s32 @!p0 $0x1C02  }
0xac: {  	[timem:s3], [sflag:s2] =	dma.local @!p0 [hbm:s0], s1  }
0xad: {  	s0 =	simm.s32 @!p0 $0x2  }
0xae: {  	_ =	swait.ge @!p0 [sflag:s0], s1  }
0xaf: {  	s1 =	ssub.s32 @!p0 $0x0, s1;
	[sflag:s0] =	ssyncset.done @!p0 $0x0  }
0xb0: {  	[sflag:s0] =	ssyncadd.s32 @!p0 s1  }
0xb1: {  	[bflag:$0x3] =	sbarrier.arrive $0xFFFF  }
0xb2: {  	_ =	shalt  }

// kernel: kernel.9.cloned.1.call-start
scs
__scs_entry_jumppad:
0x0: {  	(pc) =	sbr.rel $0x88, $3  }
0x1: {  	(tag) =	ssettag $0x0;
	lr =	simm.s32 $0x1  }
0x2: {  	[smem:$0x3F91] =	sst lr;
	_ =	strace $0xD0000000  }
0x3: {  	_ = 	snop  }
0x4: {  	_ = 	snop  }
0x5: {  	_ = 	snop  }
0x6: {  	_ = 	snop  }
0x7: {  	_ = 	snop  }
__scs_overlays_trampoline_lowered:
0x8: {  	[smem:$0x3FA0] =	sst s0  }
0x9: {  	[smem:$0x3FA1] =	sst s1  }
0xa: {  	[smem:$0x3FA2] =	sst s2  }
0xb: {  	[smem:$0x3FA3] =	sst s3  }
0xc: {  	[smem:$0x3FA4] =	sst s4  }
0xd: {  	[smem:$0x3FA5] =	sst s5  }
0xe: {  	[smem:$0x3FA6] =	sst s6  }
0xf: {  	[smem:$0x3FA7] =	sst s7  }
0x10: {  	[smem:$0x3FA8] =	sst s8  }
0x11: {  	[smem:$0x3FA9] =	sst s9;
	s0 =	simm.s32 @!p0 $0x0  }
0x12: {  	s1 =	sld [smem:$0x3F8F];
	s0 =	simm.s32 @p0 $0x1  }
0x13: {  	[smem:$0x3FAA] =	sst s0;
	s0 =	simm.s32 @!p1 $0x0  }
0x14: {  	s2 =	sld [smem:$0x3F8E];
	s0 =	simm.s32 @p1 $0x1  }
0x15: {  	[smem:$0x3FAB] =	sst s0;
	s0 =	simm.s32 @!p2 $0x0  }
0x16: {  	s3 =	sld [smem:$0x3FDB];
	s0 =	simm.s32 @p2 $0x1  }
0x17: {  	s4 =	simm.s32 $0x1BF5;
	[smem:$0x3FAD] =	sst s0  }
0x18: {  	s0 =	sld [smem:$0x3F90];
	_ =	swait.ge [sflag:s4], $0x0  }
0x19: {  	s7 =	sld [smem:$0x3F91]  }
0x1a: {  	s8 =	sadd.s32 $0xFFFFE003, lr  }
0x1b: {  	s9 =	sadd.s32 $0xFFFFFEF7, lr;
	s5 =	simm.s32 $0xFFFFFFFF;
	p2 =	slt.u32 s8, $0xFFFFF086  }
0x1c: {  	p1 =	slt.u32 s9, $0xF7A;
	s5 =	simm.s32 @!p2 $0x0  }
0x1d: {  	s5 =	simm.s32 @p1 $0x1;
	p0 =	seq.s32 s7, s2  }
0x1e: {  	s7 =	smul.u32 @!p0 $0xF7A, s2;
	p2 =	seq.s32 @!p0 s5, $0x0  }
0x1f: {  	s9 =	smul.u32 $0xF7A, s1;
	s8 =	simm.s32 @!p0 $0x1BF5;
	p2 =	por !p2, p0  }
0x20: {  	[sflag:s8] =	ssyncset.s32 @!p0 $0xFFFFF086;
	s6 =	sadd.s32 @!p0 s3, s7;
	s7 =	simm.s32 @!p0 $0x108  }
0x21: {  	s3 =	sadd.s32 s3, s9;
	s6 =	sadd.s32 @!p0 $0x88, s6;
	s7 =	simm.s32 @p2 $0x1082  }
0x22: {  	[simem:s7], [sflag:s8] =	dma.local @!p0 [hbm:s6], $0xF7A  }
0x23: {  	s9 =	sor.u32 $0xD0000000, s2;
	s6 =	simm.s32 $0x108;
	_ =	swait.ge @!p0 [sflag:s8], $0x0  }
0x24: {  	s3 =	sadd.s32 $0x88, s3;
	s6 =	simm.s32 @!p1 $0x1082;
	[sflag:s4] =	ssyncset.s32 $0xFFFFF086  }
0x25: {  	[simem:s6], [sflag:s4] =	dma.local [hbm:s3], $0xF7A  }
0x26: {  	[smem:$0x3F91] =	sst s1;
	(tag) =	ssettag s2;
	_ =	strace s9  }
0x27: {  	s1 =	sld [smem:$0x3FA1]  }
0x28: {  	s2 =	sld [smem:$0x3FA2]  }
0x29: {  	s4 =	sld [smem:$0x3FA4]  }
0x2a: {  	p0 =	seq.s32 s5, $0x0;
	s5 =	sld [smem:$0x3FA5]  }
0x2b: {  	s6 =	sld [smem:$0x3FA6]  }
0x2c: {  	s7 =	sld [smem:$0x3FA7]  }
0x2d: {  	s3 =	simm.s32 $0x108;
	s8 =	sld [smem:$0x3FA8]  }
0x2e: {  	s3 =	simm.s32 @!p0 $0x1082;
	s9 =	sld [smem:$0x3FA9]  }
0x2f: {  	lr =	sadd.s32 s0, s3;
	s0 =	sld [smem:$0x3FA0]  }
0x30: {  	s3 =	sld [smem:$0x3FA3]  }
0x31: {  	[smem:$0x3FAC] =	sst s10  }
0x32: {  	s10 =	sld [smem:$0x3FAA];
	_ =	sdelay $0x3  }
0x33: {  	p0 =	seq.s32 s10, $0x1;
	s10 =	sld [smem:$0x3FAC];
	_ =	sdelay $0x3  }
0x34: {  	[smem:$0x3FAC] =	sst s10  }
0x35: {  	s10 =	sld [smem:$0x3FAB];
	_ =	sdelay $0x3  }
0x36: {  	p1 =	seq.s32 s10, $0x1;
	s10 =	sld [smem:$0x3FAC];
	_ =	sdelay $0x3  }
0x37: {  	[smem:$0x3FAC] =	sst s10  }
0x38: {  	s10 =	sld [smem:$0x3FAD]  }
0x39: {  	_ = 	snop;
	(pc) =	sbr.ind lr, $3  }
0x3a: {  	_ = 	snop  }
0x3b: {  	_ = 	snop  }
0x3c: {  	p2 =	seq.s32 s10, $0x1;
	s10 =	sld [smem:$0x3FAC]  }
0x3d: {  	_ =	shalt  }
0x3e: {  	_ =	shalt  }
0x3f: {  	_ =	shalt  }
0x40: {  	_ =	shalt  }
0x41: {  	_ =	shalt  }
0x42: {  	_ =	shalt  }
0x43: {  	_ =	shalt  }
0x44: {  	_ =	shalt  }
0x45: {  	_ =	shalt  }
0x46: {  	_ =	shalt  }
0x47: {  	_ =	shalt  }
0x48: {  	_ =	shalt  }
0x49: {  	_ =	shalt  }
0x4a: {  	_ =	shalt  }
0x4b: {  	_ =	shalt  }
0x4c: {  	_ =	shalt  }
0x4d: {  	_ =	shalt  }
0x4e: {  	_ =	shalt  }
0x4f: {  	_ =	shalt  }
0x50: {  	_ =	shalt  }
0x51: {  	_ =	shalt  }
0x52: {  	_ =	shalt  }
0x53: {  	_ =	shalt  }
0x54: {  	_ =	shalt  }
0x55: {  	_ =	shalt  }
0x56: {  	_ =	shalt  }
0x57: {  	_ =	shalt  }
0x58: {  	_ =	shalt  }
0x59: {  	_ =	shalt  }
0x5a: {  	_ =	shalt  }
0x5b: {  	_ =	shalt  }
0x5c: {  	_ =	shalt  }
0x5d: {  	_ =	shalt  }
0x5e: {  	_ =	shalt  }
0x5f: {  	_ =	shalt  }
0x60: {  	_ =	shalt  }
0x61: {  	_ =	shalt  }
0x62: {  	_ =	shalt  }
0x63: {  	_ =	shalt  }
0x64: {  	_ =	shalt  }
0x65: {  	_ =	shalt  }
0x66: {  	_ =	shalt  }
0x67: {  	_ =	shalt  }
0x68: {  	_ =	shalt  }
0x69: {  	_ =	shalt  }
0x6a: {  	_ =	shalt  }
0x6b: {  	_ =	shalt  }
0x6c: {  	_ =	shalt  }
0x6d: {  	_ =	shalt  }
0x6e: {  	_ =	shalt  }
0x6f: {  	_ =	shalt  }
0x70: {  	_ =	shalt  }
0x71: {  	_ =	shalt  }
0x72: {  	_ =	shalt  }
0x73: {  	_ =	shalt  }
0x74: {  	_ =	shalt  }
0x75: {  	_ =	shalt  }
0x76: {  	_ =	shalt  }
0x77: {  	_ =	shalt  }
0x78: {  	_ =	shalt  }
0x79: {  	_ =	shalt  }
0x7a: {  	_ =	shalt  }
0x7b: {  	_ =	shalt  }
0x7c: {  	_ =	shalt  }
0x7d: {  	_ =	shalt  }
0x7e: {  	_ =	shalt  }
0x7f: {  	_ =	shalt  }
0x80: {  	_ =	shalt  }
0x81: {  	_ =	shalt  }
0x82: {  	_ =	shalt  }
0x83: {  	_ =	shalt  }
0x84: {  	_ =	shalt  }
0x85: {  	_ =	shalt  }
0x86: {  	_ =	shalt  }
0x87: {  	_ =	shalt  }
.Lfunc_end0:
.L_simem_size_0:
called_computation.1_lowered:
.L_overlay_start_0:
0x88: {  	s2 =	sld [smem:$0x3FD9]  }
0x89: {  	s3 =	sld [smem:$0x3FFE];
	_ =	sdelay $0x1  }
0x8a: {  	s1 =	srdreg.scid  }
0x8b: {  	s0 =	sand.u32 $0x1, s1  }
0x8c: {  	s16 =	sshll.u32 s0, $0xA;
	s2 =	sadd.s32 s3, s2  }
0x8d: {  	s2 =	sadd.s32 s2, s16  }
0x8e: {  	[smem:$0x3FB8] =	sst s2  }
0x8f: {  	_ = 	snop  }
0x90: {  	(tm) =	ssettm $0x1  }
0x91: {  	s17 =	sld [smem:$0x3FFB];
	_ =	sdelay $0x3  }
0x92: {  	_ =	strace s17  }
0x93: {  	s2 =	sld [smem:$0x3FFC];
	_ =	sdelay $0x3  }
0x94: {  	_ =	strace s2  }
0x95: {  	s2 =	sld [smem:$0x3FFD];
	_ =	sdelay $0x3  }
0x96: {  	_ =	strace s2  }
0x97: {  	_ =	strace $0x8FFFFFFF  }
0x98: {  	s18 =	sld [smem:$0x3FDB];
	_ =	sdelay $0x1  }
0x99: {  	s19 =	simm.s32 $_scs_section_size  }
0x9a: {  	s4 =	simm.s32 $_size__tile_overlayer_lowered;
	s5 =	simm.s32 $_tile_overlayer_lowered  }
0x9b: {  	s22 =	simm.s32 $0x1BFF;
	s21 =	sshll.u32 s5, $0x1;
	s2 =	sadd.s32 s19, s18  }
0x9c: {  	s6 =	simm.s32 $0x0;
	s20 =	sshll.u32 s4, $0x1;
	s4 =	sadd.s32 s21, s2  }
0x9d: {  	[timem:s6], [sflag:s22] =	dma.local [hbm:s4], s20  }
0x9e: {  	_ =	swait.ge [sflag:s22], s20  }
0x9f: {  	s3 =	ssub.s32 $0x0, s20;
	[sflag:s22] =	ssyncset.done $0x0  }
0xa0: {  	[sflag:s22] =	ssyncadd.s32 s3;
	_ =	sdelay $0x1  }
0xa1: {  	s23 =	simm.s32 $0x1B8B  }
0xa2: {  	_ =	swait.ge [sflag:s23], $0x1  }
0xa3: {  	[sflag:s23] =	ssyncset.done $0x0  }
0xa4: {  	s25 =	simm.s32 $0x1B8E;
	s24 =	sld [smem:$0x3FFE];
	[sflag:s23] =	ssyncadd.s32 $0xFFFFFFFF  }
0xa5: {  	s26 =	simm.s32 $execute0_lowered;
	[smem:$0x3FD2] =	sst s25  }
0xa6: {  	s4 =	sshll.u32 s26, $0x1;
	_ =	strace $0x80000049;
	[dreg:$0x1] =	wrdreg $0xFFFFFFFF  }
0xa7: {  	s28 =	simm.s32 $_size_execute0_lowered;
	s2 =	sadd.s32 s2, s4;
	[dreg:$0x0] =	wrdreg $0x0  }
0xa8: {  	s4 =	sshll.u32 s28, $0x1;
	[dreg:$0x2] =	wrdreg s2  }
0xa9: {  	[dreg:$0x3] =	wrdreg s4  }
0xaa: {  	[dreg:$0x4] =	wrdreg $0xC0  }
0xab: {  	_ =	task [dreg:s6], $0x5FFFF  }
0xac: {  	[dreg:$0x1] =	wrdreg $0xFFFFFFFF  }
0xad: {  	[dreg:$0x0] =	wrdreg $0x60  }
0xae: {  	[dreg:$0x2] =	wrdreg s24  }
0xaf: {  	[dreg:$0x3] =	wrdreg $0xA2000  }
0xb0: {  	[dreg:$0x4] =	wrdreg $0x9  }
0xb1: {  	_ =	task.clear_ibuf [dreg:s6], $0x5FFFF;
	_ =	strace $0x90000049  }
0xb2: {  	s29 =	simm.s32 $0x9;
	_ =	strace $0x8000004B  }
0xb3: {  	_ =	swait.ge [sflag:s29], $0x1  }
0xb4: {  	[sflag:s29] =	ssyncadd.s32 $0xFFFFFFFF  }
0xb5: {  	_ =	strace $0x9000004B  }
0xb6: {  	_ =	sfence  }
0xb7: {  	s30 =	sld [smem:$0x0];
	_ =	sdelay $0x2  }
0xb8: {  	s31 =	sshll.u32 s1, $0xD;
	s1 =	sshrl.u32 s1, $0x2  }
0xb9: {  	s3 =	sand.u32 $0x4000, s31;
	s1 =	sadd.s32 s1, s30  }
0xba: {  	s0 =	sor.u32 s3, s0;
	s1 =	sshll.u32 s1, $0x11  }
0xbb: {  	s0 =	sor.u32 s1, s0  }
0xbc: {  	s0 =	sadd.s32 $0x8F2B, s0  }
0xbd: {  	[sflag:s0] =	ssyncadd.remote.s32 $0x1  }
0xbe: {  	_ =	sfence.sel $0xFFFF  }
0xbf: {  	[dreg:$0x0] =	wrdreg $0xFFFFFFFF;
	(pc) =	sbr.abs _section_cstart, $3  }
0xc0: {  	[dreg:$0x1] =	wrdreg $0xFFFFFFFF  }
0xc1: {  	_ =	task.clear_ibuf [dreg:s6], $0x2FFFF;
	_ =	strace $0x9FFFFFFF  }
0xc2: {  	(tm) =	ssettm $0x7FFFFFFF  }
0xc3: {  	_ =	shalt  }
tec
execute0_lowered:
.L_overlay_start_1:
0x0: {  	(tag) =	ssettag $0x1  }
0x1: {  	s6 =	rddreg [dreg:$0x0]  }
0x2: {  	s1 =	rddreg [dreg:$0x1]  }
0x3: {  	s0 =	rddreg [dreg:$0x2];
	s2 =	simm.s32 $0x0  }
0x4: {  	s3 =	srdreg.scid;
	s21 =	stileid.u32;
	s12 =	simm.s32 $0x1  }
0x5: {  	s13 =	simm.s32 $0x50;
	s14 =	simm.s32 $0x80;
	s15 =	simm.s32 $0x200  }
0x6: {  	s16 =	simm.s32 $0x2A00;
	s17 =	simm.s32 $0x100;
	s18 =	simm.s32 $0x5200  }
0x7: {  	s19 =	simm.s32 $0x180;
	s20 =	simm.s32 $0x7A00;
	s23 =	simm.s32 $0x0  }
0x8: {  	[smem:$0x7FF] =	sst s2;
	s10 =	sand.u32 $0x1, s3;
	s7 =	smul.u32 $0x186A, s21  }
0x9: {  	s3 =	sadd.s32 $0x534000, s6;
	s4 =	sadd.s32 $0x52A200, s6;
	s9 =	smul.u32 $0x30D40, s21  }
0xa: {  	s29 =	sshll.u32 s21, $0x1;
	s30 =	sshll.u32 s21, $0x7;
	s31 =	sshll.u32 s21, $0xE  }
0xb: {  	p0 =	sne.s32 s21, $0x0;
	s21 =	sshll.u32 s21, $0x6;
	s5 =	smul.u32 $0x186A0, s10  }
0xc: {  	_ =	strace $0x8000004A;
	s8 =	ssub.s32 $0x2, s10;
	s11 =	sshll.u32 s10, $0x6  }
0xd: {  	s21 =	sor.u32 $0x1C01, s21;
	s28 =	sshrl.u32 s8, $0x1;
	s9 =	sshrl.u32 s9, $0x2  }
0xe: {  	s7 =	sadd.s32 s7, s5;
	s5 =	sadd.s32 $0x29600, s6;
	s22 =	sadd.s32 s9, s1  }
0xf: {  	s9 =	sor.u32 s11, s30;
	s11 =	sshrl.u32 @!p0 s1, $0x3;
	s6 =	sadd.s32 s7, s6  }
0x10: {  	s7 =	ssub.s32 s8, s28;
	s8 =	sor.u32 s29, s10;
	s10 =	sshll.u32 s10, $0xD  }
0x11: {  	s22 =	sshrl.u32 s22, $0x3;
	s6 =	sadd.s32 $0x41E00, s6;
	s8 =	ssub.s32 $0x290, s8  }
0x12: {  	s7 =	smax.u32 s7, $0x1;
	s10 =	sor.u32 s10, s31;
	s8 =	sshrl.u32 s8, $0x5  }
.LBB2_1:
0x13: {  	s24 =	simm.s32 @!p0 $0x1C01  }
0x14: {  	[spmem:s11], [sflag:s24] =	dma.local @!p0 [hbm:s5], $0x186A0  }
0x15: {  	p2 =	sne.s32 s8, $0x1;
	s24 =	simm.s32 @!p0 $0x1  }
.Ltmp0:
0x16: {  	_ =	swait.ge @!p0 [sflag:s24], $0x186A0;
	(pc) =	sbr.rel @!p2 .LBB2_2-.Ltmp0, $4  }
0x17: {  	[sflag:s24] =	ssyncset.done @!p0 $0x0  }
0x18: {  	[sflag:s24] =	ssyncadd.s32 @!p0 $0xFFFE7960  }
0x19: {  	[bflag:$0x0] =	sbarrier.arrive $0xFFFF  }
0x1a: {  	s28 =	sand.u32 $0x1FFFFFC0, s9;
	p1 =	por $0x0, $0x0;
	s24 =	sadd.s32 $0xFFFFFFFF, s8  }
0x1b: {  	s25 =	sadd.s32 s4, s28  }
0x1c: {  	[tilespmem:s2], [sflag:$0x1] =	stream.linear.gather [hbm4b:s25+s2], $0x200, $0x38;
	[tilespmem:$0x16550] =	vst v63  }
0x1d: {  	_ =	swait.ge [sflag:s12], $0x200  }
0x1e: {  	s31 =	sand.u32 $0x1FFFE000, s10;
	[sflag:s12] =	ssyncset.done $0x0  }
0x1f: {  	s25 =	sadd.s32 s3, s31;
	[sflag:s12] =	ssyncadd.s32 $0xFFFFFE00  }
0x20: {  	[tilespmem:s15], [sflag:$0x1] =	stream.strided.gather [hbm4b:s25+s13], $0xA000, s14, s13, $0x38;
	[tilespmem:$0x16550] =	vst v63  }
0x21: {  	_ =	swait.ge [sflag:s12], $0xA000  }
0x22: {  	[sflag:s12] =	ssyncset.done $0x0  }
0x23: {  	[sflag:s12] =	ssyncadd.s32 $0xFFFF6000  }
0x24: {  	[spmem:s1] =	stream.indirect.scatter.add.f32 [tilespmem:s15], [sflag:$0x1], $0x50, s2, s14, $0xb8;
	[tilespmem:$0x16550] =	vst v63  }
0x25: {  	_ =	swait.ge [sflag:s12], $0x2800  }
0x26: {  	[sflag:s12] =	ssyncset.done $0x0  }
0x27: {  	[sflag:s12] =	ssyncadd.s32 $0xFFFFD800  }
0x28: {  	[spmem:s1] =	stream.indirect.scatter.add.f32 [tilespmem:s16], [sflag:$0x1], $0x50, s14, s14, $0xb8;
	[tilespmem:$0x16550] =	vst v63  }
0x29: {  	_ =	swait.ge [sflag:s12], $0x2800  }
0x2a: {  	[sflag:s12] =	ssyncset.done $0x0  }
0x2b: {  	[sflag:s12] =	ssyncadd.s32 $0xFFFFD800  }
0x2c: {  	[spmem:s1] =	stream.indirect.scatter.add.f32 [tilespmem:s18], [sflag:$0x1], $0x50, s17, s14, $0xb8;
	[tilespmem:$0x16550] =	vst v63  }
0x2d: {  	p2 =	sne.s32 s24, $0x1;
	_ =	swait.ge [sflag:s12], $0x2800  }
.Ltmp1:
0x2e: {  	[sflag:s12] =	ssyncset.done $0x0;
	(pc) =	sbr.rel @!p2 .LBB2_4-.Ltmp1, $4  }
0x2f: {  	s26 =	sadd.s32 $0x800, s9;
	[sflag:s12] =	ssyncadd.s32 $0xFFFFD800  }
0x30: {  	[spmem:s1] =	stream.indirect.scatter.add.f32 [tilespmem:s20], [sflag:$0x1], $0x50, s19, s14, $0xb8;
	[tilespmem:$0x16550] =	vst v63  }
0x31: {  	p1 =	por $0x1, $0x1;
	s28 =	sand.u32 $0x1FFFFFC0, s26;
	_ =	swait.ge [sflag:s12], $0x2800  }
0x32: {  	s25 =	sadd.s32 $0xFFFFFFFF, s24;
	s24 =	smov.u32 s10;
	[sflag:s12] =	ssyncset.done $0x0  }
.LBB2_5:
0x33: {  	s28 =	sadd.s32 s4, s28;
	[sflag:s12] =	ssyncadd.s32 $0xFFFFD800;
	s24 =	sadd.s32 $0x40000, s24  }
0x34: {  	[tilespmem:s2], [sflag:$0x1] =	stream.linear.gather [hbm4b:s28+s2], $0x200, $0x38;
	[tilespmem:$0x16550] =	vst v63  }
0x35: {  	p2 =	sne.s32 s25, $0x1;
	s25 =	sadd.s32 $0xFFFFFFFF, s25;
	_ =	swait.ge [sflag:s12], $0x200  }
0x36: {  	s28 =	sand.u32 $0x1FFFE000, s24;
	[sflag:s12] =	ssyncset.done $0x0  }
0x37: {  	s28 =	sadd.s32 s3, s28;
	[sflag:s12] =	ssyncadd.s32 $0xFFFFFE00  }
0x38: {  	[tilespmem:s15], [sflag:$0x1] =	stream.strided.gather [hbm4b:s28+s13], $0xA000, s14, s13, $0x38;
	[tilespmem:$0x16550] =	vst v63  }
0x39: {  	_ =	swait.ge [sflag:s12], $0xA000  }
0x3a: {  	[sflag:s12] =	ssyncset.done $0x0  }
0x3b: {  	[sflag:s12] =	ssyncadd.s32 $0xFFFF6000  }
0x3c: {  	[spmem:s1] =	stream.indirect.scatter.add.f32 [tilespmem:s15], [sflag:$0x1], $0x50, s2, s14, $0xb8;
	[tilespmem:$0x16550] =	vst v63  }
0x3d: {  	_ =	swait.ge [sflag:s12], $0x2800  }
0x3e: {  	[sflag:s12] =	ssyncset.done $0x0  }
0x3f: {  	[sflag:s12] =	ssyncadd.s32 $0xFFFFD800  }
0x40: {  	[spmem:s1] =	stream.indirect.scatter.add.f32 [tilespmem:s16], [sflag:$0x1], $0x50, s14, s14, $0xb8;
	[tilespmem:$0x16550] =	vst v63  }
0x41: {  	_ =	swait.ge [sflag:s12], $0x2800  }
0x42: {  	[sflag:s12] =	ssyncset.done $0x0  }
0x43: {  	[sflag:s12] =	ssyncadd.s32 $0xFFFFD800  }
0x44: {  	[spmem:s1] =	stream.indirect.scatter.add.f32 [tilespmem:s18], [sflag:$0x1], $0x50, s17, s14, $0xb8;
	[tilespmem:$0x16550] =	vst v63  }
0x45: {  	_ =	swait.ge [sflag:s12], $0x2800  }
.Ltmp2:
0x46: {  	[sflag:s12] =	ssyncset.done $0x0;
	(pc) =	sbr.rel @p2 .LBB2_5-.Ltmp2, $4  }
0x47: {  	[sflag:s12] =	ssyncadd.s32 $0xFFFFD800  }
0x48: {  	[spmem:s1] =	stream.indirect.scatter.add.f32 [tilespmem:s20], [sflag:$0x1], $0x50, s19, s14, $0xb8;
	[tilespmem:$0x16550] =	vst v63  }
0x49: {  	s26 =	sadd.s32 $0x800, s26;
	_ =	swait.ge [sflag:s12], $0x2800  }
0x4a: {  	s28 =	sand.u32 $0x1FFFFFC0, s26;
	[sflag:s12] =	ssyncset.done $0x0  }
.LBB2_6:
0x4b: {  	s25 =	sadd.s32 s4, s28;
	[sflag:s12] =	ssyncadd.s32 @p1 $0xFFFFD800  }
0x4c: {  	[tilespmem:s2], [sflag:$0x1] =	stream.linear.gather [hbm4b:s25+s2], $0x200, $0x38;
	[tilespmem:$0x16550] =	vst v63  }
0x4d: {  	s24 =	sadd.s32 @p1 $0x40000, s24;
	s25 =	smov.u32 s10  }
0x4e: {  	_ =	swait.ge [sflag:s12], $0x200;
	s25 =	smov.u32 @p1 s24  }
0x4f: {  	[sflag:s12] =	ssyncset.done $0x0;
	s24 =	sand.u32 $0x1FFFE000, s25  }
0x50: {  	[sflag:s12] =	ssyncadd.s32 $0xFFFFFE00;
	s24 =	sadd.s32 s3, s24  }
0x51: {  	[tilespmem:s15], [sflag:$0x1] =	stream.strided.gather [hbm4b:s24+s13], $0xA000, s14, s13, $0x38;
	[tilespmem:$0x16550] =	vst v63  }
0x52: {  	_ =	swait.ge [sflag:s12], $0xA000  }
0x53: {  	[sflag:s12] =	ssyncset.done $0x0  }
0x54: {  	[sflag:s12] =	ssyncadd.s32 $0xFFFF6000  }
0x55: {  	[spmem:s1] =	stream.indirect.scatter.add.f32 [tilespmem:s15], [sflag:$0x1], $0x50, s2, s14, $0xb8;
	[tilespmem:$0x16550] =	vst v63  }
0x56: {  	_ =	swait.ge [sflag:s12], $0x2800  }
0x57: {  	[sflag:s12] =	ssyncset.done $0x0  }
0x58: {  	[sflag:s12] =	ssyncadd.s32 $0xFFFFD800  }
0x59: {  	[spmem:s1] =	stream.indirect.scatter.add.f32 [tilespmem:s16], [sflag:$0x1], $0x50, s14, s14, $0xb8;
	[tilespmem:$0x16550] =	vst v63  }
0x5a: {  	_ =	swait.ge [sflag:s12], $0x2800  }
0x5b: {  	[sflag:s12] =	ssyncset.done $0x0  }
0x5c: {  	[sflag:s12] =	ssyncadd.s32 $0xFFFFD800  }
0x5d: {  	[spmem:s1] =	stream.indirect.scatter.add.f32 [tilespmem:s18], [sflag:$0x1], $0x50, s17, s14, $0xb8;
	[tilespmem:$0x16550] =	vst v63  }
0x5e: {  	_ =	swait.ge [sflag:s12], $0x2800  }
0x5f: {  	[sflag:s12] =	ssyncset.done $0x0  }
0x60: {  	[sflag:s12] =	ssyncadd.s32 $0xFFFFD800  }
0x61: {  	[spmem:s1] =	stream.indirect.scatter.add.f32 [tilespmem:s20], [sflag:$0x1], $0x50, s19, s14, $0xb8;
	[tilespmem:$0x16550] =	vst v63  }
0x62: {  	_ =	swait.ge [sflag:s12], $0x2800  }
0x63: {  	[sflag:s12] =	ssyncset.done $0x0  }
0x64: {  	s23 =	sadd.s32 $0x1, s23;
	[sflag:s12] =	ssyncadd.s32 $0xFFFFD800  }
0x65: {  	p1 =	sne.s32 s23, s7;
	[bflag:$0x0] =	sbarrier.arrive $0xFFFF  }
0x66: {  	[hbm:s6], [sflag:s21] =	dma.local [spmem:s22], $0x186A  }
.Ltmp3:
0x67: {  	_ = 	snop;
	(pc) =	sbr.rel @p1 .LBB2_1-.Ltmp3, $4  }
.Ltmp4:
0x68: {  	_ = 	snop;
	(pc) =	sbr.rel @!p1 .LBB2_7-.Ltmp4, $4  }
0x69: {  	_ =	swait.ge [sflag:s12], $0x186A  }
0x6a: {  	[sflag:s12] =	ssyncset.done $0x0  }
0x6b: {  	[sflag:s12] =	ssyncadd.s32 $0xFFFFE796  }
0x6c: {  	_ = 	snop  }
.LBB2_2:
.Ltmp5:
0x6d: {  	(pc) =	sbr.rel .LBB2_6-.Ltmp5, $2  }
0x6e: {  	_ =	sdelay $0x2  }
0x6f: {  	s24 =	smov.u32 s10  }
.LBB2_4:
.Ltmp6:
0x70: {  	(pc) =	sbr.rel .LBB2_6-.Ltmp6, $2  }
0x71: {  	_ =	sdelay $0x2  }
0x72: {  	s24 =	smov.u32 s10  }
.LBB2_7:
0x73: {  	_ =	sfence.sel $0x180000  }
0x74: {  	[bflag:$0x0] =	sbarrier.arrive $0xFFFF  }
0x75: {  	_ =	strace $0x9000004A  }
0x76: {  	s0 =	sadd.s32 @!p0 $0x100000, s0;
	[bflag:$0x2] =	sbarrier.arrive $0xFFFF  }
0x77: {  	[sflag:s0] =	ssyncadd.tile.s32 @!p0 $0x1;
	_ =	shalt  }
.Lfunc_end2:
_tile_overlayer_lowered:
.L_overlay_start_2:
0x78: {  	(tag) =	ssettag $0x2  }
0x79: {  	s0 =	rddreg [dreg:$0x0];
	s2 =	stileid.u32  }
0x7a: {  	s1 =	rddreg [dreg:$0x1];
	p0 =	sne.s32 s2, $0x0  }
0x7b: {  	s3 =	rddreg [dreg:$0x2];
	[bflag:$0x3] =	sbarrier.arrive $0xFFFF;
	s2 =	simm.s32 @!p0 $0x1C01  }
0x7c: {  	[timem:s3], [sflag:s2] =	dma.local @!p0 [hbm:s0], s1  }
0x7d: {  	s0 =	simm.s32 @!p0 $0x1  }
0x7e: {  	_ =	swait.ge @!p0 [sflag:s0], s1  }
0x7f: {  	s1 =	ssub.s32 @!p0 $0x0, s1;
	[sflag:s0] =	ssyncset.done @!p0 $0x0  }
0x80: {  	[sflag:s0] =	ssyncadd.s32 @!p0 s1  }
0x81: {  	[bflag:$0x3] =	sbarrier.arrive $0xFFFF  }
0x82: {  	_ =	shalt  }

</sc_bundles>
